<compile_context>
chip_gen: v7x
topology: tpu7x:2x2x1
jax: 0.10.2.dev20260603
libtpu: 0.0.44.dev20260713+nightly
codegen_flags: <defaults>
</compile_context>

<pallas_src>
import functools

import jax
import jax.numpy as jnp
from jax import lax
from jax.experimental import pallas as pl
from jax.experimental.pallas import tpu as pltpu
from jax.experimental.pallas import tpu_sc as plsc

N = 10000
E = 320000
D = 128
G = 64
H = 64
OUT = 10

NC = 2
NS = 16
L = 16
NW = NC * NS
EW = E // NW
K = 80
NCH = EW // K
KA = 100
NCHA = EW // KA
CPB = 4
NBLK = NCHA // CPB

ZRT = 624
ZB = 48

TB = 1000
NB = N // TB

_mesh = plsc.VectorSubcoreMesh(core_axis_name="c", subcore_axis_name="s")


@functools.partial(
    pl.kernel,
    out_type=jax.ShapeDtypeStruct((NW, N), jnp.float32),
    mesh=_mesh,
    scratch_types=[
        pltpu.VMEM((NCH, K), jnp.int32),
        pltpu.VMEM((N,), jnp.float32),
    ],
    compiler_params=pltpu.CompilerParams(needs_layout_passes=False),
)
def _sc_degree(dst_hbm, out_hbm, idx_d, degv):
    c = lax.axis_index("c")
    s = lax.axis_index("s")
    wid = s * NC + c
    z16 = jnp.zeros((L,), jnp.float32)
    ones16 = jnp.ones((L,), jnp.float32)

    def zero_row(i, carry):
        degv[pl.ds(i * L, L)] = z16
        return carry

    lax.fori_loop(0, N // L, zero_row, 0)
    pltpu.sync_copy(dst_hbm.at[wid], idx_d)

    def count_chunk(j, carry):
        for t in range(K // L):
            idx16 = idx_d[j, pl.ds(t * L, L)]
            plsc.addupdate_scatter(degv, [idx16], ones16)
        return carry

    lax.fori_loop(0, NCH, count_chunk, 0)
    pltpu.sync_copy(degv, out_hbm.at[wid])


@functools.partial(
    pl.kernel,
    out_type=jax.ShapeDtypeStruct((NC, N, D), jnp.float32),
    mesh=_mesh,
    scratch_types=[
        pltpu.VMEM((3, 2, CPB, KA), jnp.int32),
        pltpu.VMEM((3, KA, D), jnp.float32),
        pltpu.VMEM((ZB, D), jnp.float32),
        pltpu.VMEM_SHARED((N, D), jnp.float32),
        pltpu.SemaphoreType.DMA,
        pltpu.SemaphoreType.DMA,
        pltpu.SemaphoreType.DMA,
        pltpu.SemaphoreType.DMA,
    ],
)
def _sc_aggregate(g_hbm, src_hbm, dst_hbm, out_hbm, idx,
                  rows, zbuf, aggS, gsem, ssem, isem, zsem):
    c = lax.axis_index("c")
    s = lax.axis_index("s")
    wid = s * NC + c
    z16 = jnp.zeros((L,), jnp.float32)

    def zero_row(i, carry):
        for j in range(D // L):
            zbuf[i, pl.ds(j * L, L)] = z16
        return carry

    lax.fori_loop(0, ZB, zero_row, 0)
    base = s * ZRT

    def _m3(v):
        return v - 3 * ((v * 43691) >> 17)

    def _gather(j, rb):
        return pltpu.make_async_copy(
            g_hbm.at[idx.at[_m3(j >> 2), 0, j & (CPB - 1)]], rows.at[rb], gsem)

    def _scatter(j, rb):
        return pltpu.make_async_copy(
            rows.at[rb], aggS.at[idx.at[_m3(j >> 2), 1, j & (CPB - 1)]], ssem)

    def _idx_load_s(b):
        return pltpu.make_async_copy(src_hbm.at[wid, b], idx.at[_m3(b), 0],
                                     isem)

    def _idx_load_d(b):
        return pltpu.make_async_copy(dst_hbm.at[wid, b], idx.at[_m3(b), 1],
                                     isem)

    def _zero(t):
        return pltpu.make_async_copy(zbuf, aggS.at[pl.ds(base + t * ZB, ZB)],
                                     zsem)

    def _zero_tail():
        return pltpu.make_async_copy(
            zbuf.at[pl.ds(0, N - NS * ZRT)],
            aggS.at[pl.ds(NS * ZRT, N - NS * ZRT)], zsem)

    pltpu.sync_copy(src_hbm.at[wid, 0], idx.at[0, 0])
    pltpu.sync_copy(dst_hbm.at[wid, 0], idx.at[0, 1])
    _gather(0, 0).start()
    _gather(1, 1).start()

    def zero_fire(t, carry):
        _zero(t).start()
        return carry

    lax.fori_loop(0, ZRT // ZB, zero_fire, 0)

    @pl.when(s == NS - 1)
    def _():
        _zero_tail().start()

    def zero_drain(t, carry):
        _zero(t).wait()
        return carry

    lax.fori_loop(0, ZRT // ZB, zero_drain, 0)

    @pl.when(s == NS - 1)
    def _():
        _zero_tail().wait()

    plsc.subcore_barrier()


    def step(j, carry):
        b = j >> 2
        jj = j & (CPB - 1)
        rb = _m3(j)
        rb2 = _m3(j + 2)

        @pl.when((jj == 0) & (b < NBLK - 1))
        def _():
            _idx_load_s(b + 1).start()
            _idx_load_d(b + 1).start()

        _gather(j, rb).wait()
        pltpu.async_copy(rows.at[rb], aggS.at[idx.at[_m3(b), 1, jj]], ssem,
                         add=True)

        @pl.when(j >= 1)
        def _():
            _scatter(j - 1, rb2).wait()

        @pl.when((jj == 2) & (b < NBLK - 1))
        def _():
            _idx_load_s(b + 1).wait()
            _idx_load_d(b + 1).wait()

        @pl.when(j + 2 < NCHA)
        def _():
            _gather(j + 2, rb2).start()

        return carry

    lax.fori_loop(0, NCHA, step, 0)
    _scatter(NCHA - 1, _m3(NCHA - 1)).wait()
    plsc.subcore_barrier()

    pltpu.sync_copy(aggS.at[pl.ds(base, ZRT)],
                    out_hbm.at[c, pl.ds(base, ZRT)])

    @pl.when(s == NS - 1)
    def _():
        pltpu.sync_copy(aggS.at[pl.ds(NS * ZRT, N - NS * ZRT)],
                        out_hbm.at[c, pl.ds(NS * ZRT, N - NS * ZRT)])


def _tc_stage1_body(degT_ref, x_ref, W_ref, g_ref, dinv_ref):
    deg = jnp.sum(degT_ref[...], axis=1) + 1.0
    dinv = lax.rsqrt(deg)
    h = jnp.dot(x_ref[...], W_ref[...], preferred_element_type=jnp.float32)
    g_ref[...] = h * dinv[:, None]
    dinv_ref[...] = dinv[:, None]


_stage1 = pl.pallas_call(
    _tc_stage1_body,
    grid=(NB,),
    in_specs=[
        pl.BlockSpec((TB, NW), lambda i: (i, 0)),
        pl.BlockSpec((TB, D), lambda i: (i, 0)),
        pl.BlockSpec((D, D), lambda i: (0, 0)),
    ],
    out_specs=[
        pl.BlockSpec((TB, D), lambda i: (i, 0)),
        pl.BlockSpec((TB, 1), lambda i: (i, 0)),
    ],
    out_shape=[
        jax.ShapeDtypeStruct((N, D), jnp.float32),
        jax.ShapeDtypeStruct((N, 1), jnp.float32),
    ],
)


def _tc_mid_body(agg_ref, g_ref, dinv_ref, b_ref, W_ref, go_ref):
    dinv = dinv_ref[...]
    a = agg_ref[0] + agg_ref[1] + g_ref[...]
    xin = jnp.maximum(dinv * a + b_ref[...][None, :], 0.0)
    h = jnp.dot(xin, W_ref[...], preferred_element_type=jnp.float32)
    go_ref[...] = h * dinv


_mid = pl.pallas_call(
    _tc_mid_body,
    grid=(NB,),
    in_specs=[
        pl.BlockSpec((NC, TB, D), lambda i: (0, i, 0)),
        pl.BlockSpec((TB, D), lambda i: (i, 0)),
        pl.BlockSpec((TB, 1), lambda i: (i, 0)),
        pl.BlockSpec((D,), lambda i: (0,)),
        pl.BlockSpec((D, D), lambda i: (0, 0)),
    ],
    out_specs=pl.BlockSpec((TB, D), lambda i: (i, 0)),
    out_shape=jax.ShapeDtypeStruct((N, D), jnp.float32),
)


def _tc_final_body(agg_ref, g_ref, dinv_ref, b_ref, batch_ref, Wm0_ref, bm0_ref,
                   Wm1_ref, bm1_ref, emb_ref, logits_ref, probs_ref,
                   acc_ref, cnt_ref):
    i = pl.program_id(0)
    dinv = dinv_ref[...]
    a = agg_ref[0] + agg_ref[1] + g_ref[...]
    emb = jnp.maximum(dinv * a + b_ref[...][None, :], 0.0)
    emb_ref[...] = emb

    @pl.when(i == 0)
    def _():
        acc_ref[...] = jnp.zeros_like(acc_ref)
        cnt_ref[...] = jnp.zeros_like(cnt_ref)

    bat = batch_ref[...][:, 0]
    gids = lax.broadcasted_iota(jnp.int32, (G, TB), 0)
    onehot = (bat[None, :] == gids).astype(jnp.float32)
    acc_ref[...] += jnp.dot(onehot, emb, preferred_element_type=jnp.float32)
    cnt_ref[...] += jnp.sum(onehot, axis=1, keepdims=True)

    @pl.when(i == NB - 1)
    def _():
        pooled = acc_ref[...] / jnp.maximum(cnt_ref[...], 1.0)
        z = jnp.dot(pooled, Wm0_ref[...], preferred_element_type=jnp.float32)
        z = z + bm0_ref[...][None, :]
        z = jnp.where(z > 0, z, jnp.exp(z) - 1.0)
        logits = jnp.dot(z, Wm1_ref[...], preferred_element_type=jnp.float32)
        logits = logits + bm1_ref[...][None, :]
        logits_ref[...] = logits
        m = jnp.max(logits, axis=1, keepdims=True)
        e = jnp.exp(logits - m)
        probs_ref[...] = e / jnp.sum(e, axis=1, keepdims=True)


_final = pl.pallas_call(
    _tc_final_body,
    grid=(NB,),
    in_specs=[
        pl.BlockSpec((NC, TB, D), lambda i: (0, i, 0)),
        pl.BlockSpec((TB, D), lambda i: (i, 0)),
        pl.BlockSpec((TB, 1), lambda i: (i, 0)),
        pl.BlockSpec((D,), lambda i: (0,)),
        pl.BlockSpec((TB, 1), lambda i: (i, 0)),
        pl.BlockSpec((D, H), lambda i: (0, 0)),
        pl.BlockSpec((H,), lambda i: (0,)),
        pl.BlockSpec((H, OUT), lambda i: (0, 0)),
        pl.BlockSpec((OUT,), lambda i: (0,)),
    ],
    out_specs=[
        pl.BlockSpec((TB, D), lambda i: (i, 0)),
        pl.BlockSpec((G, OUT), lambda i: (0, 0)),
        pl.BlockSpec((G, OUT), lambda i: (0, 0)),
    ],
    out_shape=[
        jax.ShapeDtypeStruct((N, D), jnp.float32),
        jax.ShapeDtypeStruct((G, OUT), jnp.float32),
        jax.ShapeDtypeStruct((G, OUT), jnp.float32),
    ],
    scratch_shapes=[
        pltpu.VMEM((G, D), jnp.float32),
        pltpu.VMEM((G, D), jnp.float32),
    ],
)


def kernel(x, edge_index, batch, W1, b1, W2, b2, W3, b3, Wm0, bm0, Wm1, bm1):
    src4 = edge_index[0].reshape(NW, NBLK, CPB, KA)
    dst4 = edge_index[1].reshape(NW, NBLK, CPB, KA)
    dstd = edge_index[1].reshape(NW, NCH, K)
    deg = _sc_degree(dstd)
    g1, dinv = _stage1(deg.T, x, W1)
    agg1 = _sc_aggregate(g1, src4, dst4)
    g2 = _mid(agg1, g1, dinv, b1, W2)
    agg2 = _sc_aggregate(g2, src4, dst4)
    g3 = _mid(agg2, g2, dinv, b2, W3)
    agg3 = _sc_aggregate(g3, src4, dst4)
    emb, logits, probs = _final(agg3, g3, dinv, b3, batch.reshape(N, 1),
                                Wm0, bm0, Wm1, bm1)
    return logits, probs, emb

# --- scband reference (transcript-rebuilt; emitter-appended) ---
"""Pipeline reference for scband-gcnnet-8263517077504 (READ-ONLY COPY).

The authoritative reference and input builder live on the scoring server;
editing this copy changes nothing except your own understanding.
"""

import jax, jax.numpy as jnp
import numpy as np

N = 10000
E = 320000
D = 128
G = 64
H = 64
OUT = 10


def setup_inputs(seed: int = 0) -> dict:
    key = jax.random.key(seed)
    ks = jax.random.split(key, 16)
    x = jax.random.normal(ks[0], (N, D), dtype=jnp.float32)
    edge_index = jax.random.randint(ks[1], (2, E), 0, N, dtype=jnp.int32)
    batch = jnp.sort(jax.random.randint(ks[2], (N,), 0, G, dtype=jnp.int32))
    s = 0.05
    W1 = jax.random.normal(ks[3], (D, D), dtype=jnp.float32) * s
    b1 = jnp.zeros((D,), dtype=jnp.float32)
    W2 = jax.random.normal(ks[4], (D, D), dtype=jnp.float32) * s
    b2 = jnp.zeros((D,), dtype=jnp.float32)
    W3 = jax.random.normal(ks[5], (D, D), dtype=jnp.float32) * s
    b3 = jnp.zeros((D,), dtype=jnp.float32)
    Wm0 = jax.random.normal(ks[6], (D, H), dtype=jnp.float32) * s
    bm0 = jnp.zeros((H,), dtype=jnp.float32)
    Wm1 = jax.random.normal(ks[7], (H, OUT), dtype=jnp.float32) * s
    bm1 = jnp.zeros((OUT,), dtype=jnp.float32)
    return {"x": x, "edge_index": edge_index, "batch": batch,
            "W1": W1, "b1": b1, "W2": W2, "b2": b2, "W3": W3, "b3": b3,
            "Wm0": Wm0, "bm0": bm0, "Wm1": Wm1, "bm1": bm1}


def gcn_conv(x, edge_index, W, b):
    # PyG GCNConv with normalize=True: add self-loops, symmetric normalization
    n = x.shape[0]
    loop = jnp.arange(n, dtype=edge_index.dtype)
    src = jnp.concatenate([edge_index[0], loop])
    dst = jnp.concatenate([edge_index[1], loop])
    ew = jnp.ones(src.shape[0], dtype=x.dtype)
    deg = jnp.zeros((n,), dtype=x.dtype).at[dst].add(ew)
    dinv = jnp.where(deg > 0, deg ** -0.5, 0.0)
    norm = dinv[src] * dinv[dst]
    h = x @ W
    msg = h[src] * norm[:, None]
    out = jnp.zeros((n, W.shape[1]), dtype=x.dtype).at[dst].add(msg)
    return out + b


def reference(x, edge_index, batch, W1, b1, W2, b2, W3, b3, Wm0, bm0, Wm1, bm1):
    h = jax.nn.relu(gcn_conv(x, edge_index, W1, b1))
    h = jax.nn.relu(gcn_conv(h, edge_index, W2, b2))
    h = jax.nn.relu(gcn_conv(h, edge_index, W3, b3))
    emb = h
    # global_mean_pool readout
    sums = jax.ops.segment_sum(emb, batch, num_segments=G)
    counts = jax.ops.segment_sum(jnp.ones((emb.shape[0],), dtype=emb.dtype), batch, num_segments=G)
    pooled = sums / jnp.clip(counts, 1.0)[:, None]
    # MLP head (dropout p=0.0 -> identity)
    z = jax.nn.elu(pooled @ Wm0 + bm0)
    logits = z @ Wm1 + bm1
    probs = jax.nn.softmax(logits, axis=-1)
    return (logits, probs, emb)

if __name__ == "__main__":
    import jax
    _d = setup_inputs()
    print(jax.jit(kernel)(*tuple(_d.values())))

</pallas_src>

<mosaic_0001>
#map = affine_map<(d0, d1) -> (0, 0)>
#map1 = affine_map<(d0, d1) -> (0, 0, 0, 0)>
#map2 = affine_map<(d0, d1) -> (0, 0, 0)>
module attributes {stable_mosaic.version = 14 : i64} {
  func.func @_sc_aggregate(%arg0: i32, %arg1: i32, %arg2: memref<10000x128xf32, #tpu.memory_space<hbm>>, %arg3: memref<32x25x4x100xi32, #tpu.memory_space<hbm>>, %arg4: memref<32x25x4x100xi32, #tpu.memory_space<hbm>>, %arg5: memref<2x10000x128xf32, #tpu.memory_space<hbm>>, %arg6: memref<3x2x4x100xi32, #tpu.memory_space<vmem>>, %arg7: memref<3x100x128xf32, #tpu.memory_space<vmem>>, %arg8: memref<48x128xf32, #tpu.memory_space<vmem>>, %arg9: memref<10000x128xf32, #tpu.memory_space<vmem_shared>>, %arg10: memref<!tpu.dma_semaphore, #tpu.memory_space<semaphore_mem>>, %arg11: memref<!tpu.dma_semaphore, #tpu.memory_space<semaphore_mem>>, %arg12: memref<!tpu.dma_semaphore, #tpu.memory_space<semaphore_mem>>, %arg13: memref<!tpu.dma_semaphore, #tpu.memory_space<semaphore_mem>>) attributes {dimension_semantics = [#tpu.dimension_semantics<core_parallel>, #tpu.dimension_semantics<subcore_parallel>], iteration_bounds = array<i64: 2, 16>, scalar_prefetch = 0 : i64, scratch_operands = 8 : i64, tpu.core_type = #tpu.core_type<sc_vector_subcore>, window_params = [{transform_indices = #map}, {transform_indices = #map1}, {transform_indices = #map1}, {transform_indices = #map2}]} {
    %mul3A = arith.constant 2 : i32
    %mul3A_0 = arith.muli %arg1, %mul3A : i32
    %add3A = arith.addi %mul3A_0, %arg0 : i32
    %broadcast_in_dim3A = arith.constant 0.000000e+00 : f32
    %broadcast_in_dim3A_1 = vector.broadcast %broadcast_in_dim3A : f32 to vector<16xf32>
    %scan3A = arith.constant 0 : i32
    %scan3A_2 = arith.constant 0 : i32
    %scan3A_3 = arith.constant 48 : i32
    %scan3A_4 = arith.addi %scan3A_2, %scan3A_3 : i32
    %scan3A_5 = arith.constant 1 : i32
    scf.for %scan3A_85 = %scan3A_2 to %scan3A_4 step %scan3A_5  : i32 {
      %swap3A = arith.index_cast %scan3A_85 : i32 to index
      %swap3A_86 = arith.constant 0 : index
      %swap3A_87 = tpu.vector_load %arg8[%swap3A, %swap3A_86] {strides = array<i32>} : memref<48x128xf32, #tpu.memory_space<vmem>>, vector<1x16xf32>,
      %swap3A_88 = vector.shape_cast %swap3A_87 : vector<1x16xf32> to vector<16xf32>
      %swap3A_89 = vector.shape_cast %broadcast_in_dim3A_1 : vector<16xf32> to vector<1x16xf32>
      tpu.vector_store %arg8[%swap3A, %swap3A_86], %swap3A_89 {strides = array<i32>} : memref<48x128xf32, #tpu.memory_space<vmem>>, vector<1x16xf32>,
      %swap3A_90 = arith.index_cast %scan3A_85 : i32 to index
      %swap3A_91 = arith.constant 16 : index
      %swap3A_92 = tpu.vector_load %arg8[%swap3A_90, %swap3A_91] {strides = array<i32>} : memref<48x128xf32, #tpu.memory_space<vmem>>, vector<1x16xf32>,
      %swap3A_93 = vector.shape_cast %swap3A_92 : vector<1x16xf32> to vector<16xf32>
      %swap3A_94 = vector.shape_cast %broadcast_in_dim3A_1 : vector<16xf32> to vector<1x16xf32>
      tpu.vector_store %arg8[%swap3A_90, %swap3A_91], %swap3A_94 {strides = array<i32>} : memref<48x128xf32, #tpu.memory_space<vmem>>, vector<1x16xf32>,
      %swap3A_95 = arith.index_cast %scan3A_85 : i32 to index
      %swap3A_96 = arith.constant 32 : index
      %swap3A_97 = tpu.vector_load %arg8[%swap3A_95, %swap3A_96] {strides = array<i32>} : memref<48x128xf32, #tpu.memory_space<vmem>>, vector<1x16xf32>,
      %swap3A_98 = vector.shape_cast %swap3A_97 : vector<1x16xf32> to vector<16xf32>
      %swap3A_99 = vector.shape_cast %broadcast_in_dim3A_1 : vector<16xf32> to vector<1x16xf32>
      tpu.vector_store %arg8[%swap3A_95, %swap3A_96], %swap3A_99 {strides = array<i32>} : memref<48x128xf32, #tpu.memory_space<vmem>>, vector<1x16xf32>,
      %swap3A_100 = arith.index_cast %scan3A_85 : i32 to index
      %swap3A_101 = arith.constant 48 : index
      %swap3A_102 = tpu.vector_load %arg8[%swap3A_100, %swap3A_101] {strides = array<i32>} : memref<48x128xf32, #tpu.memory_space<vmem>>, vector<1x16xf32>,
      %swap3A_103 = vector.shape_cast %swap3A_102 : vector<1x16xf32> to vector<16xf32>
      %swap3A_104 = vector.shape_cast %broadcast_in_dim3A_1 : vector<16xf32> to vector<1x16xf32>
      tpu.vector_store %arg8[%swap3A_100, %swap3A_101], %swap3A_104 {strides = array<i32>} : memref<48x128xf32, #tpu.memory_space<vmem>>, vector<1x16xf32>,
      %swap3A_105 = arith.index_cast %scan3A_85 : i32 to index
      %swap3A_106 = arith.constant 64 : index
      %swap3A_107 = tpu.vector_load %arg8[%swap3A_105, %swap3A_106] {strides = array<i32>} : memref<48x128xf32, #tpu.memory_space<vmem>>, vector<1x16xf32>,
      %swap3A_108 = vector.shape_cast %swap3A_107 : vector<1x16xf32> to vector<16xf32>
      %swap3A_109 = vector.shape_cast %broadcast_in_dim3A_1 : vector<16xf32> to vector<1x16xf32>
      tpu.vector_store %arg8[%swap3A_105, %swap3A_106], %swap3A_109 {strides = array<i32>} : memref<48x128xf32, #tpu.memory_space<vmem>>, vector<1x16xf32>,
      %swap3A_110 = arith.index_cast %scan3A_85 : i32 to index
      %swap3A_111 = arith.constant 80 : index
      %swap3A_112 = tpu.vector_load %arg8[%swap3A_110, %swap3A_111] {strides = array<i32>} : memref<48x128xf32, #tpu.memory_space<vmem>>, vector<1x16xf32>,
      %swap3A_113 = vector.shape_cast %swap3A_112 : vector<1x16xf32> to vector<16xf32>
      %swap3A_114 = vector.shape_cast %broadcast_in_dim3A_1 : vector<16xf32> to vector<1x16xf32>
      tpu.vector_store %arg8[%swap3A_110, %swap3A_111], %swap3A_114 {strides = array<i32>} : memref<48x128xf32, #tpu.memory_space<vmem>>, vector<1x16xf32>,
      %swap3A_115 = arith.index_cast %scan3A_85 : i32 to index
      %swap3A_116 = arith.constant 96 : index
      %swap3A_117 = tpu.vector_load %arg8[%swap3A_115, %swap3A_116] {strides = array<i32>} : memref<48x128xf32, #tpu.memory_space<vmem>>, vector<1x16xf32>,
      %swap3A_118 = vector.shape_cast %swap3A_117 : vector<1x16xf32> to vector<16xf32>
      %swap3A_119 = vector.shape_cast %broadcast_in_dim3A_1 : vector<16xf32> to vector<1x16xf32>
      tpu.vector_store %arg8[%swap3A_115, %swap3A_116], %swap3A_119 {strides = array<i32>} : memref<48x128xf32, #tpu.memory_space<vmem>>, vector<1x16xf32>,
      %swap3A_120 = arith.index_cast %scan3A_85 : i32 to index
      %swap3A_121 = arith.constant 112 : index
      %swap3A_122 = tpu.vector_load %arg8[%swap3A_120, %swap3A_121] {strides = array<i32>} : memref<48x128xf32, #tpu.memory_space<vmem>>, vector<1x16xf32>,
      %swap3A_123 = vector.shape_cast %swap3A_122 : vector<1x16xf32> to vector<16xf32>
      %swap3A_124 = vector.shape_cast %broadcast_in_dim3A_1 : vector<16xf32> to vector<1x16xf32>
      tpu.vector_store %arg8[%swap3A_120, %swap3A_121], %swap3A_124 {strides = array<i32>} : memref<48x128xf32, #tpu.memory_space<vmem>>, vector<1x16xf32>,
    }
    %scan3A_6 = arith.constant 48 : i32
    %mul3A_7 = arith.constant 624 : i32
    %mul3A_8 = arith.muli %arg1, %mul3A_7 : i32
    %run_scoped3A = arith.constant 0 : i32
    %run_scoped3A_9 = arith.constant 0 : i32
    %run_scoped3A_10 = arith.constant 0 : i32
    "tpu.region"() ({
      %run_scoped3A_85 = tpu.sem_alloc : memref<!tpu.dma_semaphore, #tpu.memory_space<semaphore_mem>>
      %dma_start3A_86 = arith.constant 0 : i32
      %dma_start3A_87 = arith.constant 0 : i32
      %dma_start3A_88 = tpu.memref_slice %arg6[%run_scoped3A_9, %run_scoped3A_10, %dma_start3A_86, %dma_start3A_87] : memref<3x2x4x100xi32, #tpu.memory_space<vmem>> -> memref<1x1x4x100xi32, #tpu.memory_space<vmem>>
      %dma_start3A_89 = tpu.memref_squeeze %dma_start3A_88 : memref<1x1x4x100xi32, #tpu.memory_space<vmem>> -> memref<4x100xi32, #tpu.memory_space<vmem>>
      %dma_start3A_90 = arith.constant 0 : i32
      %dma_start3A_91 = arith.constant 0 : i32
      %dma_start3A_92 = tpu.memref_slice %arg3[%add3A, %run_scoped3A, %dma_start3A_90, %dma_start3A_91] : memref<32x25x4x100xi32, #tpu.memory_space<hbm>> -> memref<1x1x4x100xi32, #tpu.memory_space<hbm>>
      %dma_start3A_93 = tpu.memref_squeeze %dma_start3A_92 : memref<1x1x4x100xi32, #tpu.memory_space<hbm>> -> memref<4x100xi32, #tpu.memory_space<hbm>>
      %dma_start3A_94 = arith.constant 0 : i32
      %dma_start3A_95 = arith.constant 0 : i32
      %dma_start3A_96 = tpu.memref_slice %arg6[%run_scoped3A_9, %run_scoped3A_10, %dma_start3A_94, %dma_start3A_95] : memref<3x2x4x100xi32, #tpu.memory_space<vmem>> -> memref<1x1x4x100xi32, #tpu.memory_space<vmem>>
      %dma_start3A_97 = tpu.memref_squeeze %dma_start3A_96 : memref<1x1x4x100xi32, #tpu.memory_space<vmem>> -> memref<4x100xi32, #tpu.memory_space<vmem>>
      %dma_start3A_98 = arith.constant 0 : i32
      %dma_start3A_99 = arith.constant 0 : i32
      %dma_start3A_100 = tpu.memref_slice %arg3[%add3A, %run_scoped3A, %dma_start3A_98, %dma_start3A_99] : memref<32x25x4x100xi32, #tpu.memory_space<hbm>> -> memref<1x1x4x100xi32, #tpu.memory_space<hbm>>
      %dma_start3A_101 = tpu.memref_squeeze %dma_start3A_100 : memref<1x1x4x100xi32, #tpu.memory_space<hbm>> -> memref<4x100xi32, #tpu.memory_space<hbm>>
      tpu.enqueue_dma source(%dma_start3A_101 : memref<4x100xi32, #tpu.memory_space<hbm>>) target(%dma_start3A_97 : memref<4x100xi32, #tpu.memory_space<vmem>>) target_semaphore(%run_scoped3A_85 : memref<!tpu.dma_semaphore, #tpu.memory_space<semaphore_mem>>)
      %dma_wait3A_102 = arith.constant 0 : i32
      %dma_wait3A_103 = arith.constant 0 : i32
      %dma_wait3A_104 = tpu.memref_slice %arg6[%run_scoped3A_9, %run_scoped3A_10, %dma_wait3A_102, %dma_wait3A_103] : memref<3x2x4x100xi32, #tpu.memory_space<vmem>> -> memref<1x1x4x100xi32, #tpu.memory_space<vmem>>
      %dma_wait3A_105 = tpu.memref_squeeze %dma_wait3A_104 : memref<1x1x4x100xi32, #tpu.memory_space<vmem>> -> memref<4x100xi32, #tpu.memory_space<vmem>>
      %dma_wait3A_106 = arith.constant 0 : i32
      %dma_wait3A_107 = arith.constant 0 : i32
      %dma_wait3A_108 = tpu.memref_slice %arg3[%add3A, %run_scoped3A, %dma_wait3A_106, %dma_wait3A_107] : memref<32x25x4x100xi32, #tpu.memory_space<hbm>> -> memref<1x1x4x100xi32, #tpu.memory_space<hbm>>
      %dma_wait3A_109 = tpu.memref_squeeze %dma_wait3A_108 : memref<1x1x4x100xi32, #tpu.memory_space<hbm>> -> memref<4x100xi32, #tpu.memory_space<hbm>>
      %dma_wait3A_110 = arith.constant 0 : i32
      %dma_wait3A_111 = arith.constant 0 : i32
      %dma_wait3A_112 = tpu.memref_slice %arg6[%run_scoped3A_9, %run_scoped3A_10, %dma_wait3A_110, %dma_wait3A_111] : memref<3x2x4x100xi32, #tpu.memory_space<vmem>> -> memref<1x1x4x100xi32, #tpu.memory_space<vmem>>
      %dma_wait3A_113 = tpu.memref_squeeze %dma_wait3A_112 : memref<1x1x4x100xi32, #tpu.memory_space<vmem>> -> memref<4x100xi32, #tpu.memory_space<vmem>>
      %dma_wait3A_114 = arith.constant 0 : i32
      %dma_wait3A_115 = arith.constant 0 : i32
      %dma_wait3A_116 = tpu.memref_slice %arg3[%add3A, %run_scoped3A, %dma_wait3A_114, %dma_wait3A_115] : memref<32x25x4x100xi32, #tpu.memory_space<hbm>> -> memref<1x1x4x100xi32, #tpu.memory_space<hbm>>
      %dma_wait3A_117 = tpu.memref_squeeze %dma_wait3A_116 : memref<1x1x4x100xi32, #tpu.memory_space<hbm>> -> memref<4x100xi32, #tpu.memory_space<hbm>>
      tpu.wait_dma2 semaphore(%run_scoped3A_85 : memref<!tpu.dma_semaphore, #tpu.memory_space<semaphore_mem>>) src(%dma_wait3A_117 : memref<4x100xi32, #tpu.memory_space<hbm>>) dst(%dma_wait3A_113 : memref<4x100xi32, #tpu.memory_space<vmem>>)
      tpu.yield
    }) : () -> ()
    %run_scoped3A_11 = arith.constant 0 : i32
    %run_scoped3A_12 = arith.constant 0 : i32
    %run_scoped3A_13 = arith.constant 1 : i32
    "tpu.region"() ({
      %run_scoped3A_85 = tpu.sem_alloc : memref<!tpu.dma_semaphore, #tpu.memory_space<semaphore_mem>>
      %dma_start3A_86 = arith.constant 0 : i32
      %dma_start3A_87 = arith.constant 0 : i32
      %dma_start3A_88 = tpu.memref_slice %arg6[%run_scoped3A_12, %run_scoped3A_13, %dma_start3A_86, %dma_start3A_87] : memref<3x2x4x100xi32, #tpu.memory_space<vmem>> -> memref<1x1x4x100xi32, #tpu.memory_space<vmem>>
      %dma_start3A_89 = tpu.memref_squeeze %dma_start3A_88 : memref<1x1x4x100xi32, #tpu.memory_space<vmem>> -> memref<4x100xi32, #tpu.memory_space<vmem>>
      %dma_start3A_90 = arith.constant 0 : i32
      %dma_start3A_91 = arith.constant 0 : i32
      %dma_start3A_92 = tpu.memref_slice %arg4[%add3A, %run_scoped3A_11, %dma_start3A_90, %dma_start3A_91] : memref<32x25x4x100xi32, #tpu.memory_space<hbm>> -> memref<1x1x4x100xi32, #tpu.memory_space<hbm>>
      %dma_start3A_93 = tpu.memref_squeeze %dma_start3A_92 : memref<1x1x4x100xi32, #tpu.memory_space<hbm>> -> memref<4x100xi32, #tpu.memory_space<hbm>>
      %dma_start3A_94 = arith.constant 0 : i32
      %dma_start3A_95 = arith.constant 0 : i32
      %dma_start3A_96 = tpu.memref_slice %arg6[%run_scoped3A_12, %run_scoped3A_13, %dma_start3A_94, %dma_start3A_95] : memref<3x2x4x100xi32, #tpu.memory_space<vmem>> -> memref<1x1x4x100xi32, #tpu.memory_space<vmem>>
      %dma_start3A_97 = tpu.memref_squeeze %dma_start3A_96 : memref<1x1x4x100xi32, #tpu.memory_space<vmem>> -> memref<4x100xi32, #tpu.memory_space<vmem>>
      %dma_start3A_98 = arith.constant 0 : i32
      %dma_start3A_99 = arith.constant 0 : i32
      %dma_start3A_100 = tpu.memref_slice %arg4[%add3A, %run_scoped3A_11, %dma_start3A_98, %dma_start3A_99] : memref<32x25x4x100xi32, #tpu.memory_space<hbm>> -> memref<1x1x4x100xi32, #tpu.memory_space<hbm>>
      %dma_start3A_101 = tpu.memref_squeeze %dma_start3A_100 : memref<1x1x4x100xi32, #tpu.memory_space<hbm>> -> memref<4x100xi32, #tpu.memory_space<hbm>>
      tpu.enqueue_dma source(%dma_start3A_101 : memref<4x100xi32, #tpu.memory_space<hbm>>) target(%dma_start3A_97 : memref<4x100xi32, #tpu.memory_space<vmem>>) target_semaphore(%run_scoped3A_85 : memref<!tpu.dma_semaphore, #tpu.memory_space<semaphore_mem>>)
      %dma_wait3A_102 = arith.constant 0 : i32
      %dma_wait3A_103 = arith.constant 0 : i32
      %dma_wait3A_104 = tpu.memref_slice %arg6[%run_scoped3A_12, %run_scoped3A_13, %dma_wait3A_102, %dma_wait3A_103] : memref<3x2x4x100xi32, #tpu.memory_space<vmem>> -> memref<1x1x4x100xi32, #tpu.memory_space<vmem>>
      %dma_wait3A_105 = tpu.memref_squeeze %dma_wait3A_104 : memref<1x1x4x100xi32, #tpu.memory_space<vmem>> -> memref<4x100xi32, #tpu.memory_space<vmem>>
      %dma_wait3A_106 = arith.constant 0 : i32
      %dma_wait3A_107 = arith.constant 0 : i32
      %dma_wait3A_108 = tpu.memref_slice %arg4[%add3A, %run_scoped3A_11, %dma_wait3A_106, %dma_wait3A_107] : memref<32x25x4x100xi32, #tpu.memory_space<hbm>> -> memref<1x1x4x100xi32, #tpu.memory_space<hbm>>
      %dma_wait3A_109 = tpu.memref_squeeze %dma_wait3A_108 : memref<1x1x4x100xi32, #tpu.memory_space<hbm>> -> memref<4x100xi32, #tpu.memory_space<hbm>>
      %dma_wait3A_110 = arith.constant 0 : i32
      %dma_wait3A_111 = arith.constant 0 : i32
      %dma_wait3A_112 = tpu.memref_slice %arg6[%run_scoped3A_12, %run_scoped3A_13, %dma_wait3A_110, %dma_wait3A_111] : memref<3x2x4x100xi32, #tpu.memory_space<vmem>> -> memref<1x1x4x100xi32, #tpu.memory_space<vmem>>
      %dma_wait3A_113 = tpu.memref_squeeze %dma_wait3A_112 : memref<1x1x4x100xi32, #tpu.memory_space<vmem>> -> memref<4x100xi32, #tpu.memory_space<vmem>>
      %dma_wait3A_114 = arith.constant 0 : i32
      %dma_wait3A_115 = arith.constant 0 : i32
      %dma_wait3A_116 = tpu.memref_slice %arg4[%add3A, %run_scoped3A_11, %dma_wait3A_114, %dma_wait3A_115] : memref<32x25x4x100xi32, #tpu.memory_space<hbm>> -> memref<1x1x4x100xi32, #tpu.memory_space<hbm>>
      %dma_wait3A_117 = tpu.memref_squeeze %dma_wait3A_116 : memref<1x1x4x100xi32, #tpu.memory_space<hbm>> -> memref<4x100xi32, #tpu.memory_space<hbm>>
      tpu.wait_dma2 semaphore(%run_scoped3A_85 : memref<!tpu.dma_semaphore, #tpu.memory_space<semaphore_mem>>) src(%dma_wait3A_117 : memref<4x100xi32, #tpu.memory_space<hbm>>) dst(%dma_wait3A_113 : memref<4x100xi32, #tpu.memory_space<vmem>>)
      tpu.yield
    }) : () -> ()
    %dma_start3A = arith.constant 0 : i32
    %dma_start3A_14 = arith.constant 0 : i32
    %dma_start3A_15 = arith.constant 0 : i32
    %dma_start3A_16 = arith.constant 0 : i32
    %dma_start3A_17 = arith.constant 0 : i32
    %dma_start3A_18 = arith.constant 0 : i32
    %dma_start3A_19 = tpu.memref_slice %arg7[%dma_start3A_16, %dma_start3A_17, %dma_start3A_18] : memref<3x100x128xf32, #tpu.memory_space<vmem>> -> memref<1x100x128xf32, #tpu.memory_space<vmem>>
    %dma_start3A_20 = tpu.memref_squeeze %dma_start3A_19 : memref<1x100x128xf32, #tpu.memory_space<vmem>> -> memref<100x128xf32, #tpu.memory_space<vmem>>
    %dma_start3A_21 = arith.constant 0 : i32
    %dma_start3A_22 = tpu.memref_slice %arg6[%dma_start3A, %dma_start3A_14, %dma_start3A_15, %dma_start3A_21] : memref<3x2x4x100xi32, #tpu.memory_space<vmem>> -> memref<1x1x1x100xi32, #tpu.memory_space<vmem>>
    %dma_start3A_23 = tpu.memref_squeeze %dma_start3A_22 : memref<1x1x1x100xi32, #tpu.memory_space<vmem>> -> memref<100xi32, #tpu.memory_space<vmem>>
    %dma_start3A_24 = arith.constant 0 : i32
    %dma_start3A_25 = arith.constant 0 : i32
    %dma_start3A_26 = tpu.memref_slice %arg2[%dma_start3A_24, %dma_start3A_25] : memref<10000x128xf32, #tpu.memory_space<hbm>> -> memref<10000x128xf32, #tpu.memory_space<hbm>>
    tpu.enqueue_indirect_dma source(%dma_start3A_26 : memref<10000x128xf32, #tpu.memory_space<hbm>>) target(%dma_start3A_20 : memref<100x128xf32, #tpu.memory_space<vmem>>) offsets(%dma_start3A_23 : memref<100xi32, #tpu.memory_space<vmem>>) semaphore(%arg10 : memref<!tpu.dma_semaphore, #tpu.memory_space<semaphore_mem>>)
    %dma_start3A_27 = arith.constant 0 : i32
    %dma_start3A_28 = arith.constant 0 : i32
    %dma_start3A_29 = arith.constant 1 : i32
    %dma_start3A_30 = arith.constant 1 : i32
    %dma_start3A_31 = arith.constant 0 : i32
    %dma_start3A_32 = arith.constant 0 : i32
    %dma_start3A_33 = tpu.memref_slice %arg7[%dma_start3A_30, %dma_start3A_31, %dma_start3A_32] : memref<3x100x128xf32, #tpu.memory_space<vmem>> -> memref<1x100x128xf32, #tpu.memory_space<vmem>>
    %dma_start3A_34 = tpu.memref_squeeze %dma_start3A_33 : memref<1x100x128xf32, #tpu.memory_space<vmem>> -> memref<100x128xf32, #tpu.memory_space<vmem>>
    %dma_start3A_35 = arith.constant 0 : i32
    %dma_start3A_36 = tpu.memref_slice %arg6[%dma_start3A_27, %dma_start3A_28, %dma_start3A_29, %dma_start3A_35] : memref<3x2x4x100xi32, #tpu.memory_space<vmem>> -> memref<1x1x1x100xi32, #tpu.memory_space<vmem>>
    %dma_start3A_37 = tpu.memref_squeeze %dma_start3A_36 : memref<1x1x1x100xi32, #tpu.memory_space<vmem>> -> memref<100xi32, #tpu.memory_space<vmem>>
    %dma_start3A_38 = arith.constant 0 : i32
    %dma_start3A_39 = arith.constant 0 : i32
    %dma_start3A_40 = tpu.memref_slice %arg2[%dma_start3A_38, %dma_start3A_39] : memref<10000x128xf32, #tpu.memory_space<hbm>> -> memref<10000x128xf32, #tpu.memory_space<hbm>>
    tpu.enqueue_indirect_dma source(%dma_start3A_40 : memref<10000x128xf32, #tpu.memory_space<hbm>>) target(%dma_start3A_34 : memref<100x128xf32, #tpu.memory_space<vmem>>) offsets(%dma_start3A_37 : memref<100xi32, #tpu.memory_space<vmem>>) semaphore(%arg10 : memref<!tpu.dma_semaphore, #tpu.memory_space<semaphore_mem>>)
    %scan3A_41 = arith.constant 0 : i32
    %scan3A_42 = arith.constant 0 : i32
    %scan3A_43 = arith.constant 13 : i32
    %scan3A_44 = arith.addi %scan3A_42, %scan3A_43 : i32
    %scan3A_45 = arith.constant 1 : i32
    scf.for %scan3A_85 = %scan3A_42 to %scan3A_44 step %scan3A_45  : i32 {
      %mul3A_86 = arith.constant 48 : i32
      %mul3A_87 = arith.muli %scan3A_85, %mul3A_86 : i32
      %add3A_88 = arith.addi %mul3A_8, %mul3A_87 : i32
      %dma_start3A_89 = arith.constant 0 : i32
      %dma_start3A_90 = tpu.memref_slice %arg9[%add3A_88, %dma_start3A_89] : memref<10000x128xf32, #tpu.memory_space<vmem_shared>> -> memref<48x128xf32, #tpu.memory_space<vmem_shared>>
      %dma_start3A_91 = arith.constant 0 : i32
      %dma_start3A_92 = tpu.memref_slice %arg9[%add3A_88, %dma_start3A_91] : memref<10000x128xf32, #tpu.memory_space<vmem_shared>> -> memref<48x128xf32, #tpu.memory_space<vmem_shared>>
      tpu.enqueue_dma source(%arg8 : memref<48x128xf32, #tpu.memory_space<vmem>>) target(%dma_start3A_92 : memref<48x128xf32, #tpu.memory_space<vmem_shared>>) target_semaphore(%arg13 : memref<!tpu.dma_semaphore, #tpu.memory_space<semaphore_mem>>)
    }
    %scan3A_46 = arith.constant 13 : i32
    %eq3A = arith.constant 15 : i32
    %eq3A_47 = arith.cmpi eq, %arg1, %eq3A : i32
    %convert_element_type3A = arith.extui %eq3A_47 : i1 to i32
    %cond3A = arith.constant 0 : i32
    %cond3A_48 = arith.cmpi ne, %convert_element_type3A, %cond3A : i32
    scf.if %cond3A_48 {
      %dma_start3A_85 = arith.constant 0 : i32
      %dma_start3A_86 = arith.constant 0 : i32
      %dma_start3A_87 = tpu.memref_slice %arg8[%dma_start3A_85, %dma_start3A_86] : memref<48x128xf32, #tpu.memory_space<vmem>> -> memref<16x128xf32, #tpu.memory_space<vmem>>
      %dma_start3A_88 = arith.constant 9984 : i32
      %dma_start3A_89 = arith.constant 0 : i32
      %dma_start3A_90 = tpu.memref_slice %arg9[%dma_start3A_88, %dma_start3A_89] : memref<10000x128xf32, #tpu.memory_space<vmem_shared>> -> memref<16x128xf32, #tpu.memory_space<vmem_shared>>
      %dma_start3A_91 = arith.constant 9984 : i32
      %dma_start3A_92 = arith.constant 0 : i32
      %dma_start3A_93 = tpu.memref_slice %arg9[%dma_start3A_91, %dma_start3A_92] : memref<10000x128xf32, #tpu.memory_space<vmem_shared>> -> memref<16x128xf32, #tpu.memory_space<vmem_shared>>
      %dma_start3A_94 = arith.constant 0 : i32
      %dma_start3A_95 = arith.constant 0 : i32
      %dma_start3A_96 = tpu.memref_slice %arg8[%dma_start3A_94, %dma_start3A_95] : memref<48x128xf32, #tpu.memory_space<vmem>> -> memref<16x128xf32, #tpu.memory_space<vmem>>
      tpu.enqueue_dma source(%dma_start3A_96 : memref<16x128xf32, #tpu.memory_space<vmem>>) target(%dma_start3A_93 : memref<16x128xf32, #tpu.memory_space<vmem_shared>>) target_semaphore(%arg13 : memref<!tpu.dma_semaphore, #tpu.memory_space<semaphore_mem>>)
    } else {
    }
    %scan3A_49 = arith.constant 0 : i32
    %scan3A_50 = arith.constant 0 : i32
    %scan3A_51 = arith.constant 13 : i32
    %scan3A_52 = arith.addi %scan3A_50, %scan3A_51 : i32
    %scan3A_53 = arith.constant 1 : i32
    scf.for %scan3A_85 = %scan3A_50 to %scan3A_52 step %scan3A_53  : i32 {
      %mul3A_86 = arith.constant 48 : i32
      %mul3A_87 = arith.muli %scan3A_85, %mul3A_86 : i32
      %add3A_88 = arith.addi %mul3A_8, %mul3A_87 : i32
      %dma_wait3A_89 = arith.constant 0 : i32
      %dma_wait3A_90 = tpu.memref_slice %arg9[%add3A_88, %dma_wait3A_89] : memref<10000x128xf32, #tpu.memory_space<vmem_shared>> -> memref<48x128xf32, #tpu.memory_space<vmem_shared>>
      %dma_wait3A_91 = arith.constant 0 : i32
      %dma_wait3A_92 = tpu.memref_slice %arg9[%add3A_88, %dma_wait3A_91] : memref<10000x128xf32, #tpu.memory_space<vmem_shared>> -> memref<48x128xf32, #tpu.memory_space<vmem_shared>>
      tpu.wait_dma2 semaphore(%arg13 : memref<!tpu.dma_semaphore, #tpu.memory_space<semaphore_mem>>) src(%arg8 : memref<48x128xf32, #tpu.memory_space<vmem>>) dst(%dma_wait3A_92 : memref<48x128xf32, #tpu.memory_space<vmem_shared>>)
    }
    %scan3A_54 = arith.constant 13 : i32
    %eq3A_55 = arith.constant 15 : i32
    %eq3A_56 = arith.cmpi eq, %arg1, %eq3A_55 : i32
    %convert_element_type3A_57 = arith.extui %eq3A_56 : i1 to i32
    %cond3A_58 = arith.constant 0 : i32
    %cond3A_59 = arith.cmpi ne, %convert_element_type3A_57, %cond3A_58 : i32
    scf.if %cond3A_59 {
      %dma_wait3A_85 = arith.constant 0 : i32
      %dma_wait3A_86 = arith.constant 0 : i32
      %dma_wait3A_87 = tpu.memref_slice %arg8[%dma_wait3A_85, %dma_wait3A_86] : memref<48x128xf32, #tpu.memory_space<vmem>> -> memref<16x128xf32, #tpu.memory_space<vmem>>
      %dma_wait3A_88 = arith.constant 9984 : i32
      %dma_wait3A_89 = arith.constant 0 : i32
      %dma_wait3A_90 = tpu.memref_slice %arg9[%dma_wait3A_88, %dma_wait3A_89] : memref<10000x128xf32, #tpu.memory_space<vmem_shared>> -> memref<16x128xf32, #tpu.memory_space<vmem_shared>>
      %dma_wait3A_91 = arith.constant 9984 : i32
      %dma_wait3A_92 = arith.constant 0 : i32
      %dma_wait3A_93 = tpu.memref_slice %arg9[%dma_wait3A_91, %dma_wait3A_92] : memref<10000x128xf32, #tpu.memory_space<vmem_shared>> -> memref<16x128xf32, #tpu.memory_space<vmem_shared>>
      %dma_wait3A_94 = arith.constant 0 : i32
      %dma_wait3A_95 = arith.constant 0 : i32
      %dma_wait3A_96 = tpu.memref_slice %arg8[%dma_wait3A_94, %dma_wait3A_95] : memref<48x128xf32, #tpu.memory_space<vmem>> -> memref<16x128xf32, #tpu.memory_space<vmem>>
      tpu.wait_dma2 semaphore(%arg13 : memref<!tpu.dma_semaphore, #tpu.memory_space<semaphore_mem>>) src(%dma_wait3A_96 : memref<16x128xf32, #tpu.memory_space<vmem>>) dst(%dma_wait3A_93 : memref<16x128xf32, #tpu.memory_space<vmem_shared>>)
    } else {
    }
    %barrier3A = arith.constant 0 : index
    tpu.barrier barrier_id(%barrier3A)
    %scan3A_60 = arith.constant 0 : i32
    %scan3A_61 = arith.constant 0 : i32
    %scan3A_62 = arith.constant 100 : i32
    %scan3A_63 = arith.addi %scan3A_61, %scan3A_62 : i32
    %scan3A_64 = arith.constant 1 : i32
    scf.for %scan3A_85 = %scan3A_61 to %scan3A_63 step %scan3A_64  : i32 {
      %shift_right_arithmetic3A = arith.constant 2 : i32
      %shift_right_arithmetic3A_86 = arith.shrsi %scan3A_85, %shift_right_arithmetic3A : i32
      %and3A = arith.constant 3 : i32
      %and3A_87 = arith.andi %scan3A_85, %and3A : i32
      %mul3A_88 = arith.constant 43691 : i32
      %mul3A_89 = arith.muli %scan3A_85, %mul3A_88 : i32
      %shift_right_arithmetic3A_90 = arith.constant 17 : i32
      %shift_right_arithmetic3A_91 = arith.shrsi %mul3A_89, %shift_right_arithmetic3A_90 : i32
      %mul3A_92 = arith.constant 3 : i32
      %mul3A_93 = arith.muli %mul3A_92, %shift_right_arithmetic3A_91 : i32
      %sub3A = arith.subi %scan3A_85, %mul3A_93 : i32
      %add3A_94 = arith.constant 2 : i32
      %add3A_95 = arith.addi %scan3A_85, %add3A_94 : i32
      %mul3A_96 = arith.constant 43691 : i32
      %mul3A_97 = arith.muli %add3A_95, %mul3A_96 : i32
      %shift_right_arithmetic3A_98 = arith.constant 17 : i32
      %shift_right_arithmetic3A_99 = arith.shrsi %mul3A_97, %shift_right_arithmetic3A_98 : i32
      %mul3A_100 = arith.constant 3 : i32
      %mul3A_101 = arith.muli %mul3A_100, %shift_right_arithmetic3A_99 : i32
      %sub3A_102 = arith.subi %add3A_95, %mul3A_101 : i32
      %eq3A_103 = arith.constant 0 : i32
      %eq3A_104 = arith.cmpi eq, %and3A_87, %eq3A_103 : i32
      %lt3A = arith.constant 24 : i32
      %lt3A_105 = arith.cmpi slt, %shift_right_arithmetic3A_86, %lt3A : i32
      %and3A_106 = arith.andi %eq3A_104, %lt3A_105 : i1
      %convert_element_type3A_107 = arith.extui %and3A_106 : i1 to i32
      %cond3A_108 = arith.constant 0 : i32
      %cond3A_109 = arith.cmpi ne, %convert_element_type3A_107, %cond3A_108 : i32
      scf.if %cond3A_109 {
        %add3A_169 = arith.constant 1 : i32
        %add3A_170 = arith.addi %shift_right_arithmetic3A_86, %add3A_169 : i32
        %mul3A_171 = arith.constant 43691 : i32
        %mul3A_172 = arith.muli %add3A_170, %mul3A_171 : i32
        %shift_right_arithmetic3A_173 = arith.constant 17 : i32
        %shift_right_arithmetic3A_174 = arith.shrsi %mul3A_172, %shift_right_arithmetic3A_173 : i32
        %mul3A_175 = arith.constant 3 : i32
        %mul3A_176 = arith.muli %mul3A_175, %shift_right_arithmetic3A_174 : i32
        %sub3A_177 = arith.subi %add3A_170, %mul3A_176 : i32
        %dma_start3A_178 = arith.constant 0 : i32
        %dma_start3A_179 = arith.constant 0 : i32
        %dma_start3A_180 = arith.constant 0 : i32
        %dma_start3A_181 = tpu.memref_slice %arg6[%sub3A_177, %dma_start3A_178, %dma_start3A_179, %dma_start3A_180] : memref<3x2x4x100xi32, #tpu.memory_space<vmem>> -> memref<1x1x4x100xi32, #tpu.memory_space<vmem>>
        %dma_start3A_182 = tpu.memref_squeeze %dma_start3A_181 : memref<1x1x4x100xi32, #tpu.memory_space<vmem>> -> memref<4x100xi32, #tpu.memory_space<vmem>>
        %dma_start3A_183 = arith.constant 0 : i32
        %dma_start3A_184 = arith.constant 0 : i32
        %dma_start3A_185 = tpu.memref_slice %arg3[%add3A, %add3A_170, %dma_start3A_183, %dma_start3A_184] : memref<32x25x4x100xi32, #tpu.memory_space<hbm>> -> memref<1x1x4x100xi32, #tpu.memory_space<hbm>>
        %dma_start3A_186 = tpu.memref_squeeze %dma_start3A_185 : memref<1x1x4x100xi32, #tpu.memory_space<hbm>> -> memref<4x100xi32, #tpu.memory_space<hbm>>
        %dma_start3A_187 = arith.constant 0 : i32
        %dma_start3A_188 = arith.constant 0 : i32
        %dma_start3A_189 = tpu.memref_slice %arg6[%sub3A_177, %dma_start3A_178, %dma_start3A_187, %dma_start3A_188] : memref<3x2x4x100xi32, #tpu.memory_space<vmem>> -> memref<1x1x4x100xi32, #tpu.memory_space<vmem>>
        %dma_start3A_190 = tpu.memref_squeeze %dma_start3A_189 : memref<1x1x4x100xi32, #tpu.memory_space<vmem>> -> memref<4x100xi32, #tpu.memory_space<vmem>>
        %dma_start3A_191 = arith.constant 0 : i32
        %dma_start3A_192 = arith.constant 0 : i32
        %dma_start3A_193 = tpu.memref_slice %arg3[%add3A, %add3A_170, %dma_start3A_191, %dma_start3A_192] : memref<32x25x4x100xi32, #tpu.memory_space<hbm>> -> memref<1x1x4x100xi32, #tpu.memory_space<hbm>>
        %dma_start3A_194 = tpu.memref_squeeze %dma_start3A_193 : memref<1x1x4x100xi32, #tpu.memory_space<hbm>> -> memref<4x100xi32, #tpu.memory_space<hbm>>
        tpu.enqueue_dma source(%dma_start3A_194 : memref<4x100xi32, #tpu.memory_space<hbm>>) target(%dma_start3A_190 : memref<4x100xi32, #tpu.memory_space<vmem>>) target_semaphore(%arg12 : memref<!tpu.dma_semaphore, #tpu.memory_space<semaphore_mem>>)
        %add3A_195 = arith.constant 1 : i32
        %add3A_196 = arith.addi %shift_right_arithmetic3A_86, %add3A_195 : i32
        %mul3A_197 = arith.constant 43691 : i32
        %mul3A_198 = arith.muli %add3A_196, %mul3A_197 : i32
        %shift_right_arithmetic3A_199 = arith.constant 17 : i32
        %shift_right_arithmetic3A_200 = arith.shrsi %mul3A_198, %shift_right_arithmetic3A_199 : i32
        %mul3A_201 = arith.constant 3 : i32
        %mul3A_202 = arith.muli %mul3A_201, %shift_right_arithmetic3A_200 : i32
        %sub3A_203 = arith.subi %add3A_196, %mul3A_202 : i32
        %dma_start3A_204 = arith.constant 1 : i32
        %dma_start3A_205 = arith.constant 0 : i32
        %dma_start3A_206 = arith.constant 0 : i32
        %dma_start3A_207 = tpu.memref_slice %arg6[%sub3A_203, %dma_start3A_204, %dma_start3A_205, %dma_start3A_206] : memref<3x2x4x100xi32, #tpu.memory_space<vmem>> -> memref<1x1x4x100xi32, #tpu.memory_space<vmem>>
        %dma_start3A_208 = tpu.memref_squeeze %dma_start3A_207 : memref<1x1x4x100xi32, #tpu.memory_space<vmem>> -> memref<4x100xi32, #tpu.memory_space<vmem>>
        %dma_start3A_209 = arith.constant 0 : i32
        %dma_start3A_210 = arith.constant 0 : i32
        %dma_start3A_211 = tpu.memref_slice %arg4[%add3A, %add3A_196, %dma_start3A_209, %dma_start3A_210] : memref<32x25x4x100xi32, #tpu.memory_space<hbm>> -> memref<1x1x4x100xi32, #tpu.memory_space<hbm>>
        %dma_start3A_212 = tpu.memref_squeeze %dma_start3A_211 : memref<1x1x4x100xi32, #tpu.memory_space<hbm>> -> memref<4x100xi32, #tpu.memory_space<hbm>>
        %dma_start3A_213 = arith.constant 0 : i32
        %dma_start3A_214 = arith.constant 0 : i32
        %dma_start3A_215 = tpu.memref_slice %arg6[%sub3A_203, %dma_start3A_204, %dma_start3A_213, %dma_start3A_214] : memref<3x2x4x100xi32, #tpu.memory_space<vmem>> -> memref<1x1x4x100xi32, #tpu.memory_space<vmem>>
        %dma_start3A_216 = tpu.memref_squeeze %dma_start3A_215 : memref<1x1x4x100xi32, #tpu.memory_space<vmem>> -> memref<4x100xi32, #tpu.memory_space<vmem>>
        %dma_start3A_217 = arith.constant 0 : i32
        %dma_start3A_218 = arith.constant 0 : i32
        %dma_start3A_219 = tpu.memref_slice %arg4[%add3A, %add3A_196, %dma_start3A_217, %dma_start3A_218] : memref<32x25x4x100xi32, #tpu.memory_space<hbm>> -> memref<1x1x4x100xi32, #tpu.memory_space<hbm>>
        %dma_start3A_220 = tpu.memref_squeeze %dma_start3A_219 : memref<1x1x4x100xi32, #tpu.memory_space<hbm>> -> memref<4x100xi32, #tpu.memory_space<hbm>>
        tpu.enqueue_dma source(%dma_start3A_220 : memref<4x100xi32, #tpu.memory_space<hbm>>) target(%dma_start3A_216 : memref<4x100xi32, #tpu.memory_space<vmem>>) target_semaphore(%arg12 : memref<!tpu.dma_semaphore, #tpu.memory_space<semaphore_mem>>)
      } else {
      }
      %shift_right_arithmetic3A_110 = arith.constant 2 : i32
      %shift_right_arithmetic3A_111 = arith.shrsi %scan3A_85, %shift_right_arithmetic3A_110 : i32
      %mul3A_112 = arith.constant 43691 : i32
      %mul3A_113 = arith.muli %shift_right_arithmetic3A_111, %mul3A_112 : i32
      %shift_right_arithmetic3A_114 = arith.constant 17 : i32
      %shift_right_arithmetic3A_115 = arith.shrsi %mul3A_113, %shift_right_arithmetic3A_114 : i32
      %mul3A_116 = arith.constant 3 : i32
      %mul3A_117 = arith.muli %mul3A_116, %shift_right_arithmetic3A_115 : i32
      %sub3A_118 = arith.subi %shift_right_arithmetic3A_111, %mul3A_117 : i32
      %and3A_119 = arith.constant 3 : i32
      %and3A_120 = arith.andi %scan3A_85, %and3A_119 : i32
      %dma_wait3A_121 = arith.constant 0 : i32
      %dma_wait3A_122 = arith.constant 0 : i32
      %dma_wait3A_123 = arith.constant 0 : i32
      %dma_wait3A_124 = tpu.memref_slice %arg7[%sub3A, %dma_wait3A_122, %dma_wait3A_123] : memref<3x100x128xf32, #tpu.memory_space<vmem>> -> memref<1x100x128xf32, #tpu.memory_space<vmem>>
      %dma_wait3A_125 = tpu.memref_squeeze %dma_wait3A_124 : memref<1x100x128xf32, #tpu.memory_space<vmem>> -> memref<100x128xf32, #tpu.memory_space<vmem>>
      %dma_wait3A_126 = arith.constant 0 : i32
      %dma_wait3A_127 = tpu.memref_slice %arg6[%sub3A_118, %dma_wait3A_121, %and3A_120, %dma_wait3A_126] : memref<3x2x4x100xi32, #tpu.memory_space<vmem>> -> memref<1x1x1x100xi32, #tpu.memory_space<vmem>>
      %dma_wait3A_128 = tpu.memref_squeeze %dma_wait3A_127 : memref<1x1x1x100xi32, #tpu.memory_space<vmem>> -> memref<100xi32, #tpu.memory_space<vmem>>
      %dma_wait3A_129 = arith.constant 0 : i32
      %dma_wait3A_130 = arith.constant 0 : i32
      %dma_wait3A_131 = tpu.memref_slice %arg2[%dma_wait3A_129, %dma_wait3A_130] : memref<10000x128xf32, #tpu.memory_space<hbm>> -> memref<10000x128xf32, #tpu.memory_space<hbm>>
      tpu.wait_indirect_dma semaphore(%arg10 : memref<!tpu.dma_semaphore, #tpu.memory_space<semaphore_mem>>) src(%dma_wait3A_131 : memref<10000x128xf32, #tpu.memory_space<hbm>>) dst(%dma_wait3A_125 : memref<100x128xf32, #tpu.memory_space<vmem>>)
      %mul3A_132 = arith.constant 43691 : i32
      %mul3A_133 = arith.muli %shift_right_arithmetic3A_86, %mul3A_132 : i32
      %shift_right_arithmetic3A_134 = arith.constant 17 : i32
      %shift_right_arithmetic3A_135 = arith.shrsi %mul3A_133, %shift_right_arithmetic3A_134 : i32
      %mul3A_136 = arith.constant 3 : i32
      %mul3A_137 = arith.muli %mul3A_136, %shift_right_arithmetic3A_135 : i32
      %sub3A_138 = arith.subi %shift_right_arithmetic3A_86, %mul3A_137 : i32
      %dma_start3A_139 = arith.constant 1 : i32
      %dma_start3A_140 = arith.constant 0 : i32
      %dma_start3A_141 = arith.constant 0 : i32
      %dma_start3A_142 = tpu.memref_slice %arg7[%sub3A, %dma_start3A_140, %dma_start3A_141] : memref<3x100x128xf32, #tpu.memory_space<vmem>> -> memref<1x100x128xf32, #tpu.memory_space<vmem>>
      %dma_start3A_143 = tpu.memref_squeeze %dma_start3A_142 : memref<1x100x128xf32, #tpu.memory_space<vmem>> -> memref<100x128xf32, #tpu.memory_space<vmem>>
      %dma_start3A_144 = arith.constant 0 : i32
      %dma_start3A_145 = tpu.memref_slice %arg6[%sub3A_138, %dma_start3A_139, %and3A_87, %dma_start3A_144] : memref<3x2x4x100xi32, #tpu.memory_space<vmem>> -> memref<1x1x1x100xi32, #tpu.memory_space<vmem>>
      %dma_start3A_146 = tpu.memref_squeeze %dma_start3A_145 : memref<1x1x1x100xi32, #tpu.memory_space<vmem>> -> memref<100xi32, #tpu.memory_space<vmem>>
      %dma_start3A_147 = arith.constant 0 : i32
      %dma_start3A_148 = arith.constant 0 : i32
      %dma_start3A_149 = tpu.memref_slice %arg9[%dma_start3A_147, %dma_start3A_148] : memref<10000x128xf32, #tpu.memory_space<vmem_shared>> -> memref<10000x128xf32, #tpu.memory_space<vmem_shared>>
      tpu.enqueue_indirect_dma source(%dma_start3A_143 : memref<100x128xf32, #tpu.memory_space<vmem>>) target(%dma_start3A_149 : memref<10000x128xf32, #tpu.memory_space<vmem_shared>>) offsets(%dma_start3A_146 : memref<100xi32, #tpu.memory_space<vmem>>) semaphore(%arg11 : memref<!tpu.dma_semaphore, #tpu.memory_space<semaphore_mem>>) {add = true}
      %ge3A = arith.constant 1 : i32
      %ge3A_150 = arith.cmpi sge, %scan3A_85, %ge3A : i32
      %convert_element_type3A_151 = arith.extui %ge3A_150 : i1 to i32
      %cond3A_152 = arith.constant 0 : i32
      %cond3A_153 = arith.cmpi ne, %convert_element_type3A_151, %cond3A_152 : i32
      scf.if %cond3A_153 {
        %sub3A_169 = arith.constant 1 : i32
        %sub3A_170 = arith.subi %scan3A_85, %sub3A_169 : i32
        %shift_right_arithmetic3A_171 = arith.constant 2 : i32
        %shift_right_arithmetic3A_172 = arith.shrsi %sub3A_170, %shift_right_arithmetic3A_171 : i32
        %mul3A_173 = arith.constant 43691 : i32
        %mul3A_174 = arith.muli %shift_right_arithmetic3A_172, %mul3A_173 : i32
        %shift_right_arithmetic3A_175 = arith.constant 17 : i32
        %shift_right_arithmetic3A_176 = arith.shrsi %mul3A_174, %shift_right_arithmetic3A_175 : i32
        %mul3A_177 = arith.constant 3 : i32
        %mul3A_178 = arith.muli %mul3A_177, %shift_right_arithmetic3A_176 : i32
        %sub3A_179 = arith.subi %shift_right_arithmetic3A_172, %mul3A_178 : i32
        %and3A_180 = arith.constant 3 : i32
        %and3A_181 = arith.andi %sub3A_170, %and3A_180 : i32
        %dma_wait3A_182 = arith.constant 1 : i32
        %dma_wait3A_183 = arith.constant 0 : i32
        %dma_wait3A_184 = arith.constant 0 : i32
        %dma_wait3A_185 = tpu.memref_slice %arg7[%sub3A_102, %dma_wait3A_183, %dma_wait3A_184] : memref<3x100x128xf32, #tpu.memory_space<vmem>> -> memref<1x100x128xf32, #tpu.memory_space<vmem>>
        %dma_wait3A_186 = tpu.memref_squeeze %dma_wait3A_185 : memref<1x100x128xf32, #tpu.memory_space<vmem>> -> memref<100x128xf32, #tpu.memory_space<vmem>>
        %dma_wait3A_187 = arith.constant 0 : i32
        %dma_wait3A_188 = tpu.memref_slice %arg6[%sub3A_179, %dma_wait3A_182, %and3A_181, %dma_wait3A_187] : memref<3x2x4x100xi32, #tpu.memory_space<vmem>> -> memref<1x1x1x100xi32, #tpu.memory_space<vmem>>
        %dma_wait3A_189 = tpu.memref_squeeze %dma_wait3A_188 : memref<1x1x1x100xi32, #tpu.memory_space<vmem>> -> memref<100xi32, #tpu.memory_space<vmem>>
        %dma_wait3A_190 = arith.constant 0 : i32
        %dma_wait3A_191 = arith.constant 0 : i32
        %dma_wait3A_192 = tpu.memref_slice %arg9[%dma_wait3A_190, %dma_wait3A_191] : memref<10000x128xf32, #tpu.memory_space<vmem_shared>> -> memref<10000x128xf32, #tpu.memory_space<vmem_shared>>
        tpu.wait_indirect_dma semaphore(%arg11 : memref<!tpu.dma_semaphore, #tpu.memory_space<semaphore_mem>>) src(%dma_wait3A_186 : memref<100x128xf32, #tpu.memory_space<vmem>>) dst(%dma_wait3A_192 : memref<10000x128xf32, #tpu.memory_space<vmem_shared>>)
      } else {
      }
      %eq3A_154 = arith.constant 2 : i32
      %eq3A_155 = arith.cmpi eq, %and3A_87, %eq3A_154 : i32
      %lt3A_156 = arith.constant 24 : i32
      %lt3A_157 = arith.cmpi slt, %shift_right_arithmetic3A_86, %lt3A_156 : i32
      %and3A_158 = arith.andi %eq3A_155, %lt3A_157 : i1
      %convert_element_type3A_159 = arith.extui %and3A_158 : i1 to i32
      %cond3A_160 = arith.constant 0 : i32
      %cond3A_161 = arith.cmpi ne, %convert_element_type3A_159, %cond3A_160 : i32
      scf.if %cond3A_161 {
        %add3A_169 = arith.constant 1 : i32
        %add3A_170 = arith.addi %shift_right_arithmetic3A_86, %add3A_169 : i32
        %mul3A_171 = arith.constant 43691 : i32
        %mul3A_172 = arith.muli %add3A_170, %mul3A_171 : i32
        %shift_right_arithmetic3A_173 = arith.constant 17 : i32
        %shift_right_arithmetic3A_174 = arith.shrsi %mul3A_172, %shift_right_arithmetic3A_173 : i32
        %mul3A_175 = arith.constant 3 : i32
        %mul3A_176 = arith.muli %mul3A_175, %shift_right_arithmetic3A_174 : i32
        %sub3A_177 = arith.subi %add3A_170, %mul3A_176 : i32
        %dma_wait3A_178 = arith.constant 0 : i32
        %dma_wait3A_179 = arith.constant 0 : i32
        %dma_wait3A_180 = arith.constant 0 : i32
        %dma_wait3A_181 = tpu.memref_slice %arg6[%sub3A_177, %dma_wait3A_178, %dma_wait3A_179, %dma_wait3A_180] : memref<3x2x4x100xi32, #tpu.memory_space<vmem>> -> memref<1x1x4x100xi32, #tpu.memory_space<vmem>>
        %dma_wait3A_182 = tpu.memref_squeeze %dma_wait3A_181 : memref<1x1x4x100xi32, #tpu.memory_space<vmem>> -> memref<4x100xi32, #tpu.memory_space<vmem>>
        %dma_wait3A_183 = arith.constant 0 : i32
        %dma_wait3A_184 = arith.constant 0 : i32
        %dma_wait3A_185 = tpu.memref_slice %arg3[%add3A, %add3A_170, %dma_wait3A_183, %dma_wait3A_184] : memref<32x25x4x100xi32, #tpu.memory_space<hbm>> -> memref<1x1x4x100xi32, #tpu.memory_space<hbm>>
        %dma_wait3A_186 = tpu.memref_squeeze %dma_wait3A_185 : memref<1x1x4x100xi32, #tpu.memory_space<hbm>> -> memref<4x100xi32, #tpu.memory_space<hbm>>
        %dma_wait3A_187 = arith.constant 0 : i32
        %dma_wait3A_188 = arith.constant 0 : i32
        %dma_wait3A_189 = tpu.memref_slice %arg6[%sub3A_177, %dma_wait3A_178, %dma_wait3A_187, %dma_wait3A_188] : memref<3x2x4x100xi32, #tpu.memory_space<vmem>> -> memref<1x1x4x100xi32, #tpu.memory_space<vmem>>
        %dma_wait3A_190 = tpu.memref_squeeze %dma_wait3A_189 : memref<1x1x4x100xi32, #tpu.memory_space<vmem>> -> memref<4x100xi32, #tpu.memory_space<vmem>>
        %dma_wait3A_191 = arith.constant 0 : i32
        %dma_wait3A_192 = arith.constant 0 : i32
        %dma_wait3A_193 = tpu.memref_slice %arg3[%add3A, %add3A_170, %dma_wait3A_191, %dma_wait3A_192] : memref<32x25x4x100xi32, #tpu.memory_space<hbm>> -> memref<1x1x4x100xi32, #tpu.memory_space<hbm>>
        %dma_wait3A_194 = tpu.memref_squeeze %dma_wait3A_193 : memref<1x1x4x100xi32, #tpu.memory_space<hbm>> -> memref<4x100xi32, #tpu.memory_space<hbm>>
        tpu.wait_dma2 semaphore(%arg12 : memref<!tpu.dma_semaphore, #tpu.memory_space<semaphore_mem>>) src(%dma_wait3A_194 : memref<4x100xi32, #tpu.memory_space<hbm>>) dst(%dma_wait3A_190 : memref<4x100xi32, #tpu.memory_space<vmem>>)
        %add3A_195 = arith.constant 1 : i32
        %add3A_196 = arith.addi %shift_right_arithmetic3A_86, %add3A_195 : i32
        %mul3A_197 = arith.constant 43691 : i32
        %mul3A_198 = arith.muli %add3A_196, %mul3A_197 : i32
        %shift_right_arithmetic3A_199 = arith.constant 17 : i32
        %shift_right_arithmetic3A_200 = arith.shrsi %mul3A_198, %shift_right_arithmetic3A_199 : i32
        %mul3A_201 = arith.constant 3 : i32
        %mul3A_202 = arith.muli %mul3A_201, %shift_right_arithmetic3A_200 : i32
        %sub3A_203 = arith.subi %add3A_196, %mul3A_202 : i32
        %dma_wait3A_204 = arith.constant 1 : i32
        %dma_wait3A_205 = arith.constant 0 : i32
        %dma_wait3A_206 = arith.constant 0 : i32
        %dma_wait3A_207 = tpu.memref_slice %arg6[%sub3A_203, %dma_wait3A_204, %dma_wait3A_205, %dma_wait3A_206] : memref<3x2x4x100xi32, #tpu.memory_space<vmem>> -> memref<1x1x4x100xi32, #tpu.memory_space<vmem>>
        %dma_wait3A_208 = tpu.memref_squeeze %dma_wait3A_207 : memref<1x1x4x100xi32, #tpu.memory_space<vmem>> -> memref<4x100xi32, #tpu.memory_space<vmem>>
        %dma_wait3A_209 = arith.constant 0 : i32
        %dma_wait3A_210 = arith.constant 0 : i32
        %dma_wait3A_211 = tpu.memref_slice %arg4[%add3A, %add3A_196, %dma_wait3A_209, %dma_wait3A_210] : memref<32x25x4x100xi32, #tpu.memory_space<hbm>> -> memref<1x1x4x100xi32, #tpu.memory_space<hbm>>
        %dma_wait3A_212 = tpu.memref_squeeze %dma_wait3A_211 : memref<1x1x4x100xi32, #tpu.memory_space<hbm>> -> memref<4x100xi32, #tpu.memory_space<hbm>>
        %dma_wait3A_213 = arith.constant 0 : i32
        %dma_wait3A_214 = arith.constant 0 : i32
        %dma_wait3A_215 = tpu.memref_slice %arg6[%sub3A_203, %dma_wait3A_204, %dma_wait3A_213, %dma_wait3A_214] : memref<3x2x4x100xi32, #tpu.memory_space<vmem>> -> memref<1x1x4x100xi32, #tpu.memory_space<vmem>>
        %dma_wait3A_216 = tpu.memref_squeeze %dma_wait3A_215 : memref<1x1x4x100xi32, #tpu.memory_space<vmem>> -> memref<4x100xi32, #tpu.memory_space<vmem>>
        %dma_wait3A_217 = arith.constant 0 : i32
        %dma_wait3A_218 = arith.constant 0 : i32
        %dma_wait3A_219 = tpu.memref_slice %arg4[%add3A, %add3A_196, %dma_wait3A_217, %dma_wait3A_218] : memref<32x25x4x100xi32, #tpu.memory_space<hbm>> -> memref<1x1x4x100xi32, #tpu.memory_space<hbm>>
        %dma_wait3A_220 = tpu.memref_squeeze %dma_wait3A_219 : memref<1x1x4x100xi32, #tpu.memory_space<hbm>> -> memref<4x100xi32, #tpu.memory_space<hbm>>
        tpu.wait_dma2 semaphore(%arg12 : memref<!tpu.dma_semaphore, #tpu.memory_space<semaphore_mem>>) src(%dma_wait3A_220 : memref<4x100xi32, #tpu.memory_space<hbm>>) dst(%dma_wait3A_216 : memref<4x100xi32, #tpu.memory_space<vmem>>)
      } else {
      }
      %add3A_162 = arith.constant 2 : i32
      %add3A_163 = arith.addi %scan3A_85, %add3A_162 : i32
      %lt3A_164 = arith.constant 100 : i32
      %lt3A_165 = arith.cmpi slt, %add3A_163, %lt3A_164 : i32
      %convert_element_type3A_166 = arith.extui %lt3A_165 : i1 to i32
      %cond3A_167 = arith.constant 0 : i32
      %cond3A_168 = arith.cmpi ne, %convert_element_type3A_166, %cond3A_167 : i32
      scf.if %cond3A_168 {
        %add3A_169 = arith.constant 2 : i32
        %add3A_170 = arith.addi %scan3A_85, %add3A_169 : i32
        %shift_right_arithmetic3A_171 = arith.constant 2 : i32
        %shift_right_arithmetic3A_172 = arith.shrsi %add3A_170, %shift_right_arithmetic3A_171 : i32
        %mul3A_173 = arith.constant 43691 : i32
        %mul3A_174 = arith.muli %shift_right_arithmetic3A_172, %mul3A_173 : i32
        %shift_right_arithmetic3A_175 = arith.constant 17 : i32
        %shift_right_arithmetic3A_176 = arith.shrsi %mul3A_174, %shift_right_arithmetic3A_175 : i32
        %mul3A_177 = arith.constant 3 : i32
        %mul3A_178 = arith.muli %mul3A_177, %shift_right_arithmetic3A_176 : i32
        %sub3A_179 = arith.subi %shift_right_arithmetic3A_172, %mul3A_178 : i32
        %and3A_180 = arith.constant 3 : i32
        %and3A_181 = arith.andi %add3A_170, %and3A_180 : i32
        %dma_start3A_182 = arith.constant 0 : i32
        %dma_start3A_183 = arith.constant 0 : i32
        %dma_start3A_184 = arith.constant 0 : i32
        %dma_start3A_185 = tpu.memref_slice %arg7[%sub3A_102, %dma_start3A_183, %dma_start3A_184] : memref<3x100x128xf32, #tpu.memory_space<vmem>> -> memref<1x100x128xf32, #tpu.memory_space<vmem>>
        %dma_start3A_186 = tpu.memref_squeeze %dma_start3A_185 : memref<1x100x128xf32, #tpu.memory_space<vmem>> -> memref<100x128xf32, #tpu.memory_space<vmem>>
        %dma_start3A_187 = arith.constant 0 : i32
        %dma_start3A_188 = tpu.memref_slice %arg6[%sub3A_179, %dma_start3A_182, %and3A_181, %dma_start3A_187] : memref<3x2x4x100xi32, #tpu.memory_space<vmem>> -> memref<1x1x1x100xi32, #tpu.memory_space<vmem>>
        %dma_start3A_189 = tpu.memref_squeeze %dma_start3A_188 : memref<1x1x1x100xi32, #tpu.memory_space<vmem>> -> memref<100xi32, #tpu.memory_space<vmem>>
        %dma_start3A_190 = arith.constant 0 : i32
        %dma_start3A_191 = arith.constant 0 : i32
        %dma_start3A_192 = tpu.memref_slice %arg2[%dma_start3A_190, %dma_start3A_191] : memref<10000x128xf32, #tpu.memory_space<hbm>> -> memref<10000x128xf32, #tpu.memory_space<hbm>>
        tpu.enqueue_indirect_dma source(%dma_start3A_192 : memref<10000x128xf32, #tpu.memory_space<hbm>>) target(%dma_start3A_186 : memref<100x128xf32, #tpu.memory_space<vmem>>) offsets(%dma_start3A_189 : memref<100xi32, #tpu.memory_space<vmem>>) semaphore(%arg10 : memref<!tpu.dma_semaphore, #tpu.memory_space<semaphore_mem>>)
      } else {
      }
    }
    %scan3A_65 = arith.constant 100 : i32
    %dma_wait3A = arith.constant 0 : i32
    %dma_wait3A_66 = arith.constant 0 : i32
    %dma_wait3A_67 = arith.constant 1 : i32
    %dma_wait3A_68 = arith.constant 3 : i32
    %dma_wait3A_69 = arith.constant 0 : i32
    %dma_wait3A_70 = arith.constant 0 : i32
    %dma_wait3A_71 = tpu.memref_slice %arg7[%dma_wait3A, %dma_wait3A_69, %dma_wait3A_70] : memref<3x100x128xf32, #tpu.memory_space<vmem>> -> memref<1x100x128xf32, #tpu.memory_space<vmem>>
    %dma_wait3A_72 = tpu.memref_squeeze %dma_wait3A_71 : memref<1x100x128xf32, #tpu.memory_space<vmem>> -> memref<100x128xf32, #tpu.memory_space<vmem>>
    %dma_wait3A_73 = arith.constant 0 : i32
    %dma_wait3A_74 = tpu.memref_slice %arg6[%dma_wait3A_66, %dma_wait3A_67, %dma_wait3A_68, %dma_wait3A_73] : memref<3x2x4x100xi32, #tpu.memory_space<vmem>> -> memref<1x1x1x100xi32, #tpu.memory_space<vmem>>
    %dma_wait3A_75 = tpu.memref_squeeze %dma_wait3A_74 : memref<1x1x1x100xi32, #tpu.memory_space<vmem>> -> memref<100xi32, #tpu.memory_space<vmem>>
    %dma_wait3A_76 = arith.constant 0 : i32
    %dma_wait3A_77 = arith.constant 0 : i32
    %dma_wait3A_78 = tpu.memref_slice %arg9[%dma_wait3A_76, %dma_wait3A_77] : memref<10000x128xf32, #tpu.memory_space<vmem_shared>> -> memref<10000x128xf32, #tpu.memory_space<vmem_shared>>
    tpu.wait_indirect_dma semaphore(%arg11 : memref<!tpu.dma_semaphore, #tpu.memory_space<semaphore_mem>>) src(%dma_wait3A_72 : memref<100x128xf32, #tpu.memory_space<vmem>>) dst(%dma_wait3A_78 : memref<10000x128xf32, #tpu.memory_space<vmem_shared>>)
    %barrier3A_79 = arith.constant 0 : index
    tpu.barrier barrier_id(%barrier3A_79)
    "tpu.region"() ({
      %run_scoped3A_85 = tpu.sem_alloc : memref<!tpu.dma_semaphore, #tpu.memory_space<semaphore_mem>>
      %dma_start3A_86 = arith.constant 0 : i32
      %dma_start3A_87 = tpu.memref_slice %arg5[%arg0, %mul3A_8, %dma_start3A_86] : memref<2x10000x128xf32, #tpu.memory_space<hbm>> -> memref<1x624x128xf32, #tpu.memory_space<hbm>>
      %dma_start3A_88 = tpu.memref_squeeze %dma_start3A_87 : memref<1x624x128xf32, #tpu.memory_space<hbm>> -> memref<624x128xf32, #tpu.memory_space<hbm>>
      %dma_start3A_89 = arith.constant 0 : i32
      %dma_start3A_90 = tpu.memref_slice %arg9[%mul3A_8, %dma_start3A_89] : memref<10000x128xf32, #tpu.memory_space<vmem_shared>> -> memref<624x128xf32, #tpu.memory_space<vmem_shared>>
      tpu.enqueue_dma source(%dma_start3A_90 : memref<624x128xf32, #tpu.memory_space<vmem_shared>>) target(%dma_start3A_88 : memref<624x128xf32, #tpu.memory_space<hbm>>) target_semaphore(%run_scoped3A_85 : memref<!tpu.dma_semaphore, #tpu.memory_space<semaphore_mem>>)
      %dma_wait3A_91 = arith.constant 0 : i32
      %dma_wait3A_92 = tpu.memref_slice %arg5[%arg0, %mul3A_8, %dma_wait3A_91] : memref<2x10000x128xf32, #tpu.memory_space<hbm>> -> memref<1x624x128xf32, #tpu.memory_space<hbm>>
      %dma_wait3A_93 = tpu.memref_squeeze %dma_wait3A_92 : memref<1x624x128xf32, #tpu.memory_space<hbm>> -> memref<624x128xf32, #tpu.memory_space<hbm>>
      %dma_wait3A_94 = arith.constant 0 : i32
      %dma_wait3A_95 = tpu.memref_slice %arg9[%mul3A_8, %dma_wait3A_94] : memref<10000x128xf32, #tpu.memory_space<vmem_shared>> -> memref<624x128xf32, #tpu.memory_space<vmem_shared>>
      tpu.wait_dma2 semaphore(%run_scoped3A_85 : memref<!tpu.dma_semaphore, #tpu.memory_space<semaphore_mem>>) src(%dma_wait3A_95 : memref<624x128xf32, #tpu.memory_space<vmem_shared>>) dst(%dma_wait3A_93 : memref<624x128xf32, #tpu.memory_space<hbm>>)
      tpu.yield
    }) : () -> ()
    %eq3A_80 = arith.constant 15 : i32
    %eq3A_81 = arith.cmpi eq, %arg1, %eq3A_80 : i32
    %convert_element_type3A_82 = arith.extui %eq3A_81 : i1 to i32
    %cond3A_83 = arith.constant 0 : i32
    %cond3A_84 = arith.cmpi ne, %convert_element_type3A_82, %cond3A_83 : i32
    scf.if %cond3A_84 {
      "tpu.region"() ({
        %run_scoped3A_85 = tpu.sem_alloc : memref<!tpu.dma_semaphore, #tpu.memory_space<semaphore_mem>>
        %dma_start3A_86 = arith.constant 9984 : i32
        %dma_start3A_87 = arith.constant 0 : i32
        %dma_start3A_88 = tpu.memref_slice %arg5[%arg0, %dma_start3A_86, %dma_start3A_87] : memref<2x10000x128xf32, #tpu.memory_space<hbm>> -> memref<1x16x128xf32, #tpu.memory_space<hbm>>
        %dma_start3A_89 = tpu.memref_squeeze %dma_start3A_88 : memref<1x16x128xf32, #tpu.memory_space<hbm>> -> memref<16x128xf32, #tpu.memory_space<hbm>>
        %dma_start3A_90 = arith.constant 9984 : i32
        %dma_start3A_91 = arith.constant 0 : i32
        %dma_start3A_92 = tpu.memref_slice %arg9[%dma_start3A_90, %dma_start3A_91] : memref<10000x128xf32, #tpu.memory_space<vmem_shared>> -> memref<16x128xf32, #tpu.memory_space<vmem_shared>>
        tpu.enqueue_dma source(%dma_start3A_92 : memref<16x128xf32, #tpu.memory_space<vmem_shared>>) target(%dma_start3A_89 : memref<16x128xf32, #tpu.memory_space<hbm>>) target_semaphore(%run_scoped3A_85 : memref<!tpu.dma_semaphore, #tpu.memory_space<semaphore_mem>>)
        %dma_wait3A_93 = arith.constant 9984 : i32
        %dma_wait3A_94 = arith.constant 0 : i32
        %dma_wait3A_95 = tpu.memref_slice %arg5[%arg0, %dma_wait3A_93, %dma_wait3A_94] : memref<2x10000x128xf32, #tpu.memory_space<hbm>> -> memref<1x16x128xf32, #tpu.memory_space<hbm>>
        %dma_wait3A_96 = tpu.memref_squeeze %dma_wait3A_95 : memref<1x16x128xf32, #tpu.memory_space<hbm>> -> memref<16x128xf32, #tpu.memory_space<hbm>>
        %dma_wait3A_97 = arith.constant 9984 : i32
        %dma_wait3A_98 = arith.constant 0 : i32
        %dma_wait3A_99 = tpu.memref_slice %arg9[%dma_wait3A_97, %dma_wait3A_98] : memref<10000x128xf32, #tpu.memory_space<vmem_shared>> -> memref<16x128xf32, #tpu.memory_space<vmem_shared>>
        tpu.wait_dma2 semaphore(%run_scoped3A_85 : memref<!tpu.dma_semaphore, #tpu.memory_space<semaphore_mem>>) src(%dma_wait3A_99 : memref<16x128xf32, #tpu.memory_space<vmem_shared>>) dst(%dma_wait3A_96 : memref<16x128xf32, #tpu.memory_space<hbm>>)
        tpu.yield
      }) : () -> ()
    } else {
    }
    return
  }
}

#map = affine_map<(d0, d1) -> (0, 0, 0)>
#map1 = affine_map<(d0, d1) -> (0, 0)>
module attributes {stable_mosaic.version = 14 : i64} {
  func.func @_sc_degree(%arg0: i32, %arg1: i32, %arg2: memref<32x125x80xi32, #tpu.memory_space<hbm>>, %arg3: memref<32x10000xf32, #tpu.memory_space<hbm>>, %arg4: memref<125x80xi32, #tpu.memory_space<vmem>>, %arg5: memref<10000xf32, #tpu.memory_space<vmem>>) attributes {dimension_semantics = [#tpu.dimension_semantics<core_parallel>, #tpu.dimension_semantics<subcore_parallel>], iteration_bounds = array<i64: 2, 16>, scalar_prefetch = 0 : i64, scratch_operands = 2 : i64, tpu.core_type = #tpu.core_type<sc_vector_subcore>, window_params = [{transform_indices = #map}, {transform_indices = #map1}]} {
    %mul3A = arith.constant 2 : i32
    %mul3A_0 = arith.muli %arg1, %mul3A : i32
    %add3A = arith.addi %mul3A_0, %arg0 : i32
    %broadcast_in_dim3A = arith.constant 0.000000e+00 : f32
    %broadcast_in_dim3A_1 = vector.broadcast %broadcast_in_dim3A : f32 to vector<16xf32>
    %broadcast_in_dim3A_2 = arith.constant 1.000000e+00 : f32
    %broadcast_in_dim3A_3 = vector.broadcast %broadcast_in_dim3A_2 : f32 to vector<16xf32>
    %scan3A = arith.constant 0 : i32
    %scan3A_4 = arith.constant 0 : i32
    %scan3A_5 = arith.constant 625 : i32
    %scan3A_6 = arith.addi %scan3A_4, %scan3A_5 : i32
    %scan3A_7 = arith.constant 1 : i32
    scf.for %scan3A_15 = %scan3A_4 to %scan3A_6 step %scan3A_7  : i32 {
      %mul3A_16 = arith.constant 16 : i32
      %mul3A_17 = arith.muli %scan3A_15, %mul3A_16 : i32
      %swap3A = arith.index_cast %mul3A_17 : i32 to index
      %swap3A_18 = tpu.vector_load %arg5[%swap3A] {strides = array<i32>} : memref<10000xf32, #tpu.memory_space<vmem>>, vector<16xf32>,
      tpu.vector_store %arg5[%swap3A], %broadcast_in_dim3A_1 {strides = array<i32>} : memref<10000xf32, #tpu.memory_space<vmem>>, vector<16xf32>,
    }
    %scan3A_8 = arith.constant 625 : i32
    "tpu.region"() ({
      %run_scoped3A = tpu.sem_alloc : memref<!tpu.dma_semaphore, #tpu.memory_space<semaphore_mem>>
      %dma_start3A = arith.constant 0 : i32
      %dma_start3A_15 = arith.constant 0 : i32
      %dma_start3A_16 = tpu.memref_slice %arg2[%add3A, %dma_start3A, %dma_start3A_15] : memref<32x125x80xi32, #tpu.memory_space<hbm>> -> memref<1x125x80xi32, #tpu.memory_space<hbm>>
      %dma_start3A_17 = tpu.memref_squeeze %dma_start3A_16 : memref<1x125x80xi32, #tpu.memory_space<hbm>> -> memref<125x80xi32, #tpu.memory_space<hbm>>
      %dma_start3A_18 = arith.constant 0 : i32
      %dma_start3A_19 = arith.constant 0 : i32
      %dma_start3A_20 = tpu.memref_slice %arg2[%add3A, %dma_start3A_18, %dma_start3A_19] : memref<32x125x80xi32, #tpu.memory_space<hbm>> -> memref<1x125x80xi32, #tpu.memory_space<hbm>>
      %dma_start3A_21 = tpu.memref_squeeze %dma_start3A_20 : memref<1x125x80xi32, #tpu.memory_space<hbm>> -> memref<125x80xi32, #tpu.memory_space<hbm>>
      tpu.enqueue_dma source(%dma_start3A_21 : memref<125x80xi32, #tpu.memory_space<hbm>>) target(%arg4 : memref<125x80xi32, #tpu.memory_space<vmem>>) target_semaphore(%run_scoped3A : memref<!tpu.dma_semaphore, #tpu.memory_space<semaphore_mem>>)
      %dma_wait3A = arith.constant 0 : i32
      %dma_wait3A_22 = arith.constant 0 : i32
      %dma_wait3A_23 = tpu.memref_slice %arg2[%add3A, %dma_wait3A, %dma_wait3A_22] : memref<32x125x80xi32, #tpu.memory_space<hbm>> -> memref<1x125x80xi32, #tpu.memory_space<hbm>>
      %dma_wait3A_24 = tpu.memref_squeeze %dma_wait3A_23 : memref<1x125x80xi32, #tpu.memory_space<hbm>> -> memref<125x80xi32, #tpu.memory_space<hbm>>
      %dma_wait3A_25 = arith.constant 0 : i32
      %dma_wait3A_26 = arith.constant 0 : i32
      %dma_wait3A_27 = tpu.memref_slice %arg2[%add3A, %dma_wait3A_25, %dma_wait3A_26] : memref<32x125x80xi32, #tpu.memory_space<hbm>> -> memref<1x125x80xi32, #tpu.memory_space<hbm>>
      %dma_wait3A_28 = tpu.memref_squeeze %dma_wait3A_27 : memref<1x125x80xi32, #tpu.memory_space<hbm>> -> memref<125x80xi32, #tpu.memory_space<hbm>>
      tpu.wait_dma2 semaphore(%run_scoped3A : memref<!tpu.dma_semaphore, #tpu.memory_space<semaphore_mem>>) src(%dma_wait3A_28 : memref<125x80xi32, #tpu.memory_space<hbm>>) dst(%arg4 : memref<125x80xi32, #tpu.memory_space<vmem>>)
      tpu.yield
    }) : () -> ()
    %scan3A_9 = arith.constant 0 : i32
    %scan3A_10 = arith.constant 0 : i32
    %scan3A_11 = arith.constant 125 : i32
    %scan3A_12 = arith.addi %scan3A_10, %scan3A_11 : i32
    %scan3A_13 = arith.constant 1 : i32
    scf.for %scan3A_15 = %scan3A_10 to %scan3A_12 step %scan3A_13  : i32 {
      %get3A = arith.index_cast %scan3A_15 : i32 to index
      %get3A_16 = arith.constant 0 : index
      %get3A_17 = tpu.vector_load %arg4[%get3A, %get3A_16] {strides = array<i32>} : memref<125x80xi32, #tpu.memory_space<vmem>>, vector<16xi32>,
      tpu.vector_store_idx %arg5[%get3A_17], %broadcast_in_dim3A_3 {add = true} : memref<10000xf32, #tpu.memory_space<vmem>>[vector<16xi32>], vector<16xf32>,
      %get3A_18 = arith.index_cast %scan3A_15 : i32 to index
      %get3A_19 = arith.constant 16 : index
      %get3A_20 = tpu.vector_load %arg4[%get3A_18, %get3A_19] {strides = array<i32>} : memref<125x80xi32, #tpu.memory_space<vmem>>, vector<16xi32>,
      tpu.vector_store_idx %arg5[%get3A_20], %broadcast_in_dim3A_3 {add = true} : memref<10000xf32, #tpu.memory_space<vmem>>[vector<16xi32>], vector<16xf32>,
      %get3A_21 = arith.index_cast %scan3A_15 : i32 to index
      %get3A_22 = arith.constant 32 : index
      %get3A_23 = tpu.vector_load %arg4[%get3A_21, %get3A_22] {strides = array<i32>} : memref<125x80xi32, #tpu.memory_space<vmem>>, vector<16xi32>,
      tpu.vector_store_idx %arg5[%get3A_23], %broadcast_in_dim3A_3 {add = true} : memref<10000xf32, #tpu.memory_space<vmem>>[vector<16xi32>], vector<16xf32>,
      %get3A_24 = arith.index_cast %scan3A_15 : i32 to index
      %get3A_25 = arith.constant 48 : index
      %get3A_26 = tpu.vector_load %arg4[%get3A_24, %get3A_25] {strides = array<i32>} : memref<125x80xi32, #tpu.memory_space<vmem>>, vector<16xi32>,
      tpu.vector_store_idx %arg5[%get3A_26], %broadcast_in_dim3A_3 {add = true} : memref<10000xf32, #tpu.memory_space<vmem>>[vector<16xi32>], vector<16xf32>,
      %get3A_27 = arith.index_cast %scan3A_15 : i32 to index
      %get3A_28 = arith.constant 64 : index
      %get3A_29 = tpu.vector_load %arg4[%get3A_27, %get3A_28] {strides = array<i32>} : memref<125x80xi32, #tpu.memory_space<vmem>>, vector<16xi32>,
      tpu.vector_store_idx %arg5[%get3A_29], %broadcast_in_dim3A_3 {add = true} : memref<10000xf32, #tpu.memory_space<vmem>>[vector<16xi32>], vector<16xf32>,
    }
    %scan3A_14 = arith.constant 125 : i32
    "tpu.region"() ({
      %run_scoped3A = tpu.sem_alloc : memref<!tpu.dma_semaphore, #tpu.memory_space<semaphore_mem>>
      %dma_start3A = arith.constant 0 : i32
      %dma_start3A_15 = tpu.memref_slice %arg3[%add3A, %dma_start3A] : memref<32x10000xf32, #tpu.memory_space<hbm>> -> memref<1x10000xf32, #tpu.memory_space<hbm>>
      %dma_start3A_16 = tpu.memref_squeeze %dma_start3A_15 : memref<1x10000xf32, #tpu.memory_space<hbm>> -> memref<10000xf32, #tpu.memory_space<hbm>>
      %dma_start3A_17 = arith.constant 0 : i32
      %dma_start3A_18 = tpu.memref_slice %arg3[%add3A, %dma_start3A_17] : memref<32x10000xf32, #tpu.memory_space<hbm>> -> memref<1x10000xf32, #tpu.memory_space<hbm>>
      %dma_start3A_19 = tpu.memref_squeeze %dma_start3A_18 : memref<1x10000xf32, #tpu.memory_space<hbm>> -> memref<10000xf32, #tpu.memory_space<hbm>>
      tpu.enqueue_dma source(%arg5 : memref<10000xf32, #tpu.memory_space<vmem>>) target(%dma_start3A_19 : memref<10000xf32, #tpu.memory_space<hbm>>) target_semaphore(%run_scoped3A : memref<!tpu.dma_semaphore, #tpu.memory_space<semaphore_mem>>)
      %dma_wait3A = arith.constant 0 : i32
      %dma_wait3A_20 = tpu.memref_slice %arg3[%add3A, %dma_wait3A] : memref<32x10000xf32, #tpu.memory_space<hbm>> -> memref<1x10000xf32, #tpu.memory_space<hbm>>
      %dma_wait3A_21 = tpu.memref_squeeze %dma_wait3A_20 : memref<1x10000xf32, #tpu.memory_space<hbm>> -> memref<10000xf32, #tpu.memory_space<hbm>>
      %dma_wait3A_22 = arith.constant 0 : i32
      %dma_wait3A_23 = tpu.memref_slice %arg3[%add3A, %dma_wait3A_22] : memref<32x10000xf32, #tpu.memory_space<hbm>> -> memref<1x10000xf32, #tpu.memory_space<hbm>>
      %dma_wait3A_24 = tpu.memref_squeeze %dma_wait3A_23 : memref<1x10000xf32, #tpu.memory_space<hbm>> -> memref<10000xf32, #tpu.memory_space<hbm>>
      tpu.wait_dma2 semaphore(%run_scoped3A : memref<!tpu.dma_semaphore, #tpu.memory_space<semaphore_mem>>) src(%arg5 : memref<10000xf32, #tpu.memory_space<vmem>>) dst(%dma_wait3A_24 : memref<10000xf32, #tpu.memory_space<hbm>>)
      tpu.yield
    }) : () -> ()
    return
  }
}

#map = affine_map<(d0, d1) -> (0, 0)>
#map1 = affine_map<(d0, d1) -> (0, 0, 0, 0)>
#map2 = affine_map<(d0, d1) -> (0, 0, 0)>
module attributes {stable_mosaic.version = 14 : i64} {
  func.func @_sc_aggregate(%arg0: i32, %arg1: i32, %arg2: memref<10000x128xf32, #tpu.memory_space<hbm>>, %arg3: memref<32x25x4x100xi32, #tpu.memory_space<hbm>>, %arg4: memref<32x25x4x100xi32, #tpu.memory_space<hbm>>, %arg5: memref<2x10000x128xf32, #tpu.memory_space<hbm>>, %arg6: memref<3x2x4x100xi32, #tpu.memory_space<vmem>>, %arg7: memref<3x100x128xf32, #tpu.memory_space<vmem>>, %arg8: memref<48x128xf32, #tpu.memory_space<vmem>>, %arg9: memref<10000x128xf32, #tpu.memory_space<vmem_shared>>, %arg10: memref<!tpu.dma_semaphore, #tpu.memory_space<semaphore_mem>>, %arg11: memref<!tpu.dma_semaphore, #tpu.memory_space<semaphore_mem>>, %arg12: memref<!tpu.dma_semaphore, #tpu.memory_space<semaphore_mem>>, %arg13: memref<!tpu.dma_semaphore, #tpu.memory_space<semaphore_mem>>) attributes {dimension_semantics = [#tpu.dimension_semantics<core_parallel>, #tpu.dimension_semantics<subcore_parallel>], iteration_bounds = array<i64: 2, 16>, scalar_prefetch = 0 : i64, scratch_operands = 8 : i64, tpu.core_type = #tpu.core_type<sc_vector_subcore>, window_params = [{transform_indices = #map}, {transform_indices = #map1}, {transform_indices = #map1}, {transform_indices = #map2}]} {
    %mul3A = arith.constant 2 : i32
    %mul3A_0 = arith.muli %arg1, %mul3A : i32
    %add3A = arith.addi %mul3A_0, %arg0 : i32
    %broadcast_in_dim3A = arith.constant 0.000000e+00 : f32
    %broadcast_in_dim3A_1 = vector.broadcast %broadcast_in_dim3A : f32 to vector<16xf32>
    %scan3A = arith.constant 0 : i32
    %scan3A_2 = arith.constant 0 : i32
    %scan3A_3 = arith.constant 48 : i32
    %scan3A_4 = arith.addi %scan3A_2, %scan3A_3 : i32
    %scan3A_5 = arith.constant 1 : i32
    scf.for %scan3A_85 = %scan3A_2 to %scan3A_4 step %scan3A_5  : i32 {
      %swap3A = arith.index_cast %scan3A_85 : i32 to index
      %swap3A_86 = arith.constant 0 : index
      %swap3A_87 = tpu.vector_load %arg8[%swap3A, %swap3A_86] {strides = array<i32>} : memref<48x128xf32, #tpu.memory_space<vmem>>, vector<1x16xf32>,
      %swap3A_88 = vector.shape_cast %swap3A_87 : vector<1x16xf32> to vector<16xf32>
      %swap3A_89 = vector.shape_cast %broadcast_in_dim3A_1 : vector<16xf32> to vector<1x16xf32>
      tpu.vector_store %arg8[%swap3A, %swap3A_86], %swap3A_89 {strides = array<i32>} : memref<48x128xf32, #tpu.memory_space<vmem>>, vector<1x16xf32>,
      %swap3A_90 = arith.index_cast %scan3A_85 : i32 to index
      %swap3A_91 = arith.constant 16 : index
      %swap3A_92 = tpu.vector_load %arg8[%swap3A_90, %swap3A_91] {strides = array<i32>} : memref<48x128xf32, #tpu.memory_space<vmem>>, vector<1x16xf32>,
      %swap3A_93 = vector.shape_cast %swap3A_92 : vector<1x16xf32> to vector<16xf32>
      %swap3A_94 = vector.shape_cast %broadcast_in_dim3A_1 : vector<16xf32> to vector<1x16xf32>
      tpu.vector_store %arg8[%swap3A_90, %swap3A_91], %swap3A_94 {strides = array<i32>} : memref<48x128xf32, #tpu.memory_space<vmem>>, vector<1x16xf32>,
      %swap3A_95 = arith.index_cast %scan3A_85 : i32 to index
      %swap3A_96 = arith.constant 32 : index
      %swap3A_97 = tpu.vector_load %arg8[%swap3A_95, %swap3A_96] {strides = array<i32>} : memref<48x128xf32, #tpu.memory_space<vmem>>, vector<1x16xf32>,
      %swap3A_98 = vector.shape_cast %swap3A_97 : vector<1x16xf32> to vector<16xf32>
      %swap3A_99 = vector.shape_cast %broadcast_in_dim3A_1 : vector<16xf32> to vector<1x16xf32>
      tpu.vector_store %arg8[%swap3A_95, %swap3A_96], %swap3A_99 {strides = array<i32>} : memref<48x128xf32, #tpu.memory_space<vmem>>, vector<1x16xf32>,
      %swap3A_100 = arith.index_cast %scan3A_85 : i32 to index
      %swap3A_101 = arith.constant 48 : index
      %swap3A_102 = tpu.vector_load %arg8[%swap3A_100, %swap3A_101] {strides = array<i32>} : memref<48x128xf32, #tpu.memory_space<vmem>>, vector<1x16xf32>,
      %swap3A_103 = vector.shape_cast %swap3A_102 : vector<1x16xf32> to vector<16xf32>
      %swap3A_104 = vector.shape_cast %broadcast_in_dim3A_1 : vector<16xf32> to vector<1x16xf32>
      tpu.vector_store %arg8[%swap3A_100, %swap3A_101], %swap3A_104 {strides = array<i32>} : memref<48x128xf32, #tpu.memory_space<vmem>>, vector<1x16xf32>,
      %swap3A_105 = arith.index_cast %scan3A_85 : i32 to index
      %swap3A_106 = arith.constant 64 : index
      %swap3A_107 = tpu.vector_load %arg8[%swap3A_105, %swap3A_106] {strides = array<i32>} : memref<48x128xf32, #tpu.memory_space<vmem>>, vector<1x16xf32>,
      %swap3A_108 = vector.shape_cast %swap3A_107 : vector<1x16xf32> to vector<16xf32>
      %swap3A_109 = vector.shape_cast %broadcast_in_dim3A_1 : vector<16xf32> to vector<1x16xf32>
      tpu.vector_store %arg8[%swap3A_105, %swap3A_106], %swap3A_109 {strides = array<i32>} : memref<48x128xf32, #tpu.memory_space<vmem>>, vector<1x16xf32>,
      %swap3A_110 = arith.index_cast %scan3A_85 : i32 to index
      %swap3A_111 = arith.constant 80 : index
      %swap3A_112 = tpu.vector_load %arg8[%swap3A_110, %swap3A_111] {strides = array<i32>} : memref<48x128xf32, #tpu.memory_space<vmem>>, vector<1x16xf32>,
      %swap3A_113 = vector.shape_cast %swap3A_112 : vector<1x16xf32> to vector<16xf32>
      %swap3A_114 = vector.shape_cast %broadcast_in_dim3A_1 : vector<16xf32> to vector<1x16xf32>
      tpu.vector_store %arg8[%swap3A_110, %swap3A_111], %swap3A_114 {strides = array<i32>} : memref<48x128xf32, #tpu.memory_space<vmem>>, vector<1x16xf32>,
      %swap3A_115 = arith.index_cast %scan3A_85 : i32 to index
      %swap3A_116 = arith.constant 96 : index
      %swap3A_117 = tpu.vector_load %arg8[%swap3A_115, %swap3A_116] {strides = array<i32>} : memref<48x128xf32, #tpu.memory_space<vmem>>, vector<1x16xf32>,
      %swap3A_118 = vector.shape_cast %swap3A_117 : vector<1x16xf32> to vector<16xf32>
      %swap3A_119 = vector.shape_cast %broadcast_in_dim3A_1 : vector<16xf32> to vector<1x16xf32>
      tpu.vector_store %arg8[%swap3A_115, %swap3A_116], %swap3A_119 {strides = array<i32>} : memref<48x128xf32, #tpu.memory_space<vmem>>, vector<1x16xf32>,
      %swap3A_120 = arith.index_cast %scan3A_85 : i32 to index
      %swap3A_121 = arith.constant 112 : index
      %swap3A_122 = tpu.vector_load %arg8[%swap3A_120, %swap3A_121] {strides = array<i32>} : memref<48x128xf32, #tpu.memory_space<vmem>>, vector<1x16xf32>,
      %swap3A_123 = vector.shape_cast %swap3A_122 : vector<1x16xf32> to vector<16xf32>
      %swap3A_124 = vector.shape_cast %broadcast_in_dim3A_1 : vector<16xf32> to vector<1x16xf32>
      tpu.vector_store %arg8[%swap3A_120, %swap3A_121], %swap3A_124 {strides = array<i32>} : memref<48x128xf32, #tpu.memory_space<vmem>>, vector<1x16xf32>,
    }
    %scan3A_6 = arith.constant 48 : i32
    %mul3A_7 = arith.constant 624 : i32
    %mul3A_8 = arith.muli %arg1, %mul3A_7 : i32
    %run_scoped3A = arith.constant 0 : i32
    %run_scoped3A_9 = arith.constant 0 : i32
    %run_scoped3A_10 = arith.constant 0 : i32
    "tpu.region"() ({
      %run_scoped3A_85 = tpu.sem_alloc : memref<!tpu.dma_semaphore, #tpu.memory_space<semaphore_mem>>
      %dma_start3A_86 = arith.constant 0 : i32
      %dma_start3A_87 = arith.constant 0 : i32
      %dma_start3A_88 = tpu.memref_slice %arg6[%run_scoped3A_9, %run_scoped3A_10, %dma_start3A_86, %dma_start3A_87] : memref<3x2x4x100xi32, #tpu.memory_space<vmem>> -> memref<1x1x4x100xi32, #tpu.memory_space<vmem>>
      %dma_start3A_89 = tpu.memref_squeeze %dma_start3A_88 : memref<1x1x4x100xi32, #tpu.memory_space<vmem>> -> memref<4x100xi32, #tpu.memory_space<vmem>>
      %dma_start3A_90 = arith.constant 0 : i32
      %dma_start3A_91 = arith.constant 0 : i32
      %dma_start3A_92 = tpu.memref_slice %arg3[%add3A, %run_scoped3A, %dma_start3A_90, %dma_start3A_91] : memref<32x25x4x100xi32, #tpu.memory_space<hbm>> -> memref<1x1x4x100xi32, #tpu.memory_space<hbm>>
      %dma_start3A_93 = tpu.memref_squeeze %dma_start3A_92 : memref<1x1x4x100xi32, #tpu.memory_space<hbm>> -> memref<4x100xi32, #tpu.memory_space<hbm>>
      %dma_start3A_94 = arith.constant 0 : i32
      %dma_start3A_95 = arith.constant 0 : i32
      %dma_start3A_96 = tpu.memref_slice %arg6[%run_scoped3A_9, %run_scoped3A_10, %dma_start3A_94, %dma_start3A_95] : memref<3x2x4x100xi32, #tpu.memory_space<vmem>> -> memref<1x1x4x100xi32, #tpu.memory_space<vmem>>
      %dma_start3A_97 = tpu.memref_squeeze %dma_start3A_96 : memref<1x1x4x100xi32, #tpu.memory_space<vmem>> -> memref<4x100xi32, #tpu.memory_space<vmem>>
      %dma_start3A_98 = arith.constant 0 : i32
      %dma_start3A_99 = arith.constant 0 : i32
      %dma_start3A_100 = tpu.memref_slice %arg3[%add3A, %run_scoped3A, %dma_start3A_98, %dma_start3A_99] : memref<32x25x4x100xi32, #tpu.memory_space<hbm>> -> memref<1x1x4x100xi32, #tpu.memory_space<hbm>>
      %dma_start3A_101 = tpu.memref_squeeze %dma_start3A_100 : memref<1x1x4x100xi32, #tpu.memory_space<hbm>> -> memref<4x100xi32, #tpu.memory_space<hbm>>
      tpu.enqueue_dma source(%dma_start3A_101 : memref<4x100xi32, #tpu.memory_space<hbm>>) target(%dma_start3A_97 : memref<4x100xi32, #tpu.memory_space<vmem>>) target_semaphore(%run_scoped3A_85 : memref<!tpu.dma_semaphore, #tpu.memory_space<semaphore_mem>>)
      %dma_wait3A_102 = arith.constant 0 : i32
      %dma_wait3A_103 = arith.constant 0 : i32
      %dma_wait3A_104 = tpu.memref_slice %arg6[%run_scoped3A_9, %run_scoped3A_10, %dma_wait3A_102, %dma_wait3A_103] : memref<3x2x4x100xi32, #tpu.memory_space<vmem>> -> memref<1x1x4x100xi32, #tpu.memory_space<vmem>>
      %dma_wait3A_105 = tpu.memref_squeeze %dma_wait3A_104 : memref<1x1x4x100xi32, #tpu.memory_space<vmem>> -> memref<4x100xi32, #tpu.memory_space<vmem>>
      %dma_wait3A_106 = arith.constant 0 : i32
      %dma_wait3A_107 = arith.constant 0 : i32
      %dma_wait3A_108 = tpu.memref_slice %arg3[%add3A, %run_scoped3A, %dma_wait3A_106, %dma_wait3A_107] : memref<32x25x4x100xi32, #tpu.memory_space<hbm>> -> memref<1x1x4x100xi32, #tpu.memory_space<hbm>>
      %dma_wait3A_109 = tpu.memref_squeeze %dma_wait3A_108 : memref<1x1x4x100xi32, #tpu.memory_space<hbm>> -> memref<4x100xi32, #tpu.memory_space<hbm>>
      %dma_wait3A_110 = arith.constant 0 : i32
      %dma_wait3A_111 = arith.constant 0 : i32
      %dma_wait3A_112 = tpu.memref_slice %arg6[%run_scoped3A_9, %run_scoped3A_10, %dma_wait3A_110, %dma_wait3A_111] : memref<3x2x4x100xi32, #tpu.memory_space<vmem>> -> memref<1x1x4x100xi32, #tpu.memory_space<vmem>>
      %dma_wait3A_113 = tpu.memref_squeeze %dma_wait3A_112 : memref<1x1x4x100xi32, #tpu.memory_space<vmem>> -> memref<4x100xi32, #tpu.memory_space<vmem>>
      %dma_wait3A_114 = arith.constant 0 : i32
      %dma_wait3A_115 = arith.constant 0 : i32
      %dma_wait3A_116 = tpu.memref_slice %arg3[%add3A, %run_scoped3A, %dma_wait3A_114, %dma_wait3A_115] : memref<32x25x4x100xi32, #tpu.memory_space<hbm>> -> memref<1x1x4x100xi32, #tpu.memory_space<hbm>>
      %dma_wait3A_117 = tpu.memref_squeeze %dma_wait3A_116 : memref<1x1x4x100xi32, #tpu.memory_space<hbm>> -> memref<4x100xi32, #tpu.memory_space<hbm>>
      tpu.wait_dma2 semaphore(%run_scoped3A_85 : memref<!tpu.dma_semaphore, #tpu.memory_space<semaphore_mem>>) src(%dma_wait3A_117 : memref<4x100xi32, #tpu.memory_space<hbm>>) dst(%dma_wait3A_113 : memref<4x100xi32, #tpu.memory_space<vmem>>)
      tpu.yield
    }) : () -> ()
    %run_scoped3A_11 = arith.constant 0 : i32
    %run_scoped3A_12 = arith.constant 0 : i32
    %run_scoped3A_13 = arith.constant 1 : i32
    "tpu.region"() ({
      %run_scoped3A_85 = tpu.sem_alloc : memref<!tpu.dma_semaphore, #tpu.memory_space<semaphore_mem>>
      %dma_start3A_86 = arith.constant 0 : i32
      %dma_start3A_87 = arith.constant 0 : i32
      %dma_start3A_88 = tpu.memref_slice %arg6[%run_scoped3A_12, %run_scoped3A_13, %dma_start3A_86, %dma_start3A_87] : memref<3x2x4x100xi32, #tpu.memory_space<vmem>> -> memref<1x1x4x100xi32, #tpu.memory_space<vmem>>
      %dma_start3A_89 = tpu.memref_squeeze %dma_start3A_88 : memref<1x1x4x100xi32, #tpu.memory_space<vmem>> -> memref<4x100xi32, #tpu.memory_space<vmem>>
      %dma_start3A_90 = arith.constant 0 : i32
      %dma_start3A_91 = arith.constant 0 : i32
      %dma_start3A_92 = tpu.memref_slice %arg4[%add3A, %run_scoped3A_11, %dma_start3A_90, %dma_start3A_91] : memref<32x25x4x100xi32, #tpu.memory_space<hbm>> -> memref<1x1x4x100xi32, #tpu.memory_space<hbm>>
      %dma_start3A_93 = tpu.memref_squeeze %dma_start3A_92 : memref<1x1x4x100xi32, #tpu.memory_space<hbm>> -> memref<4x100xi32, #tpu.memory_space<hbm>>
      %dma_start3A_94 = arith.constant 0 : i32
      %dma_start3A_95 = arith.constant 0 : i32
      %dma_start3A_96 = tpu.memref_slice %arg6[%run_scoped3A_12, %run_scoped3A_13, %dma_start3A_94, %dma_start3A_95] : memref<3x2x4x100xi32, #tpu.memory_space<vmem>> -> memref<1x1x4x100xi32, #tpu.memory_space<vmem>>
      %dma_start3A_97 = tpu.memref_squeeze %dma_start3A_96 : memref<1x1x4x100xi32, #tpu.memory_space<vmem>> -> memref<4x100xi32, #tpu.memory_space<vmem>>
      %dma_start3A_98 = arith.constant 0 : i32
      %dma_start3A_99 = arith.constant 0 : i32
      %dma_start3A_100 = tpu.memref_slice %arg4[%add3A, %run_scoped3A_11, %dma_start3A_98, %dma_start3A_99] : memref<32x25x4x100xi32, #tpu.memory_space<hbm>> -> memref<1x1x4x100xi32, #tpu.memory_space<hbm>>
      %dma_start3A_101 = tpu.memref_squeeze %dma_start3A_100 : memref<1x1x4x100xi32, #tpu.memory_space<hbm>> -> memref<4x100xi32, #tpu.memory_space<hbm>>
      tpu.enqueue_dma source(%dma_start3A_101 : memref<4x100xi32, #tpu.memory_space<hbm>>) target(%dma_start3A_97 : memref<4x100xi32, #tpu.memory_space<vmem>>) target_semaphore(%run_scoped3A_85 : memref<!tpu.dma_semaphore, #tpu.memory_space<semaphore_mem>>)
      %dma_wait3A_102 = arith.constant 0 : i32
      %dma_wait3A_103 = arith.constant 0 : i32
      %dma_wait3A_104 = tpu.memref_slice %arg6[%run_scoped3A_12, %run_scoped3A_13, %dma_wait3A_102, %dma_wait3A_103] : memref<3x2x4x100xi32, #tpu.memory_space<vmem>> -> memref<1x1x4x100xi32, #tpu.memory_space<vmem>>
      %dma_wait3A_105 = tpu.memref_squeeze %dma_wait3A_104 : memref<1x1x4x100xi32, #tpu.memory_space<vmem>> -> memref<4x100xi32, #tpu.memory_space<vmem>>
      %dma_wait3A_106 = arith.constant 0 : i32
      %dma_wait3A_107 = arith.constant 0 : i32
      %dma_wait3A_108 = tpu.memref_slice %arg4[%add3A, %run_scoped3A_11, %dma_wait3A_106, %dma_wait3A_107] : memref<32x25x4x100xi32, #tpu.memory_space<hbm>> -> memref<1x1x4x100xi32, #tpu.memory_space<hbm>>
      %dma_wait3A_109 = tpu.memref_squeeze %dma_wait3A_108 : memref<1x1x4x100xi32, #tpu.memory_space<hbm>> -> memref<4x100xi32, #tpu.memory_space<hbm>>
      %dma_wait3A_110 = arith.constant 0 : i32
      %dma_wait3A_111 = arith.constant 0 : i32
      %dma_wait3A_112 = tpu.memref_slice %arg6[%run_scoped3A_12, %run_scoped3A_13, %dma_wait3A_110, %dma_wait3A_111] : memref<3x2x4x100xi32, #tpu.memory_space<vmem>> -> memref<1x1x4x100xi32, #tpu.memory_space<vmem>>
      %dma_wait3A_113 = tpu.memref_squeeze %dma_wait3A_112 : memref<1x1x4x100xi32, #tpu.memory_space<vmem>> -> memref<4x100xi32, #tpu.memory_space<vmem>>
      %dma_wait3A_114 = arith.constant 0 : i32
      %dma_wait3A_115 = arith.constant 0 : i32
      %dma_wait3A_116 = tpu.memref_slice %arg4[%add3A, %run_scoped3A_11, %dma_wait3A_114, %dma_wait3A_115] : memref<32x25x4x100xi32, #tpu.memory_space<hbm>> -> memref<1x1x4x100xi32, #tpu.memory_space<hbm>>
      %dma_wait3A_117 = tpu.memref_squeeze %dma_wait3A_116 : memref<1x1x4x100xi32, #tpu.memory_space<hbm>> -> memref<4x100xi32, #tpu.memory_space<hbm>>
      tpu.wait_dma2 semaphore(%run_scoped3A_85 : memref<!tpu.dma_semaphore, #tpu.memory_space<semaphore_mem>>) src(%dma_wait3A_117 : memref<4x100xi32, #tpu.memory_space<hbm>>) dst(%dma_wait3A_113 : memref<4x100xi32, #tpu.memory_space<vmem>>)
      tpu.yield
    }) : () -> ()
    %dma_start3A = arith.constant 0 : i32
    %dma_start3A_14 = arith.constant 0 : i32
    %dma_start3A_15 = arith.constant 0 : i32
    %dma_start3A_16 = arith.constant 0 : i32
    %dma_start3A_17 = arith.constant 0 : i32
    %dma_start3A_18 = arith.constant 0 : i32
    %dma_start3A_19 = tpu.memref_slice %arg7[%dma_start3A_16, %dma_start3A_17, %dma_start3A_18] : memref<3x100x128xf32, #tpu.memory_space<vmem>> -> memref<1x100x128xf32, #tpu.memory_space<vmem>>
    %dma_start3A_20 = tpu.memref_squeeze %dma_start3A_19 : memref<1x100x128xf32, #tpu.memory_space<vmem>> -> memref<100x128xf32, #tpu.memory_space<vmem>>
    %dma_start3A_21 = arith.constant 0 : i32
    %dma_start3A_22 = tpu.memref_slice %arg6[%dma_start3A, %dma_start3A_14, %dma_start3A_15, %dma_start3A_21] : memref<3x2x4x100xi32, #tpu.memory_space<vmem>> -> memref<1x1x1x100xi32, #tpu.memory_space<vmem>>
    %dma_start3A_23 = tpu.memref_squeeze %dma_start3A_22 : memref<1x1x1x100xi32, #tpu.memory_space<vmem>> -> memref<100xi32, #tpu.memory_space<vmem>>
    %dma_start3A_24 = arith.constant 0 : i32
    %dma_start3A_25 = arith.constant 0 : i32
    %dma_start3A_26 = tpu.memref_slice %arg2[%dma_start3A_24, %dma_start3A_25] : memref<10000x128xf32, #tpu.memory_space<hbm>> -> memref<10000x128xf32, #tpu.memory_space<hbm>>
    tpu.enqueue_indirect_dma source(%dma_start3A_26 : memref<10000x128xf32, #tpu.memory_space<hbm>>) target(%dma_start3A_20 : memref<100x128xf32, #tpu.memory_space<vmem>>) offsets(%dma_start3A_23 : memref<100xi32, #tpu.memory_space<vmem>>) semaphore(%arg10 : memref<!tpu.dma_semaphore, #tpu.memory_space<semaphore_mem>>)
    %dma_start3A_27 = arith.constant 0 : i32
    %dma_start3A_28 = arith.constant 0 : i32
    %dma_start3A_29 = arith.constant 1 : i32
    %dma_start3A_30 = arith.constant 1 : i32
    %dma_start3A_31 = arith.constant 0 : i32
    %dma_start3A_32 = arith.constant 0 : i32
    %dma_start3A_33 = tpu.memref_slice %arg7[%dma_start3A_30, %dma_start3A_31, %dma_start3A_32] : memref<3x100x128xf32, #tpu.memory_space<vmem>> -> memref<1x100x128xf32, #tpu.memory_space<vmem>>
    %dma_start3A_34 = tpu.memref_squeeze %dma_start3A_33 : memref<1x100x128xf32, #tpu.memory_space<vmem>> -> memref<100x128xf32, #tpu.memory_space<vmem>>
    %dma_start3A_35 = arith.constant 0 : i32
    %dma_start3A_36 = tpu.memref_slice %arg6[%dma_start3A_27, %dma_start3A_28, %dma_start3A_29, %dma_start3A_35] : memref<3x2x4x100xi32, #tpu.memory_space<vmem>> -> memref<1x1x1x100xi32, #tpu.memory_space<vmem>>
    %dma_start3A_37 = tpu.memref_squeeze %dma_start3A_36 : memref<1x1x1x100xi32, #tpu.memory_space<vmem>> -> memref<100xi32, #tpu.memory_space<vmem>>
    %dma_start3A_38 = arith.constant 0 : i32
    %dma_start3A_39 = arith.constant 0 : i32
    %dma_start3A_40 = tpu.memref_slice %arg2[%dma_start3A_38, %dma_start3A_39] : memref<10000x128xf32, #tpu.memory_space<hbm>> -> memref<10000x128xf32, #tpu.memory_space<hbm>>
    tpu.enqueue_indirect_dma source(%dma_start3A_40 : memref<10000x128xf32, #tpu.memory_space<hbm>>) target(%dma_start3A_34 : memref<100x128xf32, #tpu.memory_space<vmem>>) offsets(%dma_start3A_37 : memref<100xi32, #tpu.memory_space<vmem>>) semaphore(%arg10 : memref<!tpu.dma_semaphore, #tpu.memory_space<semaphore_mem>>)
    %scan3A_41 = arith.constant 0 : i32
    %scan3A_42 = arith.constant 0 : i32
    %scan3A_43 = arith.constant 13 : i32
    %scan3A_44 = arith.addi %scan3A_42, %scan3A_43 : i32
    %scan3A_45 = arith.constant 1 : i32
    scf.for %scan3A_85 = %scan3A_42 to %scan3A_44 step %scan3A_45  : i32 {
      %mul3A_86 = arith.constant 48 : i32
      %mul3A_87 = arith.muli %scan3A_85, %mul3A_86 : i32
      %add3A_88 = arith.addi %mul3A_8, %mul3A_87 : i32
      %dma_start3A_89 = arith.constant 0 : i32
      %dma_start3A_90 = tpu.memref_slice %arg9[%add3A_88, %dma_start3A_89] : memref<10000x128xf32, #tpu.memory_space<vmem_shared>> -> memref<48x128xf32, #tpu.memory_space<vmem_shared>>
      %dma_start3A_91 = arith.constant 0 : i32
      %dma_start3A_92 = tpu.memref_slice %arg9[%add3A_88, %dma_start3A_91] : memref<10000x128xf32, #tpu.memory_space<vmem_shared>> -> memref<48x128xf32, #tpu.memory_space<vmem_shared>>
      tpu.enqueue_dma source(%arg8 : memref<48x128xf32, #tpu.memory_space<vmem>>) target(%dma_start3A_92 : memref<48x128xf32, #tpu.memory_space<vmem_shared>>) target_semaphore(%arg13 : memref<!tpu.dma_semaphore, #tpu.memory_space<semaphore_mem>>)
    }
    %scan3A_46 = arith.constant 13 : i32
    %eq3A = arith.constant 15 : i32
    %eq3A_47 = arith.cmpi eq, %arg1, %eq3A : i32
    %convert_element_type3A = arith.extui %eq3A_47 : i1 to i32
    %cond3A = arith.constant 0 : i32
    %cond3A_48 = arith.cmpi ne, %convert_element_type3A, %cond3A : i32
    scf.if %cond3A_48 {
      %dma_start3A_85 = arith.constant 0 : i32
      %dma_start3A_86 = arith.constant 0 : i32
      %dma_start3A_87 = tpu.memref_slice %arg8[%dma_start3A_85, %dma_start3A_86] : memref<48x128xf32, #tpu.memory_space<vmem>> -> memref<16x128xf32, #tpu.memory_space<vmem>>
      %dma_start3A_88 = arith.constant 9984 : i32
      %dma_start3A_89 = arith.constant 0 : i32
      %dma_start3A_90 = tpu.memref_slice %arg9[%dma_start3A_88, %dma_start3A_89] : memref<10000x128xf32, #tpu.memory_space<vmem_shared>> -> memref<16x128xf32, #tpu.memory_space<vmem_shared>>
      %dma_start3A_91 = arith.constant 9984 : i32
      %dma_start3A_92 = arith.constant 0 : i32
      %dma_start3A_93 = tpu.memref_slice %arg9[%dma_start3A_91, %dma_start3A_92] : memref<10000x128xf32, #tpu.memory_space<vmem_shared>> -> memref<16x128xf32, #tpu.memory_space<vmem_shared>>
      %dma_start3A_94 = arith.constant 0 : i32
      %dma_start3A_95 = arith.constant 0 : i32
      %dma_start3A_96 = tpu.memref_slice %arg8[%dma_start3A_94, %dma_start3A_95] : memref<48x128xf32, #tpu.memory_space<vmem>> -> memref<16x128xf32, #tpu.memory_space<vmem>>
      tpu.enqueue_dma source(%dma_start3A_96 : memref<16x128xf32, #tpu.memory_space<vmem>>) target(%dma_start3A_93 : memref<16x128xf32, #tpu.memory_space<vmem_shared>>) target_semaphore(%arg13 : memref<!tpu.dma_semaphore, #tpu.memory_space<semaphore_mem>>)
    } else {
    }
    %scan3A_49 = arith.constant 0 : i32
    %scan3A_50 = arith.constant 0 : i32
    %scan3A_51 = arith.constant 13 : i32
    %scan3A_52 = arith.addi %scan3A_50, %scan3A_51 : i32
    %scan3A_53 = arith.constant 1 : i32
    scf.for %scan3A_85 = %scan3A_50 to %scan3A_52 step %scan3A_53  : i32 {
      %mul3A_86 = arith.constant 48 : i32
      %mul3A_87 = arith.muli %scan3A_85, %mul3A_86 : i32
      %add3A_88 = arith.addi %mul3A_8, %mul3A_87 : i32
      %dma_wait3A_89 = arith.constant 0 : i32
      %dma_wait3A_90 = tpu.memref_slice %arg9[%add3A_88, %dma_wait3A_89] : memref<10000x128xf32, #tpu.memory_space<vmem_shared>> -> memref<48x128xf32, #tpu.memory_space<vmem_shared>>
      %dma_wait3A_91 = arith.constant 0 : i32
      %dma_wait3A_92 = tpu.memref_slice %arg9[%add3A_88, %dma_wait3A_91] : memref<10000x128xf32, #tpu.memory_space<vmem_shared>> -> memref<48x128xf32, #tpu.memory_space<vmem_shared>>
      tpu.wait_dma2 semaphore(%arg13 : memref<!tpu.dma_semaphore, #tpu.memory_space<semaphore_mem>>) src(%arg8 : memref<48x128xf32, #tpu.memory_space<vmem>>) dst(%dma_wait3A_92 : memref<48x128xf32, #tpu.memory_space<vmem_shared>>)
    }
    %scan3A_54 = arith.constant 13 : i32
    %eq3A_55 = arith.constant 15 : i32
    %eq3A_56 = arith.cmpi eq, %arg1, %eq3A_55 : i32
    %convert_element_type3A_57 = arith.extui %eq3A_56 : i1 to i32
    %cond3A_58 = arith.constant 0 : i32
    %cond3A_59 = arith.cmpi ne, %convert_element_type3A_57, %cond3A_58 : i32
    scf.if %cond3A_59 {
      %dma_wait3A_85 = arith.constant 0 : i32
      %dma_wait3A_86 = arith.constant 0 : i32
      %dma_wait3A_87 = tpu.memref_slice %arg8[%dma_wait3A_85, %dma_wait3A_86] : memref<48x128xf32, #tpu.memory_space<vmem>> -> memref<16x128xf32, #tpu.memory_space<vmem>>
      %dma_wait3A_88 = arith.constant 9984 : i32
      %dma_wait3A_89 = arith.constant 0 : i32
      %dma_wait3A_90 = tpu.memref_slice %arg9[%dma_wait3A_88, %dma_wait3A_89] : memref<10000x128xf32, #tpu.memory_space<vmem_shared>> -> memref<16x128xf32, #tpu.memory_space<vmem_shared>>
      %dma_wait3A_91 = arith.constant 9984 : i32
      %dma_wait3A_92 = arith.constant 0 : i32
      %dma_wait3A_93 = tpu.memref_slice %arg9[%dma_wait3A_91, %dma_wait3A_92] : memref<10000x128xf32, #tpu.memory_space<vmem_shared>> -> memref<16x128xf32, #tpu.memory_space<vmem_shared>>
      %dma_wait3A_94 = arith.constant 0 : i32
      %dma_wait3A_95 = arith.constant 0 : i32
      %dma_wait3A_96 = tpu.memref_slice %arg8[%dma_wait3A_94, %dma_wait3A_95] : memref<48x128xf32, #tpu.memory_space<vmem>> -> memref<16x128xf32, #tpu.memory_space<vmem>>
      tpu.wait_dma2 semaphore(%arg13 : memref<!tpu.dma_semaphore, #tpu.memory_space<semaphore_mem>>) src(%dma_wait3A_96 : memref<16x128xf32, #tpu.memory_space<vmem>>) dst(%dma_wait3A_93 : memref<16x128xf32, #tpu.memory_space<vmem_shared>>)
    } else {
    }
    %barrier3A = arith.constant 0 : index
    tpu.barrier barrier_id(%barrier3A)
    %scan3A_60 = arith.constant 0 : i32
    %scan3A_61 = arith.constant 0 : i32
    %scan3A_62 = arith.constant 100 : i32
    %scan3A_63 = arith.addi %scan3A_61, %scan3A_62 : i32
    %scan3A_64 = arith.constant 1 : i32
    scf.for %scan3A_85 = %scan3A_61 to %scan3A_63 step %scan3A_64  : i32 {
      %shift_right_arithmetic3A = arith.constant 2 : i32
      %shift_right_arithmetic3A_86 = arith.shrsi %scan3A_85, %shift_right_arithmetic3A : i32
      %and3A = arith.constant 3 : i32
      %and3A_87 = arith.andi %scan3A_85, %and3A : i32
      %mul3A_88 = arith.constant 43691 : i32
      %mul3A_89 = arith.muli %scan3A_85, %mul3A_88 : i32
      %shift_right_arithmetic3A_90 = arith.constant 17 : i32
      %shift_right_arithmetic3A_91 = arith.shrsi %mul3A_89, %shift_right_arithmetic3A_90 : i32
      %mul3A_92 = arith.constant 3 : i32
      %mul3A_93 = arith.muli %mul3A_92, %shift_right_arithmetic3A_91 : i32
      %sub3A = arith.subi %scan3A_85, %mul3A_93 : i32
      %add3A_94 = arith.constant 2 : i32
      %add3A_95 = arith.addi %scan3A_85, %add3A_94 : i32
      %mul3A_96 = arith.constant 43691 : i32
      %mul3A_97 = arith.muli %add3A_95, %mul3A_96 : i32
      %shift_right_arithmetic3A_98 = arith.constant 17 : i32
      %shift_right_arithmetic3A_99 = arith.shrsi %mul3A_97, %shift_right_arithmetic3A_98 : i32
      %mul3A_100 = arith.constant 3 : i32
      %mul3A_101 = arith.muli %mul3A_100, %shift_right_arithmetic3A_99 : i32
      %sub3A_102 = arith.subi %add3A_95, %mul3A_101 : i32
      %eq3A_103 = arith.constant 0 : i32
      %eq3A_104 = arith.cmpi eq, %and3A_87, %eq3A_103 : i32
      %lt3A = arith.constant 24 : i32
      %lt3A_105 = arith.cmpi slt, %shift_right_arithmetic3A_86, %lt3A : i32
      %and3A_106 = arith.andi %eq3A_104, %lt3A_105 : i1
      %convert_element_type3A_107 = arith.extui %and3A_106 : i1 to i32
      %cond3A_108 = arith.constant 0 : i32
      %cond3A_109 = arith.cmpi ne, %convert_element_type3A_107, %cond3A_108 : i32
      scf.if %cond3A_109 {
        %add3A_169 = arith.constant 1 : i32
        %add3A_170 = arith.addi %shift_right_arithmetic3A_86, %add3A_169 : i32
        %mul3A_171 = arith.constant 43691 : i32
        %mul3A_172 = arith.muli %add3A_170, %mul3A_171 : i32
        %shift_right_arithmetic3A_173 = arith.constant 17 : i32
        %shift_right_arithmetic3A_174 = arith.shrsi %mul3A_172, %shift_right_arithmetic3A_173 : i32
        %mul3A_175 = arith.constant 3 : i32
        %mul3A_176 = arith.muli %mul3A_175, %shift_right_arithmetic3A_174 : i32
        %sub3A_177 = arith.subi %add3A_170, %mul3A_176 : i32
        %dma_start3A_178 = arith.constant 0 : i32
        %dma_start3A_179 = arith.constant 0 : i32
        %dma_start3A_180 = arith.constant 0 : i32
        %dma_start3A_181 = tpu.memref_slice %arg6[%sub3A_177, %dma_start3A_178, %dma_start3A_179, %dma_start3A_180] : memref<3x2x4x100xi32, #tpu.memory_space<vmem>> -> memref<1x1x4x100xi32, #tpu.memory_space<vmem>>
        %dma_start3A_182 = tpu.memref_squeeze %dma_start3A_181 : memref<1x1x4x100xi32, #tpu.memory_space<vmem>> -> memref<4x100xi32, #tpu.memory_space<vmem>>
        %dma_start3A_183 = arith.constant 0 : i32
        %dma_start3A_184 = arith.constant 0 : i32
        %dma_start3A_185 = tpu.memref_slice %arg3[%add3A, %add3A_170, %dma_start3A_183, %dma_start3A_184] : memref<32x25x4x100xi32, #tpu.memory_space<hbm>> -> memref<1x1x4x100xi32, #tpu.memory_space<hbm>>
        %dma_start3A_186 = tpu.memref_squeeze %dma_start3A_185 : memref<1x1x4x100xi32, #tpu.memory_space<hbm>> -> memref<4x100xi32, #tpu.memory_space<hbm>>
        %dma_start3A_187 = arith.constant 0 : i32
        %dma_start3A_188 = arith.constant 0 : i32
        %dma_start3A_189 = tpu.memref_slice %arg6[%sub3A_177, %dma_start3A_178, %dma_start3A_187, %dma_start3A_188] : memref<3x2x4x100xi32, #tpu.memory_space<vmem>> -> memref<1x1x4x100xi32, #tpu.memory_space<vmem>>
        %dma_start3A_190 = tpu.memref_squeeze %dma_start3A_189 : memref<1x1x4x100xi32, #tpu.memory_space<vmem>> -> memref<4x100xi32, #tpu.memory_space<vmem>>
        %dma_start3A_191 = arith.constant 0 : i32
        %dma_start3A_192 = arith.constant 0 : i32
        %dma_start3A_193 = tpu.memref_slice %arg3[%add3A, %add3A_170, %dma_start3A_191, %dma_start3A_192] : memref<32x25x4x100xi32, #tpu.memory_space<hbm>> -> memref<1x1x4x100xi32, #tpu.memory_space<hbm>>
        %dma_start3A_194 = tpu.memref_squeeze %dma_start3A_193 : memref<1x1x4x100xi32, #tpu.memory_space<hbm>> -> memref<4x100xi32, #tpu.memory_space<hbm>>
        tpu.enqueue_dma source(%dma_start3A_194 : memref<4x100xi32, #tpu.memory_space<hbm>>) target(%dma_start3A_190 : memref<4x100xi32, #tpu.memory_space<vmem>>) target_semaphore(%arg12 : memref<!tpu.dma_semaphore, #tpu.memory_space<semaphore_mem>>)
        %add3A_195 = arith.constant 1 : i32
        %add3A_196 = arith.addi %shift_right_arithmetic3A_86, %add3A_195 : i32
        %mul3A_197 = arith.constant 43691 : i32
        %mul3A_198 = arith.muli %add3A_196, %mul3A_197 : i32
        %shift_right_arithmetic3A_199 = arith.constant 17 : i32
        %shift_right_arithmetic3A_200 = arith.shrsi %mul3A_198, %shift_right_arithmetic3A_199 : i32
        %mul3A_201 = arith.constant 3 : i32
        %mul3A_202 = arith.muli %mul3A_201, %shift_right_arithmetic3A_200 : i32
        %sub3A_203 = arith.subi %add3A_196, %mul3A_202 : i32
        %dma_start3A_204 = arith.constant 1 : i32
        %dma_start3A_205 = arith.constant 0 : i32
        %dma_start3A_206 = arith.constant 0 : i32
        %dma_start3A_207 = tpu.memref_slice %arg6[%sub3A_203, %dma_start3A_204, %dma_start3A_205, %dma_start3A_206] : memref<3x2x4x100xi32, #tpu.memory_space<vmem>> -> memref<1x1x4x100xi32, #tpu.memory_space<vmem>>
        %dma_start3A_208 = tpu.memref_squeeze %dma_start3A_207 : memref<1x1x4x100xi32, #tpu.memory_space<vmem>> -> memref<4x100xi32, #tpu.memory_space<vmem>>
        %dma_start3A_209 = arith.constant 0 : i32
        %dma_start3A_210 = arith.constant 0 : i32
        %dma_start3A_211 = tpu.memref_slice %arg4[%add3A, %add3A_196, %dma_start3A_209, %dma_start3A_210] : memref<32x25x4x100xi32, #tpu.memory_space<hbm>> -> memref<1x1x4x100xi32, #tpu.memory_space<hbm>>
        %dma_start3A_212 = tpu.memref_squeeze %dma_start3A_211 : memref<1x1x4x100xi32, #tpu.memory_space<hbm>> -> memref<4x100xi32, #tpu.memory_space<hbm>>
        %dma_start3A_213 = arith.constant 0 : i32
        %dma_start3A_214 = arith.constant 0 : i32
        %dma_start3A_215 = tpu.memref_slice %arg6[%sub3A_203, %dma_start3A_204, %dma_start3A_213, %dma_start3A_214] : memref<3x2x4x100xi32, #tpu.memory_space<vmem>> -> memref<1x1x4x100xi32, #tpu.memory_space<vmem>>
        %dma_start3A_216 = tpu.memref_squeeze %dma_start3A_215 : memref<1x1x4x100xi32, #tpu.memory_space<vmem>> -> memref<4x100xi32, #tpu.memory_space<vmem>>
        %dma_start3A_217 = arith.constant 0 : i32
        %dma_start3A_218 = arith.constant 0 : i32
        %dma_start3A_219 = tpu.memref_slice %arg4[%add3A, %add3A_196, %dma_start3A_217, %dma_start3A_218] : memref<32x25x4x100xi32, #tpu.memory_space<hbm>> -> memref<1x1x4x100xi32, #tpu.memory_space<hbm>>
        %dma_start3A_220 = tpu.memref_squeeze %dma_start3A_219 : memref<1x1x4x100xi32, #tpu.memory_space<hbm>> -> memref<4x100xi32, #tpu.memory_space<hbm>>
        tpu.enqueue_dma source(%dma_start3A_220 : memref<4x100xi32, #tpu.memory_space<hbm>>) target(%dma_start3A_216 : memref<4x100xi32, #tpu.memory_space<vmem>>) target_semaphore(%arg12 : memref<!tpu.dma_semaphore, #tpu.memory_space<semaphore_mem>>)
      } else {
      }
      %shift_right_arithmetic3A_110 = arith.constant 2 : i32
      %shift_right_arithmetic3A_111 = arith.shrsi %scan3A_85, %shift_right_arithmetic3A_110 : i32
      %mul3A_112 = arith.constant 43691 : i32
      %mul3A_113 = arith.muli %shift_right_arithmetic3A_111, %mul3A_112 : i32
      %shift_right_arithmetic3A_114 = arith.constant 17 : i32
      %shift_right_arithmetic3A_115 = arith.shrsi %mul3A_113, %shift_right_arithmetic3A_114 : i32
      %mul3A_116 = arith.constant 3 : i32
      %mul3A_117 = arith.muli %mul3A_116, %shift_right_arithmetic3A_115 : i32
      %sub3A_118 = arith.subi %shift_right_arithmetic3A_111, %mul3A_117 : i32
      %and3A_119 = arith.constant 3 : i32
      %and3A_120 = arith.andi %scan3A_85, %and3A_119 : i32
      %dma_wait3A_121 = arith.constant 0 : i32
      %dma_wait3A_122 = arith.constant 0 : i32
      %dma_wait3A_123 = arith.constant 0 : i32
      %dma_wait3A_124 = tpu.memref_slice %arg7[%sub3A, %dma_wait3A_122, %dma_wait3A_123] : memref<3x100x128xf32, #tpu.memory_space<vmem>> -> memref<1x100x128xf32, #tpu.memory_space<vmem>>
      %dma_wait3A_125 = tpu.memref_squeeze %dma_wait3A_124 : memref<1x100x128xf32, #tpu.memory_space<vmem>> -> memref<100x128xf32, #tpu.memory_space<vmem>>
      %dma_wait3A_126 = arith.constant 0 : i32
      %dma_wait3A_127 = tpu.memref_slice %arg6[%sub3A_118, %dma_wait3A_121, %and3A_120, %dma_wait3A_126] : memref<3x2x4x100xi32, #tpu.memory_space<vmem>> -> memref<1x1x1x100xi32, #tpu.memory_space<vmem>>
      %dma_wait3A_128 = tpu.memref_squeeze %dma_wait3A_127 : memref<1x1x1x100xi32, #tpu.memory_space<vmem>> -> memref<100xi32, #tpu.memory_space<vmem>>
      %dma_wait3A_129 = arith.constant 0 : i32
      %dma_wait3A_130 = arith.constant 0 : i32
      %dma_wait3A_131 = tpu.memref_slice %arg2[%dma_wait3A_129, %dma_wait3A_130] : memref<10000x128xf32, #tpu.memory_space<hbm>> -> memref<10000x128xf32, #tpu.memory_space<hbm>>
      tpu.wait_indirect_dma semaphore(%arg10 : memref<!tpu.dma_semaphore, #tpu.memory_space<semaphore_mem>>) src(%dma_wait3A_131 : memref<10000x128xf32, #tpu.memory_space<hbm>>) dst(%dma_wait3A_125 : memref<100x128xf32, #tpu.memory_space<vmem>>)
      %mul3A_132 = arith.constant 43691 : i32
      %mul3A_133 = arith.muli %shift_right_arithmetic3A_86, %mul3A_132 : i32
      %shift_right_arithmetic3A_134 = arith.constant 17 : i32
      %shift_right_arithmetic3A_135 = arith.shrsi %mul3A_133, %shift_right_arithmetic3A_134 : i32
      %mul3A_136 = arith.constant 3 : i32
      %mul3A_137 = arith.muli %mul3A_136, %shift_right_arithmetic3A_135 : i32
      %sub3A_138 = arith.subi %shift_right_arithmetic3A_86, %mul3A_137 : i32
      %dma_start3A_139 = arith.constant 1 : i32
      %dma_start3A_140 = arith.constant 0 : i32
      %dma_start3A_141 = arith.constant 0 : i32
      %dma_start3A_142 = tpu.memref_slice %arg7[%sub3A, %dma_start3A_140, %dma_start3A_141] : memref<3x100x128xf32, #tpu.memory_space<vmem>> -> memref<1x100x128xf32, #tpu.memory_space<vmem>>
      %dma_start3A_143 = tpu.memref_squeeze %dma_start3A_142 : memref<1x100x128xf32, #tpu.memory_space<vmem>> -> memref<100x128xf32, #tpu.memory_space<vmem>>
      %dma_start3A_144 = arith.constant 0 : i32
      %dma_start3A_145 = tpu.memref_slice %arg6[%sub3A_138, %dma_start3A_139, %and3A_87, %dma_start3A_144] : memref<3x2x4x100xi32, #tpu.memory_space<vmem>> -> memref<1x1x1x100xi32, #tpu.memory_space<vmem>>
      %dma_start3A_146 = tpu.memref_squeeze %dma_start3A_145 : memref<1x1x1x100xi32, #tpu.memory_space<vmem>> -> memref<100xi32, #tpu.memory_space<vmem>>
      %dma_start3A_147 = arith.constant 0 : i32
      %dma_start3A_148 = arith.constant 0 : i32
      %dma_start3A_149 = tpu.memref_slice %arg9[%dma_start3A_147, %dma_start3A_148] : memref<10000x128xf32, #tpu.memory_space<vmem_shared>> -> memref<10000x128xf32, #tpu.memory_space<vmem_shared>>
      tpu.enqueue_indirect_dma source(%dma_start3A_143 : memref<100x128xf32, #tpu.memory_space<vmem>>) target(%dma_start3A_149 : memref<10000x128xf32, #tpu.memory_space<vmem_shared>>) offsets(%dma_start3A_146 : memref<100xi32, #tpu.memory_space<vmem>>) semaphore(%arg11 : memref<!tpu.dma_semaphore, #tpu.memory_space<semaphore_mem>>) {add = true}
      %ge3A = arith.constant 1 : i32
      %ge3A_150 = arith.cmpi sge, %scan3A_85, %ge3A : i32
      %convert_element_type3A_151 = arith.extui %ge3A_150 : i1 to i32
      %cond3A_152 = arith.constant 0 : i32
      %cond3A_153 = arith.cmpi ne, %convert_element_type3A_151, %cond3A_152 : i32
      scf.if %cond3A_153 {
        %sub3A_169 = arith.constant 1 : i32
        %sub3A_170 = arith.subi %scan3A_85, %sub3A_169 : i32
        %shift_right_arithmetic3A_171 = arith.constant 2 : i32
        %shift_right_arithmetic3A_172 = arith.shrsi %sub3A_170, %shift_right_arithmetic3A_171 : i32
        %mul3A_173 = arith.constant 43691 : i32
        %mul3A_174 = arith.muli %shift_right_arithmetic3A_172, %mul3A_173 : i32
        %shift_right_arithmetic3A_175 = arith.constant 17 : i32
        %shift_right_arithmetic3A_176 = arith.shrsi %mul3A_174, %shift_right_arithmetic3A_175 : i32
        %mul3A_177 = arith.constant 3 : i32
        %mul3A_178 = arith.muli %mul3A_177, %shift_right_arithmetic3A_176 : i32
        %sub3A_179 = arith.subi %shift_right_arithmetic3A_172, %mul3A_178 : i32
        %and3A_180 = arith.constant 3 : i32
        %and3A_181 = arith.andi %sub3A_170, %and3A_180 : i32
        %dma_wait3A_182 = arith.constant 1 : i32
        %dma_wait3A_183 = arith.constant 0 : i32
        %dma_wait3A_184 = arith.constant 0 : i32
        %dma_wait3A_185 = tpu.memref_slice %arg7[%sub3A_102, %dma_wait3A_183, %dma_wait3A_184] : memref<3x100x128xf32, #tpu.memory_space<vmem>> -> memref<1x100x128xf32, #tpu.memory_space<vmem>>
        %dma_wait3A_186 = tpu.memref_squeeze %dma_wait3A_185 : memref<1x100x128xf32, #tpu.memory_space<vmem>> -> memref<100x128xf32, #tpu.memory_space<vmem>>
        %dma_wait3A_187 = arith.constant 0 : i32
        %dma_wait3A_188 = tpu.memref_slice %arg6[%sub3A_179, %dma_wait3A_182, %and3A_181, %dma_wait3A_187] : memref<3x2x4x100xi32, #tpu.memory_space<vmem>> -> memref<1x1x1x100xi32, #tpu.memory_space<vmem>>
        %dma_wait3A_189 = tpu.memref_squeeze %dma_wait3A_188 : memref<1x1x1x100xi32, #tpu.memory_space<vmem>> -> memref<100xi32, #tpu.memory_space<vmem>>
        %dma_wait3A_190 = arith.constant 0 : i32
        %dma_wait3A_191 = arith.constant 0 : i32
        %dma_wait3A_192 = tpu.memref_slice %arg9[%dma_wait3A_190, %dma_wait3A_191] : memref<10000x128xf32, #tpu.memory_space<vmem_shared>> -> memref<10000x128xf32, #tpu.memory_space<vmem_shared>>
        tpu.wait_indirect_dma semaphore(%arg11 : memref<!tpu.dma_semaphore, #tpu.memory_space<semaphore_mem>>) src(%dma_wait3A_186 : memref<100x128xf32, #tpu.memory_space<vmem>>) dst(%dma_wait3A_192 : memref<10000x128xf32, #tpu.memory_space<vmem_shared>>)
      } else {
      }
      %eq3A_154 = arith.constant 2 : i32
      %eq3A_155 = arith.cmpi eq, %and3A_87, %eq3A_154 : i32
      %lt3A_156 = arith.constant 24 : i32
      %lt3A_157 = arith.cmpi slt, %shift_right_arithmetic3A_86, %lt3A_156 : i32
      %and3A_158 = arith.andi %eq3A_155, %lt3A_157 : i1
      %convert_element_type3A_159 = arith.extui %and3A_158 : i1 to i32
      %cond3A_160 = arith.constant 0 : i32
      %cond3A_161 = arith.cmpi ne, %convert_element_type3A_159, %cond3A_160 : i32
      scf.if %cond3A_161 {
        %add3A_169 = arith.constant 1 : i32
        %add3A_170 = arith.addi %shift_right_arithmetic3A_86, %add3A_169 : i32
        %mul3A_171 = arith.constant 43691 : i32
        %mul3A_172 = arith.muli %add3A_170, %mul3A_171 : i32
        %shift_right_arithmetic3A_173 = arith.constant 17 : i32
        %shift_right_arithmetic3A_174 = arith.shrsi %mul3A_172, %shift_right_arithmetic3A_173 : i32
        %mul3A_175 = arith.constant 3 : i32
        %mul3A_176 = arith.muli %mul3A_175, %shift_right_arithmetic3A_174 : i32
        %sub3A_177 = arith.subi %add3A_170, %mul3A_176 : i32
        %dma_wait3A_178 = arith.constant 0 : i32
        %dma_wait3A_179 = arith.constant 0 : i32
        %dma_wait3A_180 = arith.constant 0 : i32
        %dma_wait3A_181 = tpu.memref_slice %arg6[%sub3A_177, %dma_wait3A_178, %dma_wait3A_179, %dma_wait3A_180] : memref<3x2x4x100xi32, #tpu.memory_space<vmem>> -> memref<1x1x4x100xi32, #tpu.memory_space<vmem>>
        %dma_wait3A_182 = tpu.memref_squeeze %dma_wait3A_181 : memref<1x1x4x100xi32, #tpu.memory_space<vmem>> -> memref<4x100xi32, #tpu.memory_space<vmem>>
        %dma_wait3A_183 = arith.constant 0 : i32
        %dma_wait3A_184 = arith.constant 0 : i32
        %dma_wait3A_185 = tpu.memref_slice %arg3[%add3A, %add3A_170, %dma_wait3A_183, %dma_wait3A_184] : memref<32x25x4x100xi32, #tpu.memory_space<hbm>> -> memref<1x1x4x100xi32, #tpu.memory_space<hbm>>
        %dma_wait3A_186 = tpu.memref_squeeze %dma_wait3A_185 : memref<1x1x4x100xi32, #tpu.memory_space<hbm>> -> memref<4x100xi32, #tpu.memory_space<hbm>>
        %dma_wait3A_187 = arith.constant 0 : i32
        %dma_wait3A_188 = arith.constant 0 : i32
        %dma_wait3A_189 = tpu.memref_slice %arg6[%sub3A_177, %dma_wait3A_178, %dma_wait3A_187, %dma_wait3A_188] : memref<3x2x4x100xi32, #tpu.memory_space<vmem>> -> memref<1x1x4x100xi32, #tpu.memory_space<vmem>>
        %dma_wait3A_190 = tpu.memref_squeeze %dma_wait3A_189 : memref<1x1x4x100xi32, #tpu.memory_space<vmem>> -> memref<4x100xi32, #tpu.memory_space<vmem>>
        %dma_wait3A_191 = arith.constant 0 : i32
        %dma_wait3A_192 = arith.constant 0 : i32
        %dma_wait3A_193 = tpu.memref_slice %arg3[%add3A, %add3A_170, %dma_wait3A_191, %dma_wait3A_192] : memref<32x25x4x100xi32, #tpu.memory_space<hbm>> -> memref<1x1x4x100xi32, #tpu.memory_space<hbm>>
        %dma_wait3A_194 = tpu.memref_squeeze %dma_wait3A_193 : memref<1x1x4x100xi32, #tpu.memory_space<hbm>> -> memref<4x100xi32, #tpu.memory_space<hbm>>
        tpu.wait_dma2 semaphore(%arg12 : memref<!tpu.dma_semaphore, #tpu.memory_space<semaphore_mem>>) src(%dma_wait3A_194 : memref<4x100xi32, #tpu.memory_space<hbm>>) dst(%dma_wait3A_190 : memref<4x100xi32, #tpu.memory_space<vmem>>)
        %add3A_195 = arith.constant 1 : i32
        %add3A_196 = arith.addi %shift_right_arithmetic3A_86, %add3A_195 : i32
        %mul3A_197 = arith.constant 43691 : i32
        %mul3A_198 = arith.muli %add3A_196, %mul3A_197 : i32
        %shift_right_arithmetic3A_199 = arith.constant 17 : i32
        %shift_right_arithmetic3A_200 = arith.shrsi %mul3A_198, %shift_right_arithmetic3A_199 : i32
        %mul3A_201 = arith.constant 3 : i32
        %mul3A_202 = arith.muli %mul3A_201, %shift_right_arithmetic3A_200 : i32
        %sub3A_203 = arith.subi %add3A_196, %mul3A_202 : i32
        %dma_wait3A_204 = arith.constant 1 : i32
        %dma_wait3A_205 = arith.constant 0 : i32
        %dma_wait3A_206 = arith.constant 0 : i32
        %dma_wait3A_207 = tpu.memref_slice %arg6[%sub3A_203, %dma_wait3A_204, %dma_wait3A_205, %dma_wait3A_206] : memref<3x2x4x100xi32, #tpu.memory_space<vmem>> -> memref<1x1x4x100xi32, #tpu.memory_space<vmem>>
        %dma_wait3A_208 = tpu.memref_squeeze %dma_wait3A_207 : memref<1x1x4x100xi32, #tpu.memory_space<vmem>> -> memref<4x100xi32, #tpu.memory_space<vmem>>
        %dma_wait3A_209 = arith.constant 0 : i32
        %dma_wait3A_210 = arith.constant 0 : i32
        %dma_wait3A_211 = tpu.memref_slice %arg4[%add3A, %add3A_196, %dma_wait3A_209, %dma_wait3A_210] : memref<32x25x4x100xi32, #tpu.memory_space<hbm>> -> memref<1x1x4x100xi32, #tpu.memory_space<hbm>>
        %dma_wait3A_212 = tpu.memref_squeeze %dma_wait3A_211 : memref<1x1x4x100xi32, #tpu.memory_space<hbm>> -> memref<4x100xi32, #tpu.memory_space<hbm>>
        %dma_wait3A_213 = arith.constant 0 : i32
        %dma_wait3A_214 = arith.constant 0 : i32
        %dma_wait3A_215 = tpu.memref_slice %arg6[%sub3A_203, %dma_wait3A_204, %dma_wait3A_213, %dma_wait3A_214] : memref<3x2x4x100xi32, #tpu.memory_space<vmem>> -> memref<1x1x4x100xi32, #tpu.memory_space<vmem>>
        %dma_wait3A_216 = tpu.memref_squeeze %dma_wait3A_215 : memref<1x1x4x100xi32, #tpu.memory_space<vmem>> -> memref<4x100xi32, #tpu.memory_space<vmem>>
        %dma_wait3A_217 = arith.constant 0 : i32
        %dma_wait3A_218 = arith.constant 0 : i32
        %dma_wait3A_219 = tpu.memref_slice %arg4[%add3A, %add3A_196, %dma_wait3A_217, %dma_wait3A_218] : memref<32x25x4x100xi32, #tpu.memory_space<hbm>> -> memref<1x1x4x100xi32, #tpu.memory_space<hbm>>
        %dma_wait3A_220 = tpu.memref_squeeze %dma_wait3A_219 : memref<1x1x4x100xi32, #tpu.memory_space<hbm>> -> memref<4x100xi32, #tpu.memory_space<hbm>>
        tpu.wait_dma2 semaphore(%arg12 : memref<!tpu.dma_semaphore, #tpu.memory_space<semaphore_mem>>) src(%dma_wait3A_220 : memref<4x100xi32, #tpu.memory_space<hbm>>) dst(%dma_wait3A_216 : memref<4x100xi32, #tpu.memory_space<vmem>>)
      } else {
      }
      %add3A_162 = arith.constant 2 : i32
      %add3A_163 = arith.addi %scan3A_85, %add3A_162 : i32
      %lt3A_164 = arith.constant 100 : i32
      %lt3A_165 = arith.cmpi slt, %add3A_163, %lt3A_164 : i32
      %convert_element_type3A_166 = arith.extui %lt3A_165 : i1 to i32
      %cond3A_167 = arith.constant 0 : i32
      %cond3A_168 = arith.cmpi ne, %convert_element_type3A_166, %cond3A_167 : i32
      scf.if %cond3A_168 {
        %add3A_169 = arith.constant 2 : i32
        %add3A_170 = arith.addi %scan3A_85, %add3A_169 : i32
        %shift_right_arithmetic3A_171 = arith.constant 2 : i32
        %shift_right_arithmetic3A_172 = arith.shrsi %add3A_170, %shift_right_arithmetic3A_171 : i32
        %mul3A_173 = arith.constant 43691 : i32
        %mul3A_174 = arith.muli %shift_right_arithmetic3A_172, %mul3A_173 : i32
        %shift_right_arithmetic3A_175 = arith.constant 17 : i32
        %shift_right_arithmetic3A_176 = arith.shrsi %mul3A_174, %shift_right_arithmetic3A_175 : i32
        %mul3A_177 = arith.constant 3 : i32
        %mul3A_178 = arith.muli %mul3A_177, %shift_right_arithmetic3A_176 : i32
        %sub3A_179 = arith.subi %shift_right_arithmetic3A_172, %mul3A_178 : i32
        %and3A_180 = arith.constant 3 : i32
        %and3A_181 = arith.andi %add3A_170, %and3A_180 : i32
        %dma_start3A_182 = arith.constant 0 : i32
        %dma_start3A_183 = arith.constant 0 : i32
        %dma_start3A_184 = arith.constant 0 : i32
        %dma_start3A_185 = tpu.memref_slice %arg7[%sub3A_102, %dma_start3A_183, %dma_start3A_184] : memref<3x100x128xf32, #tpu.memory_space<vmem>> -> memref<1x100x128xf32, #tpu.memory_space<vmem>>
        %dma_start3A_186 = tpu.memref_squeeze %dma_start3A_185 : memref<1x100x128xf32, #tpu.memory_space<vmem>> -> memref<100x128xf32, #tpu.memory_space<vmem>>
        %dma_start3A_187 = arith.constant 0 : i32
        %dma_start3A_188 = tpu.memref_slice %arg6[%sub3A_179, %dma_start3A_182, %and3A_181, %dma_start3A_187] : memref<3x2x4x100xi32, #tpu.memory_space<vmem>> -> memref<1x1x1x100xi32, #tpu.memory_space<vmem>>
        %dma_start3A_189 = tpu.memref_squeeze %dma_start3A_188 : memref<1x1x1x100xi32, #tpu.memory_space<vmem>> -> memref<100xi32, #tpu.memory_space<vmem>>
        %dma_start3A_190 = arith.constant 0 : i32
        %dma_start3A_191 = arith.constant 0 : i32
        %dma_start3A_192 = tpu.memref_slice %arg2[%dma_start3A_190, %dma_start3A_191] : memref<10000x128xf32, #tpu.memory_space<hbm>> -> memref<10000x128xf32, #tpu.memory_space<hbm>>
        tpu.enqueue_indirect_dma source(%dma_start3A_192 : memref<10000x128xf32, #tpu.memory_space<hbm>>) target(%dma_start3A_186 : memref<100x128xf32, #tpu.memory_space<vmem>>) offsets(%dma_start3A_189 : memref<100xi32, #tpu.memory_space<vmem>>) semaphore(%arg10 : memref<!tpu.dma_semaphore, #tpu.memory_space<semaphore_mem>>)
      } else {
      }
    }
    %scan3A_65 = arith.constant 100 : i32
    %dma_wait3A = arith.constant 0 : i32
    %dma_wait3A_66 = arith.constant 0 : i32
    %dma_wait3A_67 = arith.constant 1 : i32
    %dma_wait3A_68 = arith.constant 3 : i32
    %dma_wait3A_69 = arith.constant 0 : i32
    %dma_wait3A_70 = arith.constant 0 : i32
    %dma_wait3A_71 = tpu.memref_slice %arg7[%dma_wait3A, %dma_wait3A_69, %dma_wait3A_70] : memref<3x100x128xf32, #tpu.memory_space<vmem>> -> memref<1x100x128xf32, #tpu.memory_space<vmem>>
    %dma_wait3A_72 = tpu.memref_squeeze %dma_wait3A_71 : memref<1x100x128xf32, #tpu.memory_space<vmem>> -> memref<100x128xf32, #tpu.memory_space<vmem>>
    %dma_wait3A_73 = arith.constant 0 : i32
    %dma_wait3A_74 = tpu.memref_slice %arg6[%dma_wait3A_66, %dma_wait3A_67, %dma_wait3A_68, %dma_wait3A_73] : memref<3x2x4x100xi32, #tpu.memory_space<vmem>> -> memref<1x1x1x100xi32, #tpu.memory_space<vmem>>
    %dma_wait3A_75 = tpu.memref_squeeze %dma_wait3A_74 : memref<1x1x1x100xi32, #tpu.memory_space<vmem>> -> memref<100xi32, #tpu.memory_space<vmem>>
    %dma_wait3A_76 = arith.constant 0 : i32
    %dma_wait3A_77 = arith.constant 0 : i32
    %dma_wait3A_78 = tpu.memref_slice %arg9[%dma_wait3A_76, %dma_wait3A_77] : memref<10000x128xf32, #tpu.memory_space<vmem_shared>> -> memref<10000x128xf32, #tpu.memory_space<vmem_shared>>
    tpu.wait_indirect_dma semaphore(%arg11 : memref<!tpu.dma_semaphore, #tpu.memory_space<semaphore_mem>>) src(%dma_wait3A_72 : memref<100x128xf32, #tpu.memory_space<vmem>>) dst(%dma_wait3A_78 : memref<10000x128xf32, #tpu.memory_space<vmem_shared>>)
    %barrier3A_79 = arith.constant 0 : index
    tpu.barrier barrier_id(%barrier3A_79)
    "tpu.region"() ({
      %run_scoped3A_85 = tpu.sem_alloc : memref<!tpu.dma_semaphore, #tpu.memory_space<semaphore_mem>>
      %dma_start3A_86 = arith.constant 0 : i32
      %dma_start3A_87 = tpu.memref_slice %arg5[%arg0, %mul3A_8, %dma_start3A_86] : memref<2x10000x128xf32, #tpu.memory_space<hbm>> -> memref<1x624x128xf32, #tpu.memory_space<hbm>>
      %dma_start3A_88 = tpu.memref_squeeze %dma_start3A_87 : memref<1x624x128xf32, #tpu.memory_space<hbm>> -> memref<624x128xf32, #tpu.memory_space<hbm>>
      %dma_start3A_89 = arith.constant 0 : i32
      %dma_start3A_90 = tpu.memref_slice %arg9[%mul3A_8, %dma_start3A_89] : memref<10000x128xf32, #tpu.memory_space<vmem_shared>> -> memref<624x128xf32, #tpu.memory_space<vmem_shared>>
      tpu.enqueue_dma source(%dma_start3A_90 : memref<624x128xf32, #tpu.memory_space<vmem_shared>>) target(%dma_start3A_88 : memref<624x128xf32, #tpu.memory_space<hbm>>) target_semaphore(%run_scoped3A_85 : memref<!tpu.dma_semaphore, #tpu.memory_space<semaphore_mem>>)
      %dma_wait3A_91 = arith.constant 0 : i32
      %dma_wait3A_92 = tpu.memref_slice %arg5[%arg0, %mul3A_8, %dma_wait3A_91] : memref<2x10000x128xf32, #tpu.memory_space<hbm>> -> memref<1x624x128xf32, #tpu.memory_space<hbm>>
      %dma_wait3A_93 = tpu.memref_squeeze %dma_wait3A_92 : memref<1x624x128xf32, #tpu.memory_space<hbm>> -> memref<624x128xf32, #tpu.memory_space<hbm>>
      %dma_wait3A_94 = arith.constant 0 : i32
      %dma_wait3A_95 = tpu.memref_slice %arg9[%mul3A_8, %dma_wait3A_94] : memref<10000x128xf32, #tpu.memory_space<vmem_shared>> -> memref<624x128xf32, #tpu.memory_space<vmem_shared>>
      tpu.wait_dma2 semaphore(%run_scoped3A_85 : memref<!tpu.dma_semaphore, #tpu.memory_space<semaphore_mem>>) src(%dma_wait3A_95 : memref<624x128xf32, #tpu.memory_space<vmem_shared>>) dst(%dma_wait3A_93 : memref<624x128xf32, #tpu.memory_space<hbm>>)
      tpu.yield
    }) : () -> ()
    %eq3A_80 = arith.constant 15 : i32
    %eq3A_81 = arith.cmpi eq, %arg1, %eq3A_80 : i32
    %convert_element_type3A_82 = arith.extui %eq3A_81 : i1 to i32
    %cond3A_83 = arith.constant 0 : i32
    %cond3A_84 = arith.cmpi ne, %convert_element_type3A_82, %cond3A_83 : i32
    scf.if %cond3A_84 {
      "tpu.region"() ({
        %run_scoped3A_85 = tpu.sem_alloc : memref<!tpu.dma_semaphore, #tpu.memory_space<semaphore_mem>>
        %dma_start3A_86 = arith.constant 9984 : i32
        %dma_start3A_87 = arith.constant 0 : i32
        %dma_start3A_88 = tpu.memref_slice %arg5[%arg0, %dma_start3A_86, %dma_start3A_87] : memref<2x10000x128xf32, #tpu.memory_space<hbm>> -> memref<1x16x128xf32, #tpu.memory_space<hbm>>
        %dma_start3A_89 = tpu.memref_squeeze %dma_start3A_88 : memref<1x16x128xf32, #tpu.memory_space<hbm>> -> memref<16x128xf32, #tpu.memory_space<hbm>>
        %dma_start3A_90 = arith.constant 9984 : i32
        %dma_start3A_91 = arith.constant 0 : i32
        %dma_start3A_92 = tpu.memref_slice %arg9[%dma_start3A_90, %dma_start3A_91] : memref<10000x128xf32, #tpu.memory_space<vmem_shared>> -> memref<16x128xf32, #tpu.memory_space<vmem_shared>>
        tpu.enqueue_dma source(%dma_start3A_92 : memref<16x128xf32, #tpu.memory_space<vmem_shared>>) target(%dma_start3A_89 : memref<16x128xf32, #tpu.memory_space<hbm>>) target_semaphore(%run_scoped3A_85 : memref<!tpu.dma_semaphore, #tpu.memory_space<semaphore_mem>>)
        %dma_wait3A_93 = arith.constant 9984 : i32
        %dma_wait3A_94 = arith.constant 0 : i32
        %dma_wait3A_95 = tpu.memref_slice %arg5[%arg0, %dma_wait3A_93, %dma_wait3A_94] : memref<2x10000x128xf32, #tpu.memory_space<hbm>> -> memref<1x16x128xf32, #tpu.memory_space<hbm>>
        %dma_wait3A_96 = tpu.memref_squeeze %dma_wait3A_95 : memref<1x16x128xf32, #tpu.memory_space<hbm>> -> memref<16x128xf32, #tpu.memory_space<hbm>>
        %dma_wait3A_97 = arith.constant 9984 : i32
        %dma_wait3A_98 = arith.constant 0 : i32
        %dma_wait3A_99 = tpu.memref_slice %arg9[%dma_wait3A_97, %dma_wait3A_98] : memref<10000x128xf32, #tpu.memory_space<vmem_shared>> -> memref<16x128xf32, #tpu.memory_space<vmem_shared>>
        tpu.wait_dma2 semaphore(%run_scoped3A_85 : memref<!tpu.dma_semaphore, #tpu.memory_space<semaphore_mem>>) src(%dma_wait3A_99 : memref<16x128xf32, #tpu.memory_space<vmem_shared>>) dst(%dma_wait3A_96 : memref<16x128xf32, #tpu.memory_space<hbm>>)
        tpu.yield
      }) : () -> ()
    } else {
    }
    return
  }
}

#map = affine_map<(d0, d1) -> (0, 0)>
#map1 = affine_map<(d0, d1) -> (0, 0, 0, 0)>
#map2 = affine_map<(d0, d1) -> (0, 0, 0)>
module attributes {stable_mosaic.version = 14 : i64} {
  func.func @_sc_aggregate(%arg0: i32, %arg1: i32, %arg2: memref<10000x128xf32, #tpu.memory_space<hbm>>, %arg3: memref<32x25x4x100xi32, #tpu.memory_space<hbm>>, %arg4: memref<32x25x4x100xi32, #tpu.memory_space<hbm>>, %arg5: memref<2x10000x128xf32, #tpu.memory_space<hbm>>, %arg6: memref<3x2x4x100xi32, #tpu.memory_space<vmem>>, %arg7: memref<3x100x128xf32, #tpu.memory_space<vmem>>, %arg8: memref<48x128xf32, #tpu.memory_space<vmem>>, %arg9: memref<10000x128xf32, #tpu.memory_space<vmem_shared>>, %arg10: memref<!tpu.dma_semaphore, #tpu.memory_space<semaphore_mem>>, %arg11: memref<!tpu.dma_semaphore, #tpu.memory_space<semaphore_mem>>, %arg12: memref<!tpu.dma_semaphore, #tpu.memory_space<semaphore_mem>>, %arg13: memref<!tpu.dma_semaphore, #tpu.memory_space<semaphore_mem>>) attributes {dimension_semantics = [#tpu.dimension_semantics<core_parallel>, #tpu.dimension_semantics<subcore_parallel>], iteration_bounds = array<i64: 2, 16>, scalar_prefetch = 0 : i64, scratch_operands = 8 : i64, tpu.core_type = #tpu.core_type<sc_vector_subcore>, window_params = [{transform_indices = #map}, {transform_indices = #map1}, {transform_indices = #map1}, {transform_indices = #map2}]} {
    %mul3A = arith.constant 2 : i32
    %mul3A_0 = arith.muli %arg1, %mul3A : i32
    %add3A = arith.addi %mul3A_0, %arg0 : i32
    %broadcast_in_dim3A = arith.constant 0.000000e+00 : f32
    %broadcast_in_dim3A_1 = vector.broadcast %broadcast_in_dim3A : f32 to vector<16xf32>
    %scan3A = arith.constant 0 : i32
    %scan3A_2 = arith.constant 0 : i32
    %scan3A_3 = arith.constant 48 : i32
    %scan3A_4 = arith.addi %scan3A_2, %scan3A_3 : i32
    %scan3A_5 = arith.constant 1 : i32
    scf.for %scan3A_85 = %scan3A_2 to %scan3A_4 step %scan3A_5  : i32 {
      %swap3A = arith.index_cast %scan3A_85 : i32 to index
      %swap3A_86 = arith.constant 0 : index
      %swap3A_87 = tpu.vector_load %arg8[%swap3A, %swap3A_86] {strides = array<i32>} : memref<48x128xf32, #tpu.memory_space<vmem>>, vector<1x16xf32>,
      %swap3A_88 = vector.shape_cast %swap3A_87 : vector<1x16xf32> to vector<16xf32>
      %swap3A_89 = vector.shape_cast %broadcast_in_dim3A_1 : vector<16xf32> to vector<1x16xf32>
      tpu.vector_store %arg8[%swap3A, %swap3A_86], %swap3A_89 {strides = array<i32>} : memref<48x128xf32, #tpu.memory_space<vmem>>, vector<1x16xf32>,
      %swap3A_90 = arith.index_cast %scan3A_85 : i32 to index
      %swap3A_91 = arith.constant 16 : index
      %swap3A_92 = tpu.vector_load %arg8[%swap3A_90, %swap3A_91] {strides = array<i32>} : memref<48x128xf32, #tpu.memory_space<vmem>>, vector<1x16xf32>,
      %swap3A_93 = vector.shape_cast %swap3A_92 : vector<1x16xf32> to vector<16xf32>
      %swap3A_94 = vector.shape_cast %broadcast_in_dim3A_1 : vector<16xf32> to vector<1x16xf32>
      tpu.vector_store %arg8[%swap3A_90, %swap3A_91], %swap3A_94 {strides = array<i32>} : memref<48x128xf32, #tpu.memory_space<vmem>>, vector<1x16xf32>,
      %swap3A_95 = arith.index_cast %scan3A_85 : i32 to index
      %swap3A_96 = arith.constant 32 : index
      %swap3A_97 = tpu.vector_load %arg8[%swap3A_95, %swap3A_96] {strides = array<i32>} : memref<48x128xf32, #tpu.memory_space<vmem>>, vector<1x16xf32>,
      %swap3A_98 = vector.shape_cast %swap3A_97 : vector<1x16xf32> to vector<16xf32>
      %swap3A_99 = vector.shape_cast %broadcast_in_dim3A_1 : vector<16xf32> to vector<1x16xf32>
      tpu.vector_store %arg8[%swap3A_95, %swap3A_96], %swap3A_99 {strides = array<i32>} : memref<48x128xf32, #tpu.memory_space<vmem>>, vector<1x16xf32>,
      %swap3A_100 = arith.index_cast %scan3A_85 : i32 to index
      %swap3A_101 = arith.constant 48 : index
      %swap3A_102 = tpu.vector_load %arg8[%swap3A_100, %swap3A_101] {strides = array<i32>} : memref<48x128xf32, #tpu.memory_space<vmem>>, vector<1x16xf32>,
      %swap3A_103 = vector.shape_cast %swap3A_102 : vector<1x16xf32> to vector<16xf32>
      %swap3A_104 = vector.shape_cast %broadcast_in_dim3A_1 : vector<16xf32> to vector<1x16xf32>
      tpu.vector_store %arg8[%swap3A_100, %swap3A_101], %swap3A_104 {strides = array<i32>} : memref<48x128xf32, #tpu.memory_space<vmem>>, vector<1x16xf32>,
      %swap3A_105 = arith.index_cast %scan3A_85 : i32 to index
      %swap3A_106 = arith.constant 64 : index
      %swap3A_107 = tpu.vector_load %arg8[%swap3A_105, %swap3A_106] {strides = array<i32>} : memref<48x128xf32, #tpu.memory_space<vmem>>, vector<1x16xf32>,
      %swap3A_108 = vector.shape_cast %swap3A_107 : vector<1x16xf32> to vector<16xf32>
      %swap3A_109 = vector.shape_cast %broadcast_in_dim3A_1 : vector<16xf32> to vector<1x16xf32>
      tpu.vector_store %arg8[%swap3A_105, %swap3A_106], %swap3A_109 {strides = array<i32>} : memref<48x128xf32, #tpu.memory_space<vmem>>, vector<1x16xf32>,
      %swap3A_110 = arith.index_cast %scan3A_85 : i32 to index
      %swap3A_111 = arith.constant 80 : index
      %swap3A_112 = tpu.vector_load %arg8[%swap3A_110, %swap3A_111] {strides = array<i32>} : memref<48x128xf32, #tpu.memory_space<vmem>>, vector<1x16xf32>,
      %swap3A_113 = vector.shape_cast %swap3A_112 : vector<1x16xf32> to vector<16xf32>
      %swap3A_114 = vector.shape_cast %broadcast_in_dim3A_1 : vector<16xf32> to vector<1x16xf32>
      tpu.vector_store %arg8[%swap3A_110, %swap3A_111], %swap3A_114 {strides = array<i32>} : memref<48x128xf32, #tpu.memory_space<vmem>>, vector<1x16xf32>,
      %swap3A_115 = arith.index_cast %scan3A_85 : i32 to index
      %swap3A_116 = arith.constant 96 : index
      %swap3A_117 = tpu.vector_load %arg8[%swap3A_115, %swap3A_116] {strides = array<i32>} : memref<48x128xf32, #tpu.memory_space<vmem>>, vector<1x16xf32>,
      %swap3A_118 = vector.shape_cast %swap3A_117 : vector<1x16xf32> to vector<16xf32>
      %swap3A_119 = vector.shape_cast %broadcast_in_dim3A_1 : vector<16xf32> to vector<1x16xf32>
      tpu.vector_store %arg8[%swap3A_115, %swap3A_116], %swap3A_119 {strides = array<i32>} : memref<48x128xf32, #tpu.memory_space<vmem>>, vector<1x16xf32>,
      %swap3A_120 = arith.index_cast %scan3A_85 : i32 to index
      %swap3A_121 = arith.constant 112 : index
      %swap3A_122 = tpu.vector_load %arg8[%swap3A_120, %swap3A_121] {strides = array<i32>} : memref<48x128xf32, #tpu.memory_space<vmem>>, vector<1x16xf32>,
      %swap3A_123 = vector.shape_cast %swap3A_122 : vector<1x16xf32> to vector<16xf32>
      %swap3A_124 = vector.shape_cast %broadcast_in_dim3A_1 : vector<16xf32> to vector<1x16xf32>
      tpu.vector_store %arg8[%swap3A_120, %swap3A_121], %swap3A_124 {strides = array<i32>} : memref<48x128xf32, #tpu.memory_space<vmem>>, vector<1x16xf32>,
    }
    %scan3A_6 = arith.constant 48 : i32
    %mul3A_7 = arith.constant 624 : i32
    %mul3A_8 = arith.muli %arg1, %mul3A_7 : i32
    %run_scoped3A = arith.constant 0 : i32
    %run_scoped3A_9 = arith.constant 0 : i32
    %run_scoped3A_10 = arith.constant 0 : i32
    "tpu.region"() ({
      %run_scoped3A_85 = tpu.sem_alloc : memref<!tpu.dma_semaphore, #tpu.memory_space<semaphore_mem>>
      %dma_start3A_86 = arith.constant 0 : i32
      %dma_start3A_87 = arith.constant 0 : i32
      %dma_start3A_88 = tpu.memref_slice %arg6[%run_scoped3A_9, %run_scoped3A_10, %dma_start3A_86, %dma_start3A_87] : memref<3x2x4x100xi32, #tpu.memory_space<vmem>> -> memref<1x1x4x100xi32, #tpu.memory_space<vmem>>
      %dma_start3A_89 = tpu.memref_squeeze %dma_start3A_88 : memref<1x1x4x100xi32, #tpu.memory_space<vmem>> -> memref<4x100xi32, #tpu.memory_space<vmem>>
      %dma_start3A_90 = arith.constant 0 : i32
      %dma_start3A_91 = arith.constant 0 : i32
      %dma_start3A_92 = tpu.memref_slice %arg3[%add3A, %run_scoped3A, %dma_start3A_90, %dma_start3A_91] : memref<32x25x4x100xi32, #tpu.memory_space<hbm>> -> memref<1x1x4x100xi32, #tpu.memory_space<hbm>>
      %dma_start3A_93 = tpu.memref_squeeze %dma_start3A_92 : memref<1x1x4x100xi32, #tpu.memory_space<hbm>> -> memref<4x100xi32, #tpu.memory_space<hbm>>
      %dma_start3A_94 = arith.constant 0 : i32
      %dma_start3A_95 = arith.constant 0 : i32
      %dma_start3A_96 = tpu.memref_slice %arg6[%run_scoped3A_9, %run_scoped3A_10, %dma_start3A_94, %dma_start3A_95] : memref<3x2x4x100xi32, #tpu.memory_space<vmem>> -> memref<1x1x4x100xi32, #tpu.memory_space<vmem>>
      %dma_start3A_97 = tpu.memref_squeeze %dma_start3A_96 : memref<1x1x4x100xi32, #tpu.memory_space<vmem>> -> memref<4x100xi32, #tpu.memory_space<vmem>>
      %dma_start3A_98 = arith.constant 0 : i32
      %dma_start3A_99 = arith.constant 0 : i32
      %dma_start3A_100 = tpu.memref_slice %arg3[%add3A, %run_scoped3A, %dma_start3A_98, %dma_start3A_99] : memref<32x25x4x100xi32, #tpu.memory_space<hbm>> -> memref<1x1x4x100xi32, #tpu.memory_space<hbm>>
      %dma_start3A_101 = tpu.memref_squeeze %dma_start3A_100 : memref<1x1x4x100xi32, #tpu.memory_space<hbm>> -> memref<4x100xi32, #tpu.memory_space<hbm>>
      tpu.enqueue_dma source(%dma_start3A_101 : memref<4x100xi32, #tpu.memory_space<hbm>>) target(%dma_start3A_97 : memref<4x100xi32, #tpu.memory_space<vmem>>) target_semaphore(%run_scoped3A_85 : memref<!tpu.dma_semaphore, #tpu.memory_space<semaphore_mem>>)
      %dma_wait3A_102 = arith.constant 0 : i32
      %dma_wait3A_103 = arith.constant 0 : i32
      %dma_wait3A_104 = tpu.memref_slice %arg6[%run_scoped3A_9, %run_scoped3A_10, %dma_wait3A_102, %dma_wait3A_103] : memref<3x2x4x100xi32, #tpu.memory_space<vmem>> -> memref<1x1x4x100xi32, #tpu.memory_space<vmem>>
      %dma_wait3A_105 = tpu.memref_squeeze %dma_wait3A_104 : memref<1x1x4x100xi32, #tpu.memory_space<vmem>> -> memref<4x100xi32, #tpu.memory_space<vmem>>
      %dma_wait3A_106 = arith.constant 0 : i32
      %dma_wait3A_107 = arith.constant 0 : i32
      %dma_wait3A_108 = tpu.memref_slice %arg3[%add3A, %run_scoped3A, %dma_wait3A_106, %dma_wait3A_107] : memref<32x25x4x100xi32, #tpu.memory_space<hbm>> -> memref<1x1x4x100xi32, #tpu.memory_space<hbm>>
      %dma_wait3A_109 = tpu.memref_squeeze %dma_wait3A_108 : memref<1x1x4x100xi32, #tpu.memory_space<hbm>> -> memref<4x100xi32, #tpu.memory_space<hbm>>
      %dma_wait3A_110 = arith.constant 0 : i32
      %dma_wait3A_111 = arith.constant 0 : i32
      %dma_wait3A_112 = tpu.memref_slice %arg6[%run_scoped3A_9, %run_scoped3A_10, %dma_wait3A_110, %dma_wait3A_111] : memref<3x2x4x100xi32, #tpu.memory_space<vmem>> -> memref<1x1x4x100xi32, #tpu.memory_space<vmem>>
      %dma_wait3A_113 = tpu.memref_squeeze %dma_wait3A_112 : memref<1x1x4x100xi32, #tpu.memory_space<vmem>> -> memref<4x100xi32, #tpu.memory_space<vmem>>
      %dma_wait3A_114 = arith.constant 0 : i32
      %dma_wait3A_115 = arith.constant 0 : i32
      %dma_wait3A_116 = tpu.memref_slice %arg3[%add3A, %run_scoped3A, %dma_wait3A_114, %dma_wait3A_115] : memref<32x25x4x100xi32, #tpu.memory_space<hbm>> -> memref<1x1x4x100xi32, #tpu.memory_space<hbm>>
      %dma_wait3A_117 = tpu.memref_squeeze %dma_wait3A_116 : memref<1x1x4x100xi32, #tpu.memory_space<hbm>> -> memref<4x100xi32, #tpu.memory_space<hbm>>
      tpu.wait_dma2 semaphore(%run_scoped3A_85 : memref<!tpu.dma_semaphore, #tpu.memory_space<semaphore_mem>>) src(%dma_wait3A_117 : memref<4x100xi32, #tpu.memory_space<hbm>>) dst(%dma_wait3A_113 : memref<4x100xi32, #tpu.memory_space<vmem>>)
      tpu.yield
    }) : () -> ()
    %run_scoped3A_11 = arith.constant 0 : i32
    %run_scoped3A_12 = arith.constant 0 : i32
    %run_scoped3A_13 = arith.constant 1 : i32
    "tpu.region"() ({
      %run_scoped3A_85 = tpu.sem_alloc : memref<!tpu.dma_semaphore, #tpu.memory_space<semaphore_mem>>
      %dma_start3A_86 = arith.constant 0 : i32
      %dma_start3A_87 = arith.constant 0 : i32
      %dma_start3A_88 = tpu.memref_slice %arg6[%run_scoped3A_12, %run_scoped3A_13, %dma_start3A_86, %dma_start3A_87] : memref<3x2x4x100xi32, #tpu.memory_space<vmem>> -> memref<1x1x4x100xi32, #tpu.memory_space<vmem>>
      %dma_start3A_89 = tpu.memref_squeeze %dma_start3A_88 : memref<1x1x4x100xi32, #tpu.memory_space<vmem>> -> memref<4x100xi32, #tpu.memory_space<vmem>>
      %dma_start3A_90 = arith.constant 0 : i32
      %dma_start3A_91 = arith.constant 0 : i32
      %dma_start3A_92 = tpu.memref_slice %arg4[%add3A, %run_scoped3A_11, %dma_start3A_90, %dma_start3A_91] : memref<32x25x4x100xi32, #tpu.memory_space<hbm>> -> memref<1x1x4x100xi32, #tpu.memory_space<hbm>>
      %dma_start3A_93 = tpu.memref_squeeze %dma_start3A_92 : memref<1x1x4x100xi32, #tpu.memory_space<hbm>> -> memref<4x100xi32, #tpu.memory_space<hbm>>
      %dma_start3A_94 = arith.constant 0 : i32
      %dma_start3A_95 = arith.constant 0 : i32
      %dma_start3A_96 = tpu.memref_slice %arg6[%run_scoped3A_12, %run_scoped3A_13, %dma_start3A_94, %dma_start3A_95] : memref<3x2x4x100xi32, #tpu.memory_space<vmem>> -> memref<1x1x4x100xi32, #tpu.memory_space<vmem>>
      %dma_start3A_97 = tpu.memref_squeeze %dma_start3A_96 : memref<1x1x4x100xi32, #tpu.memory_space<vmem>> -> memref<4x100xi32, #tpu.memory_space<vmem>>
      %dma_start3A_98 = arith.constant 0 : i32
      %dma_start3A_99 = arith.constant 0 : i32
      %dma_start3A_100 = tpu.memref_slice %arg4[%add3A, %run_scoped3A_11, %dma_start3A_98, %dma_start3A_99] : memref<32x25x4x100xi32, #tpu.memory_space<hbm>> -> memref<1x1x4x100xi32, #tpu.memory_space<hbm>>
      %dma_start3A_101 = tpu.memref_squeeze %dma_start3A_100 : memref<1x1x4x100xi32, #tpu.memory_space<hbm>> -> memref<4x100xi32, #tpu.memory_space<hbm>>
      tpu.enqueue_dma source(%dma_start3A_101 : memref<4x100xi32, #tpu.memory_space<hbm>>) target(%dma_start3A_97 : memref<4x100xi32, #tpu.memory_space<vmem>>) target_semaphore(%run_scoped3A_85 : memref<!tpu.dma_semaphore, #tpu.memory_space<semaphore_mem>>)
      %dma_wait3A_102 = arith.constant 0 : i32
      %dma_wait3A_103 = arith.constant 0 : i32
      %dma_wait3A_104 = tpu.memref_slice %arg6[%run_scoped3A_12, %run_scoped3A_13, %dma_wait3A_102, %dma_wait3A_103] : memref<3x2x4x100xi32, #tpu.memory_space<vmem>> -> memref<1x1x4x100xi32, #tpu.memory_space<vmem>>
      %dma_wait3A_105 = tpu.memref_squeeze %dma_wait3A_104 : memref<1x1x4x100xi32, #tpu.memory_space<vmem>> -> memref<4x100xi32, #tpu.memory_space<vmem>>
      %dma_wait3A_106 = arith.constant 0 : i32
      %dma_wait3A_107 = arith.constant 0 : i32
      %dma_wait3A_108 = tpu.memref_slice %arg4[%add3A, %run_scoped3A_11, %dma_wait3A_106, %dma_wait3A_107] : memref<32x25x4x100xi32, #tpu.memory_space<hbm>> -> memref<1x1x4x100xi32, #tpu.memory_space<hbm>>
      %dma_wait3A_109 = tpu.memref_squeeze %dma_wait3A_108 : memref<1x1x4x100xi32, #tpu.memory_space<hbm>> -> memref<4x100xi32, #tpu.memory_space<hbm>>
      %dma_wait3A_110 = arith.constant 0 : i32
      %dma_wait3A_111 = arith.constant 0 : i32
      %dma_wait3A_112 = tpu.memref_slice %arg6[%run_scoped3A_12, %run_scoped3A_13, %dma_wait3A_110, %dma_wait3A_111] : memref<3x2x4x100xi32, #tpu.memory_space<vmem>> -> memref<1x1x4x100xi32, #tpu.memory_space<vmem>>
      %dma_wait3A_113 = tpu.memref_squeeze %dma_wait3A_112 : memref<1x1x4x100xi32, #tpu.memory_space<vmem>> -> memref<4x100xi32, #tpu.memory_space<vmem>>
      %dma_wait3A_114 = arith.constant 0 : i32
      %dma_wait3A_115 = arith.constant 0 : i32
      %dma_wait3A_116 = tpu.memref_slice %arg4[%add3A, %run_scoped3A_11, %dma_wait3A_114, %dma_wait3A_115] : memref<32x25x4x100xi32, #tpu.memory_space<hbm>> -> memref<1x1x4x100xi32, #tpu.memory_space<hbm>>
      %dma_wait3A_117 = tpu.memref_squeeze %dma_wait3A_116 : memref<1x1x4x100xi32, #tpu.memory_space<hbm>> -> memref<4x100xi32, #tpu.memory_space<hbm>>
      tpu.wait_dma2 semaphore(%run_scoped3A_85 : memref<!tpu.dma_semaphore, #tpu.memory_space<semaphore_mem>>) src(%dma_wait3A_117 : memref<4x100xi32, #tpu.memory_space<hbm>>) dst(%dma_wait3A_113 : memref<4x100xi32, #tpu.memory_space<vmem>>)
      tpu.yield
    }) : () -> ()
    %dma_start3A = arith.constant 0 : i32
    %dma_start3A_14 = arith.constant 0 : i32
    %dma_start3A_15 = arith.constant 0 : i32
    %dma_start3A_16 = arith.constant 0 : i32
    %dma_start3A_17 = arith.constant 0 : i32
    %dma_start3A_18 = arith.constant 0 : i32
    %dma_start3A_19 = tpu.memref_slice %arg7[%dma_start3A_16, %dma_start3A_17, %dma_start3A_18] : memref<3x100x128xf32, #tpu.memory_space<vmem>> -> memref<1x100x128xf32, #tpu.memory_space<vmem>>
    %dma_start3A_20 = tpu.memref_squeeze %dma_start3A_19 : memref<1x100x128xf32, #tpu.memory_space<vmem>> -> memref<100x128xf32, #tpu.memory_space<vmem>>
    %dma_start3A_21 = arith.constant 0 : i32
    %dma_start3A_22 = tpu.memref_slice %arg6[%dma_start3A, %dma_start3A_14, %dma_start3A_15, %dma_start3A_21] : memref<3x2x4x100xi32, #tpu.memory_space<vmem>> -> memref<1x1x1x100xi32, #tpu.memory_space<vmem>>
    %dma_start3A_23 = tpu.memref_squeeze %dma_start3A_22 : memref<1x1x1x100xi32, #tpu.memory_space<vmem>> -> memref<100xi32, #tpu.memory_space<vmem>>
    %dma_start3A_24 = arith.constant 0 : i32
    %dma_start3A_25 = arith.constant 0 : i32
    %dma_start3A_26 = tpu.memref_slice %arg2[%dma_start3A_24, %dma_start3A_25] : memref<10000x128xf32, #tpu.memory_space<hbm>> -> memref<10000x128xf32, #tpu.memory_space<hbm>>
    tpu.enqueue_indirect_dma source(%dma_start3A_26 : memref<10000x128xf32, #tpu.memory_space<hbm>>) target(%dma_start3A_20 : memref<100x128xf32, #tpu.memory_space<vmem>>) offsets(%dma_start3A_23 : memref<100xi32, #tpu.memory_space<vmem>>) semaphore(%arg10 : memref<!tpu.dma_semaphore, #tpu.memory_space<semaphore_mem>>)
    %dma_start3A_27 = arith.constant 0 : i32
    %dma_start3A_28 = arith.constant 0 : i32
    %dma_start3A_29 = arith.constant 1 : i32
    %dma_start3A_30 = arith.constant 1 : i32
    %dma_start3A_31 = arith.constant 0 : i32
    %dma_start3A_32 = arith.constant 0 : i32
    %dma_start3A_33 = tpu.memref_slice %arg7[%dma_start3A_30, %dma_start3A_31, %dma_start3A_32] : memref<3x100x128xf32, #tpu.memory_space<vmem>> -> memref<1x100x128xf32, #tpu.memory_space<vmem>>
    %dma_start3A_34 = tpu.memref_squeeze %dma_start3A_33 : memref<1x100x128xf32, #tpu.memory_space<vmem>> -> memref<100x128xf32, #tpu.memory_space<vmem>>
    %dma_start3A_35 = arith.constant 0 : i32
    %dma_start3A_36 = tpu.memref_slice %arg6[%dma_start3A_27, %dma_start3A_28, %dma_start3A_29, %dma_start3A_35] : memref<3x2x4x100xi32, #tpu.memory_space<vmem>> -> memref<1x1x1x100xi32, #tpu.memory_space<vmem>>
    %dma_start3A_37 = tpu.memref_squeeze %dma_start3A_36 : memref<1x1x1x100xi32, #tpu.memory_space<vmem>> -> memref<100xi32, #tpu.memory_space<vmem>>
    %dma_start3A_38 = arith.constant 0 : i32
    %dma_start3A_39 = arith.constant 0 : i32
    %dma_start3A_40 = tpu.memref_slice %arg2[%dma_start3A_38, %dma_start3A_39] : memref<10000x128xf32, #tpu.memory_space<hbm>> -> memref<10000x128xf32, #tpu.memory_space<hbm>>
    tpu.enqueue_indirect_dma source(%dma_start3A_40 : memref<10000x128xf32, #tpu.memory_space<hbm>>) target(%dma_start3A_34 : memref<100x128xf32, #tpu.memory_space<vmem>>) offsets(%dma_start3A_37 : memref<100xi32, #tpu.memory_space<vmem>>) semaphore(%arg10 : memref<!tpu.dma_semaphore, #tpu.memory_space<semaphore_mem>>)
    %scan3A_41 = arith.constant 0 : i32
    %scan3A_42 = arith.constant 0 : i32
    %scan3A_43 = arith.constant 13 : i32
    %scan3A_44 = arith.addi %scan3A_42, %scan3A_43 : i32
    %scan3A_45 = arith.constant 1 : i32
    scf.for %scan3A_85 = %scan3A_42 to %scan3A_44 step %scan3A_45  : i32 {
      %mul3A_86 = arith.constant 48 : i32
      %mul3A_87 = arith.muli %scan3A_85, %mul3A_86 : i32
      %add3A_88 = arith.addi %mul3A_8, %mul3A_87 : i32
      %dma_start3A_89 = arith.constant 0 : i32
      %dma_start3A_90 = tpu.memref_slice %arg9[%add3A_88, %dma_start3A_89] : memref<10000x128xf32, #tpu.memory_space<vmem_shared>> -> memref<48x128xf32, #tpu.memory_space<vmem_shared>>
      %dma_start3A_91 = arith.constant 0 : i32
      %dma_start3A_92 = tpu.memref_slice %arg9[%add3A_88, %dma_start3A_91] : memref<10000x128xf32, #tpu.memory_space<vmem_shared>> -> memref<48x128xf32, #tpu.memory_space<vmem_shared>>
      tpu.enqueue_dma source(%arg8 : memref<48x128xf32, #tpu.memory_space<vmem>>) target(%dma_start3A_92 : memref<48x128xf32, #tpu.memory_space<vmem_shared>>) target_semaphore(%arg13 : memref<!tpu.dma_semaphore, #tpu.memory_space<semaphore_mem>>)
    }
    %scan3A_46 = arith.constant 13 : i32
    %eq3A = arith.constant 15 : i32
    %eq3A_47 = arith.cmpi eq, %arg1, %eq3A : i32
    %convert_element_type3A = arith.extui %eq3A_47 : i1 to i32
    %cond3A = arith.constant 0 : i32
    %cond3A_48 = arith.cmpi ne, %convert_element_type3A, %cond3A : i32
    scf.if %cond3A_48 {
      %dma_start3A_85 = arith.constant 0 : i32
      %dma_start3A_86 = arith.constant 0 : i32
      %dma_start3A_87 = tpu.memref_slice %arg8[%dma_start3A_85, %dma_start3A_86] : memref<48x128xf32, #tpu.memory_space<vmem>> -> memref<16x128xf32, #tpu.memory_space<vmem>>
      %dma_start3A_88 = arith.constant 9984 : i32
      %dma_start3A_89 = arith.constant 0 : i32
      %dma_start3A_90 = tpu.memref_slice %arg9[%dma_start3A_88, %dma_start3A_89] : memref<10000x128xf32, #tpu.memory_space<vmem_shared>> -> memref<16x128xf32, #tpu.memory_space<vmem_shared>>
      %dma_start3A_91 = arith.constant 9984 : i32
      %dma_start3A_92 = arith.constant 0 : i32
      %dma_start3A_93 = tpu.memref_slice %arg9[%dma_start3A_91, %dma_start3A_92] : memref<10000x128xf32, #tpu.memory_space<vmem_shared>> -> memref<16x128xf32, #tpu.memory_space<vmem_shared>>
      %dma_start3A_94 = arith.constant 0 : i32
      %dma_start3A_95 = arith.constant 0 : i32
      %dma_start3A_96 = tpu.memref_slice %arg8[%dma_start3A_94, %dma_start3A_95] : memref<48x128xf32, #tpu.memory_space<vmem>> -> memref<16x128xf32, #tpu.memory_space<vmem>>
      tpu.enqueue_dma source(%dma_start3A_96 : memref<16x128xf32, #tpu.memory_space<vmem>>) target(%dma_start3A_93 : memref<16x128xf32, #tpu.memory_space<vmem_shared>>) target_semaphore(%arg13 : memref<!tpu.dma_semaphore, #tpu.memory_space<semaphore_mem>>)
    } else {
    }
    %scan3A_49 = arith.constant 0 : i32
    %scan3A_50 = arith.constant 0 : i32
    %scan3A_51 = arith.constant 13 : i32
    %scan3A_52 = arith.addi %scan3A_50, %scan3A_51 : i32
    %scan3A_53 = arith.constant 1 : i32
    scf.for %scan3A_85 = %scan3A_50 to %scan3A_52 step %scan3A_53  : i32 {
      %mul3A_86 = arith.constant 48 : i32
      %mul3A_87 = arith.muli %scan3A_85, %mul3A_86 : i32
      %add3A_88 = arith.addi %mul3A_8, %mul3A_87 : i32
      %dma_wait3A_89 = arith.constant 0 : i32
      %dma_wait3A_90 = tpu.memref_slice %arg9[%add3A_88, %dma_wait3A_89] : memref<10000x128xf32, #tpu.memory_space<vmem_shared>> -> memref<48x128xf32, #tpu.memory_space<vmem_shared>>
      %dma_wait3A_91 = arith.constant 0 : i32
      %dma_wait3A_92 = tpu.memref_slice %arg9[%add3A_88, %dma_wait3A_91] : memref<10000x128xf32, #tpu.memory_space<vmem_shared>> -> memref<48x128xf32, #tpu.memory_space<vmem_shared>>
      tpu.wait_dma2 semaphore(%arg13 : memref<!tpu.dma_semaphore, #tpu.memory_space<semaphore_mem>>) src(%arg8 : memref<48x128xf32, #tpu.memory_space<vmem>>) dst(%dma_wait3A_92 : memref<48x128xf32, #tpu.memory_space<vmem_shared>>)
    }
    %scan3A_54 = arith.constant 13 : i32
    %eq3A_55 = arith.constant 15 : i32
    %eq3A_56 = arith.cmpi eq, %arg1, %eq3A_55 : i32
    %convert_element_type3A_57 = arith.extui %eq3A_56 : i1 to i32
    %cond3A_58 = arith.constant 0 : i32
    %cond3A_59 = arith.cmpi ne, %convert_element_type3A_57, %cond3A_58 : i32
    scf.if %cond3A_59 {
      %dma_wait3A_85 = arith.constant 0 : i32
      %dma_wait3A_86 = arith.constant 0 : i32
      %dma_wait3A_87 = tpu.memref_slice %arg8[%dma_wait3A_85, %dma_wait3A_86] : memref<48x128xf32, #tpu.memory_space<vmem>> -> memref<16x128xf32, #tpu.memory_space<vmem>>
      %dma_wait3A_88 = arith.constant 9984 : i32
      %dma_wait3A_89 = arith.constant 0 : i32
      %dma_wait3A_90 = tpu.memref_slice %arg9[%dma_wait3A_88, %dma_wait3A_89] : memref<10000x128xf32, #tpu.memory_space<vmem_shared>> -> memref<16x128xf32, #tpu.memory_space<vmem_shared>>
      %dma_wait3A_91 = arith.constant 9984 : i32
      %dma_wait3A_92 = arith.constant 0 : i32
      %dma_wait3A_93 = tpu.memref_slice %arg9[%dma_wait3A_91, %dma_wait3A_92] : memref<10000x128xf32, #tpu.memory_space<vmem_shared>> -> memref<16x128xf32, #tpu.memory_space<vmem_shared>>
      %dma_wait3A_94 = arith.constant 0 : i32
      %dma_wait3A_95 = arith.constant 0 : i32
      %dma_wait3A_96 = tpu.memref_slice %arg8[%dma_wait3A_94, %dma_wait3A_95] : memref<48x128xf32, #tpu.memory_space<vmem>> -> memref<16x128xf32, #tpu.memory_space<vmem>>
      tpu.wait_dma2 semaphore(%arg13 : memref<!tpu.dma_semaphore, #tpu.memory_space<semaphore_mem>>) src(%dma_wait3A_96 : memref<16x128xf32, #tpu.memory_space<vmem>>) dst(%dma_wait3A_93 : memref<16x128xf32, #tpu.memory_space<vmem_shared>>)
    } else {
    }
    %barrier3A = arith.constant 0 : index
    tpu.barrier barrier_id(%barrier3A)
    %scan3A_60 = arith.constant 0 : i32
    %scan3A_61 = arith.constant 0 : i32
    %scan3A_62 = arith.constant 100 : i32
    %scan3A_63 = arith.addi %scan3A_61, %scan3A_62 : i32
    %scan3A_64 = arith.constant 1 : i32
    scf.for %scan3A_85 = %scan3A_61 to %scan3A_63 step %scan3A_64  : i32 {
      %shift_right_arithmetic3A = arith.constant 2 : i32
      %shift_right_arithmetic3A_86 = arith.shrsi %scan3A_85, %shift_right_arithmetic3A : i32
      %and3A = arith.constant 3 : i32
      %and3A_87 = arith.andi %scan3A_85, %and3A : i32
      %mul3A_88 = arith.constant 43691 : i32
      %mul3A_89 = arith.muli %scan3A_85, %mul3A_88 : i32
      %shift_right_arithmetic3A_90 = arith.constant 17 : i32
      %shift_right_arithmetic3A_91 = arith.shrsi %mul3A_89, %shift_right_arithmetic3A_90 : i32
      %mul3A_92 = arith.constant 3 : i32
      %mul3A_93 = arith.muli %mul3A_92, %shift_right_arithmetic3A_91 : i32
      %sub3A = arith.subi %scan3A_85, %mul3A_93 : i32
      %add3A_94 = arith.constant 2 : i32
      %add3A_95 = arith.addi %scan3A_85, %add3A_94 : i32
      %mul3A_96 = arith.constant 43691 : i32
      %mul3A_97 = arith.muli %add3A_95, %mul3A_96 : i32
      %shift_right_arithmetic3A_98 = arith.constant 17 : i32
      %shift_right_arithmetic3A_99 = arith.shrsi %mul3A_97, %shift_right_arithmetic3A_98 : i32
      %mul3A_100 = arith.constant 3 : i32
      %mul3A_101 = arith.muli %mul3A_100, %shift_right_arithmetic3A_99 : i32
      %sub3A_102 = arith.subi %add3A_95, %mul3A_101 : i32
      %eq3A_103 = arith.constant 0 : i32
      %eq3A_104 = arith.cmpi eq, %and3A_87, %eq3A_103 : i32
      %lt3A = arith.constant 24 : i32
      %lt3A_105 = arith.cmpi slt, %shift_right_arithmetic3A_86, %lt3A : i32
      %and3A_106 = arith.andi %eq3A_104, %lt3A_105 : i1
      %convert_element_type3A_107 = arith.extui %and3A_106 : i1 to i32
      %cond3A_108 = arith.constant 0 : i32
      %cond3A_109 = arith.cmpi ne, %convert_element_type3A_107, %cond3A_108 : i32
      scf.if %cond3A_109 {
        %add3A_169 = arith.constant 1 : i32
        %add3A_170 = arith.addi %shift_right_arithmetic3A_86, %add3A_169 : i32
        %mul3A_171 = arith.constant 43691 : i32
        %mul3A_172 = arith.muli %add3A_170, %mul3A_171 : i32
        %shift_right_arithmetic3A_173 = arith.constant 17 : i32
        %shift_right_arithmetic3A_174 = arith.shrsi %mul3A_172, %shift_right_arithmetic3A_173 : i32
        %mul3A_175 = arith.constant 3 : i32
        %mul3A_176 = arith.muli %mul3A_175, %shift_right_arithmetic3A_174 : i32
        %sub3A_177 = arith.subi %add3A_170, %mul3A_176 : i32
        %dma_start3A_178 = arith.constant 0 : i32
        %dma_start3A_179 = arith.constant 0 : i32
        %dma_start3A_180 = arith.constant 0 : i32
        %dma_start3A_181 = tpu.memref_slice %arg6[%sub3A_177, %dma_start3A_178, %dma_start3A_179, %dma_start3A_180] : memref<3x2x4x100xi32, #tpu.memory_space<vmem>> -> memref<1x1x4x100xi32, #tpu.memory_space<vmem>>
        %dma_start3A_182 = tpu.memref_squeeze %dma_start3A_181 : memref<1x1x4x100xi32, #tpu.memory_space<vmem>> -> memref<4x100xi32, #tpu.memory_space<vmem>>
        %dma_start3A_183 = arith.constant 0 : i32
        %dma_start3A_184 = arith.constant 0 : i32
        %dma_start3A_185 = tpu.memref_slice %arg3[%add3A, %add3A_170, %dma_start3A_183, %dma_start3A_184] : memref<32x25x4x100xi32, #tpu.memory_space<hbm>> -> memref<1x1x4x100xi32, #tpu.memory_space<hbm>>
        %dma_start3A_186 = tpu.memref_squeeze %dma_start3A_185 : memref<1x1x4x100xi32, #tpu.memory_space<hbm>> -> memref<4x100xi32, #tpu.memory_space<hbm>>
        %dma_start3A_187 = arith.constant 0 : i32
        %dma_start3A_188 = arith.constant 0 : i32
        %dma_start3A_189 = tpu.memref_slice %arg6[%sub3A_177, %dma_start3A_178, %dma_start3A_187, %dma_start3A_188] : memref<3x2x4x100xi32, #tpu.memory_space<vmem>> -> memref<1x1x4x100xi32, #tpu.memory_space<vmem>>
        %dma_start3A_190 = tpu.memref_squeeze %dma_start3A_189 : memref<1x1x4x100xi32, #tpu.memory_space<vmem>> -> memref<4x100xi32, #tpu.memory_space<vmem>>
        %dma_start3A_191 = arith.constant 0 : i32
        %dma_start3A_192 = arith.constant 0 : i32
        %dma_start3A_193 = tpu.memref_slice %arg3[%add3A, %add3A_170, %dma_start3A_191, %dma_start3A_192] : memref<32x25x4x100xi32, #tpu.memory_space<hbm>> -> memref<1x1x4x100xi32, #tpu.memory_space<hbm>>
        %dma_start3A_194 = tpu.memref_squeeze %dma_start3A_193 : memref<1x1x4x100xi32, #tpu.memory_space<hbm>> -> memref<4x100xi32, #tpu.memory_space<hbm>>
        tpu.enqueue_dma source(%dma_start3A_194 : memref<4x100xi32, #tpu.memory_space<hbm>>) target(%dma_start3A_190 : memref<4x100xi32, #tpu.memory_space<vmem>>) target_semaphore(%arg12 : memref<!tpu.dma_semaphore, #tpu.memory_space<semaphore_mem>>)
        %add3A_195 = arith.constant 1 : i32
        %add3A_196 = arith.addi %shift_right_arithmetic3A_86, %add3A_195 : i32
        %mul3A_197 = arith.constant 43691 : i32
        %mul3A_198 = arith.muli %add3A_196, %mul3A_197 : i32
        %shift_right_arithmetic3A_199 = arith.constant 17 : i32
        %shift_right_arithmetic3A_200 = arith.shrsi %mul3A_198, %shift_right_arithmetic3A_199 : i32
        %mul3A_201 = arith.constant 3 : i32
        %mul3A_202 = arith.muli %mul3A_201, %shift_right_arithmetic3A_200 : i32
        %sub3A_203 = arith.subi %add3A_196, %mul3A_202 : i32
        %dma_start3A_204 = arith.constant 1 : i32
        %dma_start3A_205 = arith.constant 0 : i32
        %dma_start3A_206 = arith.constant 0 : i32
        %dma_start3A_207 = tpu.memref_slice %arg6[%sub3A_203, %dma_start3A_204, %dma_start3A_205, %dma_start3A_206] : memref<3x2x4x100xi32, #tpu.memory_space<vmem>> -> memref<1x1x4x100xi32, #tpu.memory_space<vmem>>
        %dma_start3A_208 = tpu.memref_squeeze %dma_start3A_207 : memref<1x1x4x100xi32, #tpu.memory_space<vmem>> -> memref<4x100xi32, #tpu.memory_space<vmem>>
        %dma_start3A_209 = arith.constant 0 : i32
        %dma_start3A_210 = arith.constant 0 : i32
        %dma_start3A_211 = tpu.memref_slice %arg4[%add3A, %add3A_196, %dma_start3A_209, %dma_start3A_210] : memref<32x25x4x100xi32, #tpu.memory_space<hbm>> -> memref<1x1x4x100xi32, #tpu.memory_space<hbm>>
        %dma_start3A_212 = tpu.memref_squeeze %dma_start3A_211 : memref<1x1x4x100xi32, #tpu.memory_space<hbm>> -> memref<4x100xi32, #tpu.memory_space<hbm>>
        %dma_start3A_213 = arith.constant 0 : i32
        %dma_start3A_214 = arith.constant 0 : i32
        %dma_start3A_215 = tpu.memref_slice %arg6[%sub3A_203, %dma_start3A_204, %dma_start3A_213, %dma_start3A_214] : memref<3x2x4x100xi32, #tpu.memory_space<vmem>> -> memref<1x1x4x100xi32, #tpu.memory_space<vmem>>
        %dma_start3A_216 = tpu.memref_squeeze %dma_start3A_215 : memref<1x1x4x100xi32, #tpu.memory_space<vmem>> -> memref<4x100xi32, #tpu.memory_space<vmem>>
        %dma_start3A_217 = arith.constant 0 : i32
        %dma_start3A_218 = arith.constant 0 : i32
        %dma_start3A_219 = tpu.memref_slice %arg4[%add3A, %add3A_196, %dma_start3A_217, %dma_start3A_218] : memref<32x25x4x100xi32, #tpu.memory_space<hbm>> -> memref<1x1x4x100xi32, #tpu.memory_space<hbm>>
        %dma_start3A_220 = tpu.memref_squeeze %dma_start3A_219 : memref<1x1x4x100xi32, #tpu.memory_space<hbm>> -> memref<4x100xi32, #tpu.memory_space<hbm>>
        tpu.enqueue_dma source(%dma_start3A_220 : memref<4x100xi32, #tpu.memory_space<hbm>>) target(%dma_start3A_216 : memref<4x100xi32, #tpu.memory_space<vmem>>) target_semaphore(%arg12 : memref<!tpu.dma_semaphore, #tpu.memory_space<semaphore_mem>>)
      } else {
      }
      %shift_right_arithmetic3A_110 = arith.constant 2 : i32
      %shift_right_arithmetic3A_111 = arith.shrsi %scan3A_85, %shift_right_arithmetic3A_110 : i32
      %mul3A_112 = arith.constant 43691 : i32
      %mul3A_113 = arith.muli %shift_right_arithmetic3A_111, %mul3A_112 : i32
      %shift_right_arithmetic3A_114 = arith.constant 17 : i32
      %shift_right_arithmetic3A_115 = arith.shrsi %mul3A_113, %shift_right_arithmetic3A_114 : i32
      %mul3A_116 = arith.constant 3 : i32
      %mul3A_117 = arith.muli %mul3A_116, %shift_right_arithmetic3A_115 : i32
      %sub3A_118 = arith.subi %shift_right_arithmetic3A_111, %mul3A_117 : i32
      %and3A_119 = arith.constant 3 : i32
      %and3A_120 = arith.andi %scan3A_85, %and3A_119 : i32
      %dma_wait3A_121 = arith.constant 0 : i32
      %dma_wait3A_122 = arith.constant 0 : i32
      %dma_wait3A_123 = arith.constant 0 : i32
      %dma_wait3A_124 = tpu.memref_slice %arg7[%sub3A, %dma_wait3A_122, %dma_wait3A_123] : memref<3x100x128xf32, #tpu.memory_space<vmem>> -> memref<1x100x128xf32, #tpu.memory_space<vmem>>
      %dma_wait3A_125 = tpu.memref_squeeze %dma_wait3A_124 : memref<1x100x128xf32, #tpu.memory_space<vmem>> -> memref<100x128xf32, #tpu.memory_space<vmem>>
      %dma_wait3A_126 = arith.constant 0 : i32
      %dma_wait3A_127 = tpu.memref_slice %arg6[%sub3A_118, %dma_wait3A_121, %and3A_120, %dma_wait3A_126] : memref<3x2x4x100xi32, #tpu.memory_space<vmem>> -> memref<1x1x1x100xi32, #tpu.memory_space<vmem>>
      %dma_wait3A_128 = tpu.memref_squeeze %dma_wait3A_127 : memref<1x1x1x100xi32, #tpu.memory_space<vmem>> -> memref<100xi32, #tpu.memory_space<vmem>>
      %dma_wait3A_129 = arith.constant 0 : i32
      %dma_wait3A_130 = arith.constant 0 : i32
      %dma_wait3A_131 = tpu.memref_slice %arg2[%dma_wait3A_129, %dma_wait3A_130] : memref<10000x128xf32, #tpu.memory_space<hbm>> -> memref<10000x128xf32, #tpu.memory_space<hbm>>
      tpu.wait_indirect_dma semaphore(%arg10 : memref<!tpu.dma_semaphore, #tpu.memory_space<semaphore_mem>>) src(%dma_wait3A_131 : memref<10000x128xf32, #tpu.memory_space<hbm>>) dst(%dma_wait3A_125 : memref<100x128xf32, #tpu.memory_space<vmem>>)
      %mul3A_132 = arith.constant 43691 : i32
      %mul3A_133 = arith.muli %shift_right_arithmetic3A_86, %mul3A_132 : i32
      %shift_right_arithmetic3A_134 = arith.constant 17 : i32
      %shift_right_arithmetic3A_135 = arith.shrsi %mul3A_133, %shift_right_arithmetic3A_134 : i32
      %mul3A_136 = arith.constant 3 : i32
      %mul3A_137 = arith.muli %mul3A_136, %shift_right_arithmetic3A_135 : i32
      %sub3A_138 = arith.subi %shift_right_arithmetic3A_86, %mul3A_137 : i32
      %dma_start3A_139 = arith.constant 1 : i32
      %dma_start3A_140 = arith.constant 0 : i32
      %dma_start3A_141 = arith.constant 0 : i32
      %dma_start3A_142 = tpu.memref_slice %arg7[%sub3A, %dma_start3A_140, %dma_start3A_141] : memref<3x100x128xf32, #tpu.memory_space<vmem>> -> memref<1x100x128xf32, #tpu.memory_space<vmem>>
      %dma_start3A_143 = tpu.memref_squeeze %dma_start3A_142 : memref<1x100x128xf32, #tpu.memory_space<vmem>> -> memref<100x128xf32, #tpu.memory_space<vmem>>
      %dma_start3A_144 = arith.constant 0 : i32
      %dma_start3A_145 = tpu.memref_slice %arg6[%sub3A_138, %dma_start3A_139, %and3A_87, %dma_start3A_144] : memref<3x2x4x100xi32, #tpu.memory_space<vmem>> -> memref<1x1x1x100xi32, #tpu.memory_space<vmem>>
      %dma_start3A_146 = tpu.memref_squeeze %dma_start3A_145 : memref<1x1x1x100xi32, #tpu.memory_space<vmem>> -> memref<100xi32, #tpu.memory_space<vmem>>
      %dma_start3A_147 = arith.constant 0 : i32
      %dma_start3A_148 = arith.constant 0 : i32
      %dma_start3A_149 = tpu.memref_slice %arg9[%dma_start3A_147, %dma_start3A_148] : memref<10000x128xf32, #tpu.memory_space<vmem_shared>> -> memref<10000x128xf32, #tpu.memory_space<vmem_shared>>
      tpu.enqueue_indirect_dma source(%dma_start3A_143 : memref<100x128xf32, #tpu.memory_space<vmem>>) target(%dma_start3A_149 : memref<10000x128xf32, #tpu.memory_space<vmem_shared>>) offsets(%dma_start3A_146 : memref<100xi32, #tpu.memory_space<vmem>>) semaphore(%arg11 : memref<!tpu.dma_semaphore, #tpu.memory_space<semaphore_mem>>) {add = true}
      %ge3A = arith.constant 1 : i32
      %ge3A_150 = arith.cmpi sge, %scan3A_85, %ge3A : i32
      %convert_element_type3A_151 = arith.extui %ge3A_150 : i1 to i32
      %cond3A_152 = arith.constant 0 : i32
      %cond3A_153 = arith.cmpi ne, %convert_element_type3A_151, %cond3A_152 : i32
      scf.if %cond3A_153 {
        %sub3A_169 = arith.constant 1 : i32
        %sub3A_170 = arith.subi %scan3A_85, %sub3A_169 : i32
        %shift_right_arithmetic3A_171 = arith.constant 2 : i32
        %shift_right_arithmetic3A_172 = arith.shrsi %sub3A_170, %shift_right_arithmetic3A_171 : i32
        %mul3A_173 = arith.constant 43691 : i32
        %mul3A_174 = arith.muli %shift_right_arithmetic3A_172, %mul3A_173 : i32
        %shift_right_arithmetic3A_175 = arith.constant 17 : i32
        %shift_right_arithmetic3A_176 = arith.shrsi %mul3A_174, %shift_right_arithmetic3A_175 : i32
        %mul3A_177 = arith.constant 3 : i32
        %mul3A_178 = arith.muli %mul3A_177, %shift_right_arithmetic3A_176 : i32
        %sub3A_179 = arith.subi %shift_right_arithmetic3A_172, %mul3A_178 : i32
        %and3A_180 = arith.constant 3 : i32
        %and3A_181 = arith.andi %sub3A_170, %and3A_180 : i32
        %dma_wait3A_182 = arith.constant 1 : i32
        %dma_wait3A_183 = arith.constant 0 : i32
        %dma_wait3A_184 = arith.constant 0 : i32
        %dma_wait3A_185 = tpu.memref_slice %arg7[%sub3A_102, %dma_wait3A_183, %dma_wait3A_184] : memref<3x100x128xf32, #tpu.memory_space<vmem>> -> memref<1x100x128xf32, #tpu.memory_space<vmem>>
        %dma_wait3A_186 = tpu.memref_squeeze %dma_wait3A_185 : memref<1x100x128xf32, #tpu.memory_space<vmem>> -> memref<100x128xf32, #tpu.memory_space<vmem>>
        %dma_wait3A_187 = arith.constant 0 : i32
        %dma_wait3A_188 = tpu.memref_slice %arg6[%sub3A_179, %dma_wait3A_182, %and3A_181, %dma_wait3A_187] : memref<3x2x4x100xi32, #tpu.memory_space<vmem>> -> memref<1x1x1x100xi32, #tpu.memory_space<vmem>>
        %dma_wait3A_189 = tpu.memref_squeeze %dma_wait3A_188 : memref<1x1x1x100xi32, #tpu.memory_space<vmem>> -> memref<100xi32, #tpu.memory_space<vmem>>
        %dma_wait3A_190 = arith.constant 0 : i32
        %dma_wait3A_191 = arith.constant 0 : i32
        %dma_wait3A_192 = tpu.memref_slice %arg9[%dma_wait3A_190, %dma_wait3A_191] : memref<10000x128xf32, #tpu.memory_space<vmem_shared>> -> memref<10000x128xf32, #tpu.memory_space<vmem_shared>>
        tpu.wait_indirect_dma semaphore(%arg11 : memref<!tpu.dma_semaphore, #tpu.memory_space<semaphore_mem>>) src(%dma_wait3A_186 : memref<100x128xf32, #tpu.memory_space<vmem>>) dst(%dma_wait3A_192 : memref<10000x128xf32, #tpu.memory_space<vmem_shared>>)
      } else {
      }
      %eq3A_154 = arith.constant 2 : i32
      %eq3A_155 = arith.cmpi eq, %and3A_87, %eq3A_154 : i32
      %lt3A_156 = arith.constant 24 : i32
      %lt3A_157 = arith.cmpi slt, %shift_right_arithmetic3A_86, %lt3A_156 : i32
      %and3A_158 = arith.andi %eq3A_155, %lt3A_157 : i1
      %convert_element_type3A_159 = arith.extui %and3A_158 : i1 to i32
      %cond3A_160 = arith.constant 0 : i32
      %cond3A_161 = arith.cmpi ne, %convert_element_type3A_159, %cond3A_160 : i32
      scf.if %cond3A_161 {
        %add3A_169 = arith.constant 1 : i32
        %add3A_170 = arith.addi %shift_right_arithmetic3A_86, %add3A_169 : i32
        %mul3A_171 = arith.constant 43691 : i32
        %mul3A_172 = arith.muli %add3A_170, %mul3A_171 : i32
        %shift_right_arithmetic3A_173 = arith.constant 17 : i32
        %shift_right_arithmetic3A_174 = arith.shrsi %mul3A_172, %shift_right_arithmetic3A_173 : i32
        %mul3A_175 = arith.constant 3 : i32
        %mul3A_176 = arith.muli %mul3A_175, %shift_right_arithmetic3A_174 : i32
        %sub3A_177 = arith.subi %add3A_170, %mul3A_176 : i32
        %dma_wait3A_178 = arith.constant 0 : i32
        %dma_wait3A_179 = arith.constant 0 : i32
        %dma_wait3A_180 = arith.constant 0 : i32
        %dma_wait3A_181 = tpu.memref_slice %arg6[%sub3A_177, %dma_wait3A_178, %dma_wait3A_179, %dma_wait3A_180] : memref<3x2x4x100xi32, #tpu.memory_space<vmem>> -> memref<1x1x4x100xi32, #tpu.memory_space<vmem>>
        %dma_wait3A_182 = tpu.memref_squeeze %dma_wait3A_181 : memref<1x1x4x100xi32, #tpu.memory_space<vmem>> -> memref<4x100xi32, #tpu.memory_space<vmem>>
        %dma_wait3A_183 = arith.constant 0 : i32
        %dma_wait3A_184 = arith.constant 0 : i32
        %dma_wait3A_185 = tpu.memref_slice %arg3[%add3A, %add3A_170, %dma_wait3A_183, %dma_wait3A_184] : memref<32x25x4x100xi32, #tpu.memory_space<hbm>> -> memref<1x1x4x100xi32, #tpu.memory_space<hbm>>
        %dma_wait3A_186 = tpu.memref_squeeze %dma_wait3A_185 : memref<1x1x4x100xi32, #tpu.memory_space<hbm>> -> memref<4x100xi32, #tpu.memory_space<hbm>>
        %dma_wait3A_187 = arith.constant 0 : i32
        %dma_wait3A_188 = arith.constant 0 : i32
        %dma_wait3A_189 = tpu.memref_slice %arg6[%sub3A_177, %dma_wait3A_178, %dma_wait3A_187, %dma_wait3A_188] : memref<3x2x4x100xi32, #tpu.memory_space<vmem>> -> memref<1x1x4x100xi32, #tpu.memory_space<vmem>>
        %dma_wait3A_190 = tpu.memref_squeeze %dma_wait3A_189 : memref<1x1x4x100xi32, #tpu.memory_space<vmem>> -> memref<4x100xi32, #tpu.memory_space<vmem>>
        %dma_wait3A_191 = arith.constant 0 : i32
        %dma_wait3A_192 = arith.constant 0 : i32
        %dma_wait3A_193 = tpu.memref_slice %arg3[%add3A, %add3A_170, %dma_wait3A_191, %dma_wait3A_192] : memref<32x25x4x100xi32, #tpu.memory_space<hbm>> -> memref<1x1x4x100xi32, #tpu.memory_space<hbm>>
        %dma_wait3A_194 = tpu.memref_squeeze %dma_wait3A_193 : memref<1x1x4x100xi32, #tpu.memory_space<hbm>> -> memref<4x100xi32, #tpu.memory_space<hbm>>
        tpu.wait_dma2 semaphore(%arg12 : memref<!tpu.dma_semaphore, #tpu.memory_space<semaphore_mem>>) src(%dma_wait3A_194 : memref<4x100xi32, #tpu.memory_space<hbm>>) dst(%dma_wait3A_190 : memref<4x100xi32, #tpu.memory_space<vmem>>)
        %add3A_195 = arith.constant 1 : i32
        %add3A_196 = arith.addi %shift_right_arithmetic3A_86, %add3A_195 : i32
        %mul3A_197 = arith.constant 43691 : i32
        %mul3A_198 = arith.muli %add3A_196, %mul3A_197 : i32
        %shift_right_arithmetic3A_199 = arith.constant 17 : i32
        %shift_right_arithmetic3A_200 = arith.shrsi %mul3A_198, %shift_right_arithmetic3A_199 : i32
        %mul3A_201 = arith.constant 3 : i32
        %mul3A_202 = arith.muli %mul3A_201, %shift_right_arithmetic3A_200 : i32
        %sub3A_203 = arith.subi %add3A_196, %mul3A_202 : i32
        %dma_wait3A_204 = arith.constant 1 : i32
        %dma_wait3A_205 = arith.constant 0 : i32
        %dma_wait3A_206 = arith.constant 0 : i32
        %dma_wait3A_207 = tpu.memref_slice %arg6[%sub3A_203, %dma_wait3A_204, %dma_wait3A_205, %dma_wait3A_206] : memref<3x2x4x100xi32, #tpu.memory_space<vmem>> -> memref<1x1x4x100xi32, #tpu.memory_space<vmem>>
        %dma_wait3A_208 = tpu.memref_squeeze %dma_wait3A_207 : memref<1x1x4x100xi32, #tpu.memory_space<vmem>> -> memref<4x100xi32, #tpu.memory_space<vmem>>
        %dma_wait3A_209 = arith.constant 0 : i32
        %dma_wait3A_210 = arith.constant 0 : i32
        %dma_wait3A_211 = tpu.memref_slice %arg4[%add3A, %add3A_196, %dma_wait3A_209, %dma_wait3A_210] : memref<32x25x4x100xi32, #tpu.memory_space<hbm>> -> memref<1x1x4x100xi32, #tpu.memory_space<hbm>>
        %dma_wait3A_212 = tpu.memref_squeeze %dma_wait3A_211 : memref<1x1x4x100xi32, #tpu.memory_space<hbm>> -> memref<4x100xi32, #tpu.memory_space<hbm>>
        %dma_wait3A_213 = arith.constant 0 : i32
        %dma_wait3A_214 = arith.constant 0 : i32
        %dma_wait3A_215 = tpu.memref_slice %arg6[%sub3A_203, %dma_wait3A_204, %dma_wait3A_213, %dma_wait3A_214] : memref<3x2x4x100xi32, #tpu.memory_space<vmem>> -> memref<1x1x4x100xi32, #tpu.memory_space<vmem>>
        %dma_wait3A_216 = tpu.memref_squeeze %dma_wait3A_215 : memref<1x1x4x100xi32, #tpu.memory_space<vmem>> -> memref<4x100xi32, #tpu.memory_space<vmem>>
        %dma_wait3A_217 = arith.constant 0 : i32
        %dma_wait3A_218 = arith.constant 0 : i32
        %dma_wait3A_219 = tpu.memref_slice %arg4[%add3A, %add3A_196, %dma_wait3A_217, %dma_wait3A_218] : memref<32x25x4x100xi32, #tpu.memory_space<hbm>> -> memref<1x1x4x100xi32, #tpu.memory_space<hbm>>
        %dma_wait3A_220 = tpu.memref_squeeze %dma_wait3A_219 : memref<1x1x4x100xi32, #tpu.memory_space<hbm>> -> memref<4x100xi32, #tpu.memory_space<hbm>>
        tpu.wait_dma2 semaphore(%arg12 : memref<!tpu.dma_semaphore, #tpu.memory_space<semaphore_mem>>) src(%dma_wait3A_220 : memref<4x100xi32, #tpu.memory_space<hbm>>) dst(%dma_wait3A_216 : memref<4x100xi32, #tpu.memory_space<vmem>>)
      } else {
      }
      %add3A_162 = arith.constant 2 : i32
      %add3A_163 = arith.addi %scan3A_85, %add3A_162 : i32
      %lt3A_164 = arith.constant 100 : i32
      %lt3A_165 = arith.cmpi slt, %add3A_163, %lt3A_164 : i32
      %convert_element_type3A_166 = arith.extui %lt3A_165 : i1 to i32
      %cond3A_167 = arith.constant 0 : i32
      %cond3A_168 = arith.cmpi ne, %convert_element_type3A_166, %cond3A_167 : i32
      scf.if %cond3A_168 {
        %add3A_169 = arith.constant 2 : i32
        %add3A_170 = arith.addi %scan3A_85, %add3A_169 : i32
        %shift_right_arithmetic3A_171 = arith.constant 2 : i32
        %shift_right_arithmetic3A_172 = arith.shrsi %add3A_170, %shift_right_arithmetic3A_171 : i32
        %mul3A_173 = arith.constant 43691 : i32
        %mul3A_174 = arith.muli %shift_right_arithmetic3A_172, %mul3A_173 : i32
        %shift_right_arithmetic3A_175 = arith.constant 17 : i32
        %shift_right_arithmetic3A_176 = arith.shrsi %mul3A_174, %shift_right_arithmetic3A_175 : i32
        %mul3A_177 = arith.constant 3 : i32
        %mul3A_178 = arith.muli %mul3A_177, %shift_right_arithmetic3A_176 : i32
        %sub3A_179 = arith.subi %shift_right_arithmetic3A_172, %mul3A_178 : i32
        %and3A_180 = arith.constant 3 : i32
        %and3A_181 = arith.andi %add3A_170, %and3A_180 : i32
        %dma_start3A_182 = arith.constant 0 : i32
        %dma_start3A_183 = arith.constant 0 : i32
        %dma_start3A_184 = arith.constant 0 : i32
        %dma_start3A_185 = tpu.memref_slice %arg7[%sub3A_102, %dma_start3A_183, %dma_start3A_184] : memref<3x100x128xf32, #tpu.memory_space<vmem>> -> memref<1x100x128xf32, #tpu.memory_space<vmem>>
        %dma_start3A_186 = tpu.memref_squeeze %dma_start3A_185 : memref<1x100x128xf32, #tpu.memory_space<vmem>> -> memref<100x128xf32, #tpu.memory_space<vmem>>
        %dma_start3A_187 = arith.constant 0 : i32
        %dma_start3A_188 = tpu.memref_slice %arg6[%sub3A_179, %dma_start3A_182, %and3A_181, %dma_start3A_187] : memref<3x2x4x100xi32, #tpu.memory_space<vmem>> -> memref<1x1x1x100xi32, #tpu.memory_space<vmem>>
        %dma_start3A_189 = tpu.memref_squeeze %dma_start3A_188 : memref<1x1x1x100xi32, #tpu.memory_space<vmem>> -> memref<100xi32, #tpu.memory_space<vmem>>
        %dma_start3A_190 = arith.constant 0 : i32
        %dma_start3A_191 = arith.constant 0 : i32
        %dma_start3A_192 = tpu.memref_slice %arg2[%dma_start3A_190, %dma_start3A_191] : memref<10000x128xf32, #tpu.memory_space<hbm>> -> memref<10000x128xf32, #tpu.memory_space<hbm>>
        tpu.enqueue_indirect_dma source(%dma_start3A_192 : memref<10000x128xf32, #tpu.memory_space<hbm>>) target(%dma_start3A_186 : memref<100x128xf32, #tpu.memory_space<vmem>>) offsets(%dma_start3A_189 : memref<100xi32, #tpu.memory_space<vmem>>) semaphore(%arg10 : memref<!tpu.dma_semaphore, #tpu.memory_space<semaphore_mem>>)
      } else {
      }
    }
    %scan3A_65 = arith.constant 100 : i32
    %dma_wait3A = arith.constant 0 : i32
    %dma_wait3A_66 = arith.constant 0 : i32
    %dma_wait3A_67 = arith.constant 1 : i32
    %dma_wait3A_68 = arith.constant 3 : i32
    %dma_wait3A_69 = arith.constant 0 : i32
    %dma_wait3A_70 = arith.constant 0 : i32
    %dma_wait3A_71 = tpu.memref_slice %arg7[%dma_wait3A, %dma_wait3A_69, %dma_wait3A_70] : memref<3x100x128xf32, #tpu.memory_space<vmem>> -> memref<1x100x128xf32, #tpu.memory_space<vmem>>
    %dma_wait3A_72 = tpu.memref_squeeze %dma_wait3A_71 : memref<1x100x128xf32, #tpu.memory_space<vmem>> -> memref<100x128xf32, #tpu.memory_space<vmem>>
    %dma_wait3A_73 = arith.constant 0 : i32
    %dma_wait3A_74 = tpu.memref_slice %arg6[%dma_wait3A_66, %dma_wait3A_67, %dma_wait3A_68, %dma_wait3A_73] : memref<3x2x4x100xi32, #tpu.memory_space<vmem>> -> memref<1x1x1x100xi32, #tpu.memory_space<vmem>>
    %dma_wait3A_75 = tpu.memref_squeeze %dma_wait3A_74 : memref<1x1x1x100xi32, #tpu.memory_space<vmem>> -> memref<100xi32, #tpu.memory_space<vmem>>
    %dma_wait3A_76 = arith.constant 0 : i32
    %dma_wait3A_77 = arith.constant 0 : i32
    %dma_wait3A_78 = tpu.memref_slice %arg9[%dma_wait3A_76, %dma_wait3A_77] : memref<10000x128xf32, #tpu.memory_space<vmem_shared>> -> memref<10000x128xf32, #tpu.memory_space<vmem_shared>>
    tpu.wait_indirect_dma semaphore(%arg11 : memref<!tpu.dma_semaphore, #tpu.memory_space<semaphore_mem>>) src(%dma_wait3A_72 : memref<100x128xf32, #tpu.memory_space<vmem>>) dst(%dma_wait3A_78 : memref<10000x128xf32, #tpu.memory_space<vmem_shared>>)
    %barrier3A_79 = arith.constant 0 : index
    tpu.barrier barrier_id(%barrier3A_79)
    "tpu.region"() ({
      %run_scoped3A_85 = tpu.sem_alloc : memref<!tpu.dma_semaphore, #tpu.memory_space<semaphore_mem>>
      %dma_start3A_86 = arith.constant 0 : i32
      %dma_start3A_87 = tpu.memref_slice %arg5[%arg0, %mul3A_8, %dma_start3A_86] : memref<2x10000x128xf32, #tpu.memory_space<hbm>> -> memref<1x624x128xf32, #tpu.memory_space<hbm>>
      %dma_start3A_88 = tpu.memref_squeeze %dma_start3A_87 : memref<1x624x128xf32, #tpu.memory_space<hbm>> -> memref<624x128xf32, #tpu.memory_space<hbm>>
      %dma_start3A_89 = arith.constant 0 : i32
      %dma_start3A_90 = tpu.memref_slice %arg9[%mul3A_8, %dma_start3A_89] : memref<10000x128xf32, #tpu.memory_space<vmem_shared>> -> memref<624x128xf32, #tpu.memory_space<vmem_shared>>
      tpu.enqueue_dma source(%dma_start3A_90 : memref<624x128xf32, #tpu.memory_space<vmem_shared>>) target(%dma_start3A_88 : memref<624x128xf32, #tpu.memory_space<hbm>>) target_semaphore(%run_scoped3A_85 : memref<!tpu.dma_semaphore, #tpu.memory_space<semaphore_mem>>)
      %dma_wait3A_91 = arith.constant 0 : i32
      %dma_wait3A_92 = tpu.memref_slice %arg5[%arg0, %mul3A_8, %dma_wait3A_91] : memref<2x10000x128xf32, #tpu.memory_space<hbm>> -> memref<1x624x128xf32, #tpu.memory_space<hbm>>
      %dma_wait3A_93 = tpu.memref_squeeze %dma_wait3A_92 : memref<1x624x128xf32, #tpu.memory_space<hbm>> -> memref<624x128xf32, #tpu.memory_space<hbm>>
      %dma_wait3A_94 = arith.constant 0 : i32
      %dma_wait3A_95 = tpu.memref_slice %arg9[%mul3A_8, %dma_wait3A_94] : memref<10000x128xf32, #tpu.memory_space<vmem_shared>> -> memref<624x128xf32, #tpu.memory_space<vmem_shared>>
      tpu.wait_dma2 semaphore(%run_scoped3A_85 : memref<!tpu.dma_semaphore, #tpu.memory_space<semaphore_mem>>) src(%dma_wait3A_95 : memref<624x128xf32, #tpu.memory_space<vmem_shared>>) dst(%dma_wait3A_93 : memref<624x128xf32, #tpu.memory_space<hbm>>)
      tpu.yield
    }) : () -> ()
    %eq3A_80 = arith.constant 15 : i32
    %eq3A_81 = arith.cmpi eq, %arg1, %eq3A_80 : i32
    %convert_element_type3A_82 = arith.extui %eq3A_81 : i1 to i32
    %cond3A_83 = arith.constant 0 : i32
    %cond3A_84 = arith.cmpi ne, %convert_element_type3A_82, %cond3A_83 : i32
    scf.if %cond3A_84 {
      "tpu.region"() ({
        %run_scoped3A_85 = tpu.sem_alloc : memref<!tpu.dma_semaphore, #tpu.memory_space<semaphore_mem>>
        %dma_start3A_86 = arith.constant 9984 : i32
        %dma_start3A_87 = arith.constant 0 : i32
        %dma_start3A_88 = tpu.memref_slice %arg5[%arg0, %dma_start3A_86, %dma_start3A_87] : memref<2x10000x128xf32, #tpu.memory_space<hbm>> -> memref<1x16x128xf32, #tpu.memory_space<hbm>>
        %dma_start3A_89 = tpu.memref_squeeze %dma_start3A_88 : memref<1x16x128xf32, #tpu.memory_space<hbm>> -> memref<16x128xf32, #tpu.memory_space<hbm>>
        %dma_start3A_90 = arith.constant 9984 : i32
        %dma_start3A_91 = arith.constant 0 : i32
        %dma_start3A_92 = tpu.memref_slice %arg9[%dma_start3A_90, %dma_start3A_91] : memref<10000x128xf32, #tpu.memory_space<vmem_shared>> -> memref<16x128xf32, #tpu.memory_space<vmem_shared>>
        tpu.enqueue_dma source(%dma_start3A_92 : memref<16x128xf32, #tpu.memory_space<vmem_shared>>) target(%dma_start3A_89 : memref<16x128xf32, #tpu.memory_space<hbm>>) target_semaphore(%run_scoped3A_85 : memref<!tpu.dma_semaphore, #tpu.memory_space<semaphore_mem>>)
        %dma_wait3A_93 = arith.constant 9984 : i32
        %dma_wait3A_94 = arith.constant 0 : i32
        %dma_wait3A_95 = tpu.memref_slice %arg5[%arg0, %dma_wait3A_93, %dma_wait3A_94] : memref<2x10000x128xf32, #tpu.memory_space<hbm>> -> memref<1x16x128xf32, #tpu.memory_space<hbm>>
        %dma_wait3A_96 = tpu.memref_squeeze %dma_wait3A_95 : memref<1x16x128xf32, #tpu.memory_space<hbm>> -> memref<16x128xf32, #tpu.memory_space<hbm>>
        %dma_wait3A_97 = arith.constant 9984 : i32
        %dma_wait3A_98 = arith.constant 0 : i32
        %dma_wait3A_99 = tpu.memref_slice %arg9[%dma_wait3A_97, %dma_wait3A_98] : memref<10000x128xf32, #tpu.memory_space<vmem_shared>> -> memref<16x128xf32, #tpu.memory_space<vmem_shared>>
        tpu.wait_dma2 semaphore(%run_scoped3A_85 : memref<!tpu.dma_semaphore, #tpu.memory_space<semaphore_mem>>) src(%dma_wait3A_99 : memref<16x128xf32, #tpu.memory_space<vmem_shared>>) dst(%dma_wait3A_96 : memref<16x128xf32, #tpu.memory_space<hbm>>)
        tpu.yield
      }) : () -> ()
    } else {
    }
    return
  }
}

module attributes {stable_mosaic.version = 14 : i64} {
  func.func @_tc_stage1_body(%arg0: i32, %arg1: memref<1000x32xf32, #tpu.memory_space<vmem>>, %arg2: memref<1000x128xf32, #tpu.memory_space<vmem>>, %arg3: memref<128x128xf32, #tpu.memory_space<vmem>>, %arg4: memref<1000x128xf32, #tpu.memory_space<vmem>>, %arg5: memref<1000x1xf32, #tpu.memory_space<vmem>>) attributes {dimension_semantics = [#tpu.dimension_semantics<arbitrary>], iteration_bounds = array<i64: 10>, scalar_prefetch = 0 : i64, scratch_operands = 0 : i64, tpu.core_type = #tpu.core_type<tc>, window_params = [{transform_indices = @transform_0, window_bounds = array<i64: 1000, 32>}, {transform_indices = @transform_1, window_bounds = array<i64: 1000, 128>}, {pipeline_mode = #tpu.pipeline_mode<synchronous>, transform_indices = @transform_2, window_bounds = array<i64: 128, 128>}, {transform_indices = @transform_3, window_bounds = array<i64: 1000, 128>}, {transform_indices = @transform_4, window_bounds = array<i64: 1000, 1>}]} {
    %get3A = arith.constant 0 : index
    %get3A_0 = arith.constant 0 : index
    %get3A_1 = vector.load %arg1[%get3A, %get3A_0] : memref<1000x32xf32, #tpu.memory_space<vmem>>, vector<1000x32xf32>
    %reduce_sum3A = arith.constant dense<0.000000e+00> : vector<1000xf32>
    %reduce_sum3A_2 = vector.multi_reduction <add>, %get3A_1, %reduce_sum3A [1] : vector<1000x32xf32> to vector<1000xf32>
    %add3A = arith.constant 1.000000e+00 : f32
    %add3A_3 = vector.broadcast %add3A : f32 to vector<1000xf32>
    %add3A_4 = arith.addf %reduce_sum3A_2, %add3A_3 : vector<1000xf32>
    %rsqrt3A = math.rsqrt %add3A_4 : vector<1000xf32>
    %get3A_5 = arith.constant 0 : index
    %get3A_6 = arith.constant 0 : index
    %get3A_7 = vector.load %arg2[%get3A_5, %get3A_6] : memref<1000x128xf32, #tpu.memory_space<vmem>>, vector<1000x128xf32>
    %get3A_8 = arith.constant 0 : index
    %get3A_9 = arith.constant 0 : index
    %get3A_10 = vector.load %arg3[%get3A_8, %get3A_9] : memref<128x128xf32, #tpu.memory_space<vmem>>, vector<128x128xf32>
    %dot_general3A = arith.constant dense<0.000000e+00> : vector<1000x128xf32>
    %dot_general3A_11 = tpu.matmul %get3A_7, %get3A_10, %dot_general3A {dimension_numbers = #tpu.dot_dimension_numbers<[1], [0], [0], [1], [0, 0, 1, 1], [], []>, transpose_lhs_hint = false} : vector<1000x128xf32>, vector<128x128xf32>, vector<1000x128xf32> -> vector<1000x128xf32>
    %broadcast_in_dim3A = vector.shape_cast %rsqrt3A : vector<1000xf32> to vector<1000x1xf32>
    %mul3A = vector.broadcast %broadcast_in_dim3A : vector<1000x1xf32> to vector<1000x128xf32>
    %mul3A_12 = arith.mulf %dot_general3A_11, %mul3A : vector<1000x128xf32>
    %swap3A = arith.constant 0 : index
    %swap3A_13 = arith.constant 0 : index
    %swap3A_14 = vector.load %arg4[%swap3A, %swap3A_13] : memref<1000x128xf32, #tpu.memory_space<vmem>>, vector<1000x128xf32>
    tpu.vector_store %arg4[%swap3A, %swap3A_13], %mul3A_12 {strides = array<i32>} : memref<1000x128xf32, #tpu.memory_space<vmem>>, vector<1000x128xf32>,
    %broadcast_in_dim3A_15 = vector.shape_cast %rsqrt3A : vector<1000xf32> to vector<1000x1xf32>
    %swap3A_16 = arith.constant 0 : index
    %swap3A_17 = arith.constant 0 : index
    %swap3A_18 = vector.load %arg5[%swap3A_16, %swap3A_17] : memref<1000x1xf32, #tpu.memory_space<vmem>>, vector<1000x1xf32>
    tpu.vector_store %arg5[%swap3A_16, %swap3A_17], %broadcast_in_dim3A_15 {strides = array<i32>} : memref<1000x1xf32, #tpu.memory_space<vmem>>, vector<1000x1xf32>,
    return
  }
  func.func @transform_0(%arg0: i32) -> (i32, i32) {
    %c0_i32 = arith.constant 0 : i32
    %c0_i32_0 = arith.constant 0 : i32
    return %arg0, %c0_i32 : i32, i32
  }
  func.func @transform_1(%arg0: i32) -> (i32, i32) {
    %c0_i32 = arith.constant 0 : i32
    %c0_i32_0 = arith.constant 0 : i32
    return %arg0, %c0_i32 : i32, i32
  }
  func.func @transform_2(%arg0: i32) -> (i32, i32) {
    %c0_i32 = arith.constant 0 : i32
    %c0_i32_0 = arith.constant 0 : i32
    %c0_i32_1 = arith.constant 0 : i32
    return %c0_i32, %c0_i32_0 : i32, i32
  }
  func.func @transform_3(%arg0: i32) -> (i32, i32) {
    %c0_i32 = arith.constant 0 : i32
    %c0_i32_0 = arith.constant 0 : i32
    return %arg0, %c0_i32 : i32, i32
  }
  func.func @transform_4(%arg0: i32) -> (i32, i32) {
    %c0_i32 = arith.constant 0 : i32
    %c0_i32_0 = arith.constant 0 : i32
    return %arg0, %c0_i32 : i32, i32
  }
}

module attributes {stable_mosaic.version = 14 : i64} {
  func.func @_tc_mid_body(%arg0: i32, %arg1: memref<2x1000x128xf32, #tpu.memory_space<vmem>>, %arg2: memref<1000x128xf32, #tpu.memory_space<vmem>>, %arg3: memref<1000x1xf32, #tpu.memory_space<vmem>>, %arg4: memref<128xf32, #tpu.memory_space<vmem>>, %arg5: memref<128x128xf32, #tpu.memory_space<vmem>>, %arg6: memref<1000x128xf32, #tpu.memory_space<vmem>>) attributes {dimension_semantics = [#tpu.dimension_semantics<arbitrary>], iteration_bounds = array<i64: 10>, scalar_prefetch = 0 : i64, scratch_operands = 0 : i64, tpu.core_type = #tpu.core_type<tc>, window_params = [{transform_indices = @transform_0, window_bounds = array<i64: 2, 1000, 128>}, {transform_indices = @transform_1, window_bounds = array<i64: 1000, 128>}, {transform_indices = @transform_2, window_bounds = array<i64: 1000, 1>}, {pipeline_mode = #tpu.pipeline_mode<synchronous>, transform_indices = @transform_3, window_bounds = array<i64: 128>}, {pipeline_mode = #tpu.pipeline_mode<synchronous>, transform_indices = @transform_4, window_bounds = array<i64: 128, 128>}, {transform_indices = @transform_5, window_bounds = array<i64: 1000, 128>}]} {
    %get3A = arith.constant 0 : index
    %get3A_0 = arith.constant 0 : index
    %get3A_1 = vector.load %arg3[%get3A, %get3A_0] : memref<1000x1xf32, #tpu.memory_space<vmem>>, vector<1000x1xf32>
    %get3A_2 = arith.constant 0 : index
    %get3A_3 = arith.constant 0 : index
    %get3A_4 = arith.constant 0 : index
    %get3A_5 = vector.load %arg1[%get3A_2, %get3A_3, %get3A_4] : memref<2x1000x128xf32, #tpu.memory_space<vmem>>, vector<1x1000x128xf32>
    %get3A_6 = vector.shape_cast %get3A_5 : vector<1x1000x128xf32> to vector<1000x128xf32>
    %get3A_7 = arith.constant 1 : index
    %get3A_8 = arith.constant 0 : index
    %get3A_9 = arith.constant 0 : index
    %get3A_10 = vector.load %arg1[%get3A_7, %get3A_8, %get3A_9] : memref<2x1000x128xf32, #tpu.memory_space<vmem>>, vector<1x1000x128xf32>
    %get3A_11 = vector.shape_cast %get3A_10 : vector<1x1000x128xf32> to vector<1000x128xf32>
    %add3A = arith.addf %get3A_6, %get3A_11 : vector<1000x128xf32>
    %get3A_12 = arith.constant 0 : index
    %get3A_13 = arith.constant 0 : index
    %get3A_14 = vector.load %arg2[%get3A_12, %get3A_13] : memref<1000x128xf32, #tpu.memory_space<vmem>>, vector<1000x128xf32>
    %add3A_15 = arith.addf %add3A, %get3A_14 : vector<1000x128xf32>
    %mul3A = vector.broadcast %get3A_1 : vector<1000x1xf32> to vector<1000x128xf32>
    %mul3A_16 = arith.mulf %mul3A, %add3A_15 : vector<1000x128xf32>
    %get3A_17 = arith.constant 0 : index
    %get3A_18 = vector.load %arg4[%get3A_17] : memref<128xf32, #tpu.memory_space<vmem>>, vector<128xf32>
    %broadcast_in_dim3A = vector.shape_cast %get3A_18 : vector<128xf32> to vector<1x128xf32>
    %add3A_19 = vector.broadcast %broadcast_in_dim3A : vector<1x128xf32> to vector<1000x128xf32>
    %add3A_20 = arith.addf %mul3A_16, %add3A_19 : vector<1000x128xf32>
    %max3A = arith.constant 0.000000e+00 : f32
    %max3A_21 = vector.broadcast %max3A : f32 to vector<1000x128xf32>
    %max3A_22 = arith.maximumf %add3A_20, %max3A_21 : vector<1000x128xf32>
    %get3A_23 = arith.constant 0 : index
    %get3A_24 = arith.constant 0 : index
    %get3A_25 = vector.load %arg5[%get3A_23, %get3A_24] : memref<128x128xf32, #tpu.memory_space<vmem>>, vector<128x128xf32>
    %dot_general3A = arith.constant dense<0.000000e+00> : vector<1000x128xf32>
    %dot_general3A_26 = tpu.matmul %max3A_22, %get3A_25, %dot_general3A {dimension_numbers = #tpu.dot_dimension_numbers<[1], [0], [0], [1], [0, 0, 1, 1], [], []>, transpose_lhs_hint = false} : vector<1000x128xf32>, vector<128x128xf32>, vector<1000x128xf32> -> vector<1000x128xf32>
    %mul3A_27 = vector.broadcast %get3A_1 : vector<1000x1xf32> to vector<1000x128xf32>
    %mul3A_28 = arith.mulf %dot_general3A_26, %mul3A_27 : vector<1000x128xf32>
    %swap3A = arith.constant 0 : index
    %swap3A_29 = arith.constant 0 : index
    %swap3A_30 = vector.load %arg6[%swap3A, %swap3A_29] : memref<1000x128xf32, #tpu.memory_space<vmem>>, vector<1000x128xf32>
    tpu.vector_store %arg6[%swap3A, %swap3A_29], %mul3A_28 {strides = array<i32>} : memref<1000x128xf32, #tpu.memory_space<vmem>>, vector<1000x128xf32>,
    return
  }
  func.func @transform_0(%arg0: i32) -> (i32, i32, i32) {
    %c0_i32 = arith.constant 0 : i32
    %c0_i32_0 = arith.constant 0 : i32
    %c0_i32_1 = arith.constant 0 : i32
    return %c0_i32, %arg0, %c0_i32_0 : i32, i32, i32
  }
  func.func @transform_1(%arg0: i32) -> (i32, i32) {
    %c0_i32 = arith.constant 0 : i32
    %c0_i32_0 = arith.constant 0 : i32
    return %arg0, %c0_i32 : i32, i32
  }
  func.func @transform_2(%arg0: i32) -> (i32, i32) {
    %c0_i32 = arith.constant 0 : i32
    %c0_i32_0 = arith.constant 0 : i32
    return %arg0, %c0_i32 : i32, i32
  }
  func.func @transform_3(%arg0: i32) -> i32 {
    %c0_i32 = arith.constant 0 : i32
    %c0_i32_0 = arith.constant 0 : i32
    return %c0_i32 : i32
  }
  func.func @transform_4(%arg0: i32) -> (i32, i32) {
    %c0_i32 = arith.constant 0 : i32
    %c0_i32_0 = arith.constant 0 : i32
    %c0_i32_1 = arith.constant 0 : i32
    return %c0_i32, %c0_i32_0 : i32, i32
  }
  func.func @transform_5(%arg0: i32) -> (i32, i32) {
    %c0_i32 = arith.constant 0 : i32
    %c0_i32_0 = arith.constant 0 : i32
    return %arg0, %c0_i32 : i32, i32
  }
}

module attributes {stable_mosaic.version = 14 : i64} {
  func.func @_tc_final_body(%arg0: i32, %arg1: memref<2x1000x128xf32, #tpu.memory_space<vmem>>, %arg2: memref<1000x128xf32, #tpu.memory_space<vmem>>, %arg3: memref<1000x1xf32, #tpu.memory_space<vmem>>, %arg4: memref<128xf32, #tpu.memory_space<vmem>>, %arg5: memref<1000x1xi32, #tpu.memory_space<vmem>>, %arg6: memref<128x64xf32, #tpu.memory_space<vmem>>, %arg7: memref<64xf32, #tpu.memory_space<vmem>>, %arg8: memref<64x10xf32, #tpu.memory_space<vmem>>, %arg9: memref<10xf32, #tpu.memory_space<vmem>>, %arg10: memref<1000x128xf32, #tpu.memory_space<vmem>>, %arg11: memref<64x10xf32, #tpu.memory_space<vmem>>, %arg12: memref<64x10xf32, #tpu.memory_space<vmem>>, %arg13: memref<64x128xf32, #tpu.memory_space<vmem>>, %arg14: memref<64x128xf32, #tpu.memory_space<vmem>>) attributes {dimension_semantics = [#tpu.dimension_semantics<arbitrary>], iteration_bounds = array<i64: 10>, scalar_prefetch = 0 : i64, scratch_operands = 2 : i64, tpu.core_type = #tpu.core_type<tc>, window_params = [{transform_indices = @transform_0, window_bounds = array<i64: 2, 1000, 128>}, {transform_indices = @transform_1, window_bounds = array<i64: 1000, 128>}, {transform_indices = @transform_2, window_bounds = array<i64: 1000, 1>}, {pipeline_mode = #tpu.pipeline_mode<synchronous>, transform_indices = @transform_3, window_bounds = array<i64: 128>}, {transform_indices = @transform_4, window_bounds = array<i64: 1000, 1>}, {pipeline_mode = #tpu.pipeline_mode<synchronous>, transform_indices = @transform_5, window_bounds = array<i64: 128, 64>}, {pipeline_mode = #tpu.pipeline_mode<synchronous>, transform_indices = @transform_6, window_bounds = array<i64: 64>}, {pipeline_mode = #tpu.pipeline_mode<synchronous>, transform_indices = @transform_7, window_bounds = array<i64: 64, 10>}, {pipeline_mode = #tpu.pipeline_mode<synchronous>, transform_indices = @transform_8, window_bounds = array<i64: 10>}, {transform_indices = @transform_9, window_bounds = array<i64: 1000, 128>}, {pipeline_mode = #tpu.pipeline_mode<synchronous>, transform_indices = @transform_10, window_bounds = array<i64: 64, 10>}, {pipeline_mode = #tpu.pipeline_mode<synchronous>, transform_indices = @transform_11, window_bounds = array<i64: 64, 10>}]} {
    %get3A = arith.constant 0 : index
    %get3A_0 = arith.constant 0 : index
    %get3A_1 = vector.load %arg3[%get3A, %get3A_0] : memref<1000x1xf32, #tpu.memory_space<vmem>>, vector<1000x1xf32>
    %get3A_2 = arith.constant 0 : index
    %get3A_3 = arith.constant 0 : index
    %get3A_4 = arith.constant 0 : index
    %get3A_5 = vector.load %arg1[%get3A_2, %get3A_3, %get3A_4] : memref<2x1000x128xf32, #tpu.memory_space<vmem>>, vector<1x1000x128xf32>
    %get3A_6 = vector.shape_cast %get3A_5 : vector<1x1000x128xf32> to vector<1000x128xf32>
    %get3A_7 = arith.constant 1 : index
    %get3A_8 = arith.constant 0 : index
    %get3A_9 = arith.constant 0 : index
    %get3A_10 = vector.load %arg1[%get3A_7, %get3A_8, %get3A_9] : memref<2x1000x128xf32, #tpu.memory_space<vmem>>, vector<1x1000x128xf32>
    %get3A_11 = vector.shape_cast %get3A_10 : vector<1x1000x128xf32> to vector<1000x128xf32>
    %add3A = arith.addf %get3A_6, %get3A_11 : vector<1000x128xf32>
    %get3A_12 = arith.constant 0 : index
    %get3A_13 = arith.constant 0 : index
    %get3A_14 = vector.load %arg2[%get3A_12, %get3A_13] : memref<1000x128xf32, #tpu.memory_space<vmem>>, vector<1000x128xf32>
    %add3A_15 = arith.addf %add3A, %get3A_14 : vector<1000x128xf32>
    %mul3A = vector.broadcast %get3A_1 : vector<1000x1xf32> to vector<1000x128xf32>
    %mul3A_16 = arith.mulf %mul3A, %add3A_15 : vector<1000x128xf32>
    %get3A_17 = arith.constant 0 : index
    %get3A_18 = vector.load %arg4[%get3A_17] : memref<128xf32, #tpu.memory_space<vmem>>, vector<128xf32>
    %broadcast_in_dim3A = vector.shape_cast %get3A_18 : vector<128xf32> to vector<1x128xf32>
    %add3A_19 = vector.broadcast %broadcast_in_dim3A : vector<1x128xf32> to vector<1000x128xf32>
    %add3A_20 = arith.addf %mul3A_16, %add3A_19 : vector<1000x128xf32>
    %max3A = arith.constant 0.000000e+00 : f32
    %max3A_21 = vector.broadcast %max3A : f32 to vector<1000x128xf32>
    %max3A_22 = arith.maximumf %add3A_20, %max3A_21 : vector<1000x128xf32>
    %swap3A = arith.constant 0 : index
    %swap3A_23 = arith.constant 0 : index
    %swap3A_24 = vector.load %arg10[%swap3A, %swap3A_23] : memref<1000x128xf32, #tpu.memory_space<vmem>>, vector<1000x128xf32>
    tpu.vector_store %arg10[%swap3A, %swap3A_23], %max3A_22 {strides = array<i32>} : memref<1000x128xf32, #tpu.memory_space<vmem>>, vector<1000x128xf32>,
    %eq3A = arith.constant 0 : i32
    %eq3A_25 = arith.cmpi eq, %arg0, %eq3A : i32
    %convert_element_type3A = arith.extui %eq3A_25 : i1 to i32
    %cond3A = arith.constant 0 : i32
    %cond3A_26 = arith.cmpi ne, %convert_element_type3A, %cond3A : i32
    scf.if %cond3A_26 {
      %broadcast_in_dim3A_58 = arith.constant 0.000000e+00 : f32
      %broadcast_in_dim3A_59 = vector.broadcast %broadcast_in_dim3A_58 : f32 to vector<64x128xf32>
      %swap3A_60 = arith.constant 0 : index
      %swap3A_61 = arith.constant 0 : index
      %swap3A_62 = vector.load %arg13[%swap3A_60, %swap3A_61] : memref<64x128xf32, #tpu.memory_space<vmem>>, vector<64x128xf32>
      tpu.vector_store %arg13[%swap3A_60, %swap3A_61], %broadcast_in_dim3A_59 {strides = array<i32>} : memref<64x128xf32, #tpu.memory_space<vmem>>, vector<64x128xf32>,
      %broadcast_in_dim3A_63 = arith.constant 0.000000e+00 : f32
      %broadcast_in_dim3A_64 = vector.broadcast %broadcast_in_dim3A_63 : f32 to vector<64x128xf32>
      %swap3A_65 = arith.constant 0 : index
      %swap3A_66 = arith.constant 0 : index
      %swap3A_67 = vector.load %arg14[%swap3A_65, %swap3A_66] : memref<64x128xf32, #tpu.memory_space<vmem>>, vector<64x128xf32>
      tpu.vector_store %arg14[%swap3A_65, %swap3A_66], %broadcast_in_dim3A_64 {strides = array<i32>} : memref<64x128xf32, #tpu.memory_space<vmem>>, vector<64x128xf32>,
    } else {
    }
    %get3A_27 = arith.constant 0 : index
    %get3A_28 = arith.constant 0 : index
    %get3A_29 = vector.load %arg5[%get3A_27, %get3A_28] : memref<1000x1xi32, #tpu.memory_space<vmem>>, vector<1000x1xi32>
    %squeeze3A = vector.shape_cast %get3A_29 : vector<1000x1xi32> to vector<1000xi32>
    %iota3A = tpu.iota {dimensions = array<i32: 0>} : vector<64x1000xi32>
    %broadcast_in_dim3A_30 = vector.shape_cast %squeeze3A : vector<1000xi32> to vector<1x1000xi32>
    %eq3A_31 = vector.broadcast %broadcast_in_dim3A_30 : vector<1x1000xi32> to vector<64x1000xi32>
    %eq3A_32 = arith.cmpi eq, %eq3A_31, %iota3A : vector<64x1000xi32>
    %convert_element_type3A_33 = arith.extui %eq3A_32 : vector<64x1000xi1> to vector<64x1000xi32>
    %convert_element_type3A_34 = arith.sitofp %convert_element_type3A_33 : vector<64x1000xi32> to vector<64x1000xf32>
    %get3A_35 = arith.constant 0 : index
    %get3A_36 = arith.constant 0 : index
    %get3A_37 = vector.load %arg13[%get3A_35, %get3A_36] : memref<64x128xf32, #tpu.memory_space<vmem>>, vector<64x128xf32>
    %dot_general3A = arith.constant dense<0.000000e+00> : vector<64x128xf32>
    %dot_general3A_38 = tpu.matmul %convert_element_type3A_34, %max3A_22, %dot_general3A {dimension_numbers = #tpu.dot_dimension_numbers<[1], [0], [0], [1], [0, 0, 1, 1], [], []>, transpose_lhs_hint = false} : vector<64x1000xf32>, vector<1000x128xf32>, vector<64x128xf32> -> vector<64x128xf32>
    %add3A_39 = arith.addf %get3A_37, %dot_general3A_38 : vector<64x128xf32>
    %swap3A_40 = arith.constant 0 : index
    %swap3A_41 = arith.constant 0 : index
    %swap3A_42 = vector.load %arg13[%swap3A_40, %swap3A_41] : memref<64x128xf32, #tpu.memory_space<vmem>>, vector<64x128xf32>
    tpu.vector_store %arg13[%swap3A_40, %swap3A_41], %add3A_39 {strides = array<i32>} : memref<64x128xf32, #tpu.memory_space<vmem>>, vector<64x128xf32>,
    %get3A_43 = arith.constant 0 : index
    %get3A_44 = arith.constant 0 : index
    %get3A_45 = vector.load %arg14[%get3A_43, %get3A_44] : memref<64x128xf32, #tpu.memory_space<vmem>>, vector<64x128xf32>
    %reduce_sum3A = arith.constant dense<0.000000e+00> : vector<64xf32>
    %reduce_sum3A_46 = vector.multi_reduction <add>, %convert_element_type3A_34, %reduce_sum3A [1] : vector<64x1000xf32> to vector<64xf32>
    %broadcast_in_dim3A_47 = vector.shape_cast %reduce_sum3A_46 : vector<64xf32> to vector<64x1xf32>
    %add3A_48 = vector.broadcast %broadcast_in_dim3A_47 : vector<64x1xf32> to vector<64x128xf32>
    %add3A_49 = arith.addf %get3A_45, %add3A_48 : vector<64x128xf32>
    %swap3A_50 = arith.constant 0 : index
    %swap3A_51 = arith.constant 0 : index
    %swap3A_52 = vector.load %arg14[%swap3A_50, %swap3A_51] : memref<64x128xf32, #tpu.memory_space<vmem>>, vector<64x128xf32>
    tpu.vector_store %arg14[%swap3A_50, %swap3A_51], %add3A_49 {strides = array<i32>} : memref<64x128xf32, #tpu.memory_space<vmem>>, vector<64x128xf32>,
    %eq3A_53 = arith.constant 9 : i32
    %eq3A_54 = arith.cmpi eq, %arg0, %eq3A_53 : i32
    %convert_element_type3A_55 = arith.extui %eq3A_54 : i1 to i32
    %cond3A_56 = arith.constant 0 : i32
    %cond3A_57 = arith.cmpi ne, %convert_element_type3A_55, %cond3A_56 : i32
    scf.if %cond3A_57 {
      %get3A_58 = arith.constant 0 : index
      %get3A_59 = arith.constant 0 : index
      %get3A_60 = vector.load %arg13[%get3A_58, %get3A_59] : memref<64x128xf32, #tpu.memory_space<vmem>>, vector<64x128xf32>
      %get3A_61 = arith.constant 0 : index
      %get3A_62 = arith.constant 0 : index
      %get3A_63 = vector.load %arg14[%get3A_61, %get3A_62] : memref<64x128xf32, #tpu.memory_space<vmem>>, vector<64x128xf32>
      %max3A_64 = arith.constant 1.000000e+00 : f32
      %max3A_65 = vector.broadcast %max3A_64 : f32 to vector<64x128xf32>
      %max3A_66 = arith.maximumf %get3A_63, %max3A_65 : vector<64x128xf32>
      %div3A = arith.divf %get3A_60, %max3A_66 : vector<64x128xf32>
      %get3A_67 = arith.constant 0 : index
      %get3A_68 = arith.constant 0 : index
      %get3A_69 = vector.load %arg6[%get3A_67, %get3A_68] : memref<128x64xf32, #tpu.memory_space<vmem>>, vector<128x64xf32>
      %dot_general3A_70 = arith.constant dense<0.000000e+00> : vector<64x64xf32>
      %dot_general3A_71 = tpu.matmul %div3A, %get3A_69, %dot_general3A_70 {dimension_numbers = #tpu.dot_dimension_numbers<[1], [0], [0], [1], [0, 0, 1, 1], [], []>, transpose_lhs_hint = false} : vector<64x128xf32>, vector<128x64xf32>, vector<64x64xf32> -> vector<64x64xf32>
      %get3A_72 = arith.constant 0 : index
      %get3A_73 = vector.load %arg7[%get3A_72] : memref<64xf32, #tpu.memory_space<vmem>>, vector<64xf32>
      %broadcast_in_dim3A_74 = vector.shape_cast %get3A_73 : vector<64xf32> to vector<1x64xf32>
      %add3A_75 = vector.broadcast %broadcast_in_dim3A_74 : vector<1x64xf32> to vector<64x64xf32>
      %add3A_76 = arith.addf %dot_general3A_71, %add3A_75 : vector<64x64xf32>
      %gt3A = arith.constant 0.000000e+00 : f32
      %gt3A_77 = vector.broadcast %gt3A : f32 to vector<64x64xf32>
      %gt3A_78 = arith.cmpf ogt, %add3A_76, %gt3A_77 : vector<64x64xf32>
      %exp3A = math.exp %add3A_76 : vector<64x64xf32>
      %sub3A = arith.constant 1.000000e+00 : f32
      %sub3A_79 = vector.broadcast %sub3A : f32 to vector<64x64xf32>
      %sub3A_80 = arith.subf %exp3A, %sub3A_79 : vector<64x64xf32>
      %select_n3A = arith.select %gt3A_78, %add3A_76, %sub3A_80 : vector<64x64xi1>, vector<64x64xf32>
      %get3A_81 = arith.constant 0 : index
      %get3A_82 = arith.constant 0 : index
      %get3A_83 = vector.load %arg8[%get3A_81, %get3A_82] : memref<64x10xf32, #tpu.memory_space<vmem>>, vector<64x10xf32>
      %dot_general3A_84 = arith.constant dense<0.000000e+00> : vector<64x10xf32>
      %dot_general3A_85 = tpu.matmul %select_n3A, %get3A_83, %dot_general3A_84 {dimension_numbers = #tpu.dot_dimension_numbers<[1], [0], [0], [1], [0, 0, 1, 1], [], []>, transpose_lhs_hint = false} : vector<64x64xf32>, vector<64x10xf32>, vector<64x10xf32> -> vector<64x10xf32>
      %get3A_86 = arith.constant 0 : index
      %get3A_87 = vector.load %arg9[%get3A_86] : memref<10xf32, #tpu.memory_space<vmem>>, vector<10xf32>
      %broadcast_in_dim3A_88 = vector.shape_cast %get3A_87 : vector<10xf32> to vector<1x10xf32>
      %add3A_89 = vector.broadcast %broadcast_in_dim3A_88 : vector<1x10xf32> to vector<64x10xf32>
      %add3A_90 = arith.addf %dot_general3A_85, %add3A_89 : vector<64x10xf32>
      %swap3A_91 = arith.constant 0 : index
      %swap3A_92 = arith.constant 0 : index
      %swap3A_93 = vector.load %arg11[%swap3A_91, %swap3A_92] : memref<64x10xf32, #tpu.memory_space<vmem>>, vector<64x10xf32>
      tpu.vector_store %arg11[%swap3A_91, %swap3A_92], %add3A_90 {strides = array<i32>} : memref<64x10xf32, #tpu.memory_space<vmem>>, vector<64x10xf32>,
      %reduce_max3A = arith.constant dense<0xFF800000> : vector<64xf32>
      %reduce_max3A_94 = vector.multi_reduction <maximumf>, %add3A_90, %reduce_max3A [1] : vector<64x10xf32> to vector<64xf32>
      %broadcast_in_dim3A_95 = vector.shape_cast %reduce_max3A_94 : vector<64xf32> to vector<64x1xf32>
      %sub3A_96 = vector.broadcast %broadcast_in_dim3A_95 : vector<64x1xf32> to vector<64x10xf32>
      %sub3A_97 = arith.subf %add3A_90, %sub3A_96 : vector<64x10xf32>
      %exp3A_98 = math.exp %sub3A_97 : vector<64x10xf32>
      %reduce_sum3A_99 = arith.constant dense<0.000000e+00> : vector<64xf32>
      %reduce_sum3A_100 = vector.multi_reduction <add>, %exp3A_98, %reduce_sum3A_99 [1] : vector<64x10xf32> to vector<64xf32>
      %broadcast_in_dim3A_101 = vector.shape_cast %reduce_sum3A_100 : vector<64xf32> to vector<64x1xf32>
      %div3A_102 = vector.broadcast %broadcast_in_dim3A_101 : vector<64x1xf32> to vector<64x10xf32>
      %div3A_103 = arith.divf %exp3A_98, %div3A_102 : vector<64x10xf32>
      %swap3A_104 = arith.constant 0 : index
      %swap3A_105 = arith.constant 0 : index
      %swap3A_106 = vector.load %arg12[%swap3A_104, %swap3A_105] : memref<64x10xf32, #tpu.memory_space<vmem>>, vector<64x10xf32>
      tpu.vector_store %arg12[%swap3A_104, %swap3A_105], %div3A_103 {strides = array<i32>} : memref<64x10xf32, #tpu.memory_space<vmem>>, vector<64x10xf32>,
    } else {
    }
    return
  }
  func.func @transform_0(%arg0: i32) -> (i32, i32, i32) {
    %c0_i32 = arith.constant 0 : i32
    %c0_i32_0 = arith.constant 0 : i32
    %c0_i32_1 = arith.constant 0 : i32
    return %c0_i32, %arg0, %c0_i32_0 : i32, i32, i32
  }
  func.func @transform_1(%arg0: i32) -> (i32, i32) {
    %c0_i32 = arith.constant 0 : i32
    %c0_i32_0 = arith.constant 0 : i32
    return %arg0, %c0_i32 : i32, i32
  }
  func.func @transform_2(%arg0: i32) -> (i32, i32) {
    %c0_i32 = arith.constant 0 : i32
    %c0_i32_0 = arith.constant 0 : i32
    return %arg0, %c0_i32 : i32, i32
  }
  func.func @transform_3(%arg0: i32) -> i32 {
    %c0_i32 = arith.constant 0 : i32
    %c0_i32_0 = arith.constant 0 : i32
    return %c0_i32 : i32
  }
  func.func @transform_4(%arg0: i32) -> (i32, i32) {
    %c0_i32 = arith.constant 0 : i32
    %c0_i32_0 = arith.constant 0 : i32
    return %arg0, %c0_i32 : i32, i32
  }
  func.func @transform_5(%arg0: i32) -> (i32, i32) {
    %c0_i32 = arith.constant 0 : i32
    %c0_i32_0 = arith.constant 0 : i32
    %c0_i32_1 = arith.constant 0 : i32
    return %c0_i32, %c0_i32_0 : i32, i32
  }
  func.func @transform_6(%arg0: i32) -> i32 {
    %c0_i32 = arith.constant 0 : i32
    %c0_i32_0 = arith.constant 0 : i32
    return %c0_i32 : i32
  }
  func.func @transform_7(%arg0: i32) -> (i32, i32) {
    %c0_i32 = arith.constant 0 : i32
    %c0_i32_0 = arith.constant 0 : i32
    %c0_i32_1 = arith.constant 0 : i32
    return %c0_i32, %c0_i32_0 : i32, i32
  }
  func.func @transform_8(%arg0: i32) -> i32 {
    %c0_i32 = arith.constant 0 : i32
    %c0_i32_0 = arith.constant 0 : i32
    return %c0_i32 : i32
  }
  func.func @transform_9(%arg0: i32) -> (i32, i32) {
    %c0_i32 = arith.constant 0 : i32
    %c0_i32_0 = arith.constant 0 : i32
    return %arg0, %c0_i32 : i32, i32
  }
  func.func @transform_10(%arg0: i32) -> (i32, i32) {
    %c0_i32 = arith.constant 0 : i32
    %c0_i32_0 = arith.constant 0 : i32
    %c0_i32_1 = arith.constant 0 : i32
    return %c0_i32, %c0_i32_0 : i32, i32
  }
  func.func @transform_11(%arg0: i32) -> (i32, i32) {
    %c0_i32 = arith.constant 0 : i32
    %c0_i32_0 = arith.constant 0 : i32
    %c0_i32_1 = arith.constant 0 : i32
    return %c0_i32, %c0_i32_0 : i32, i32
  }
}

</mosaic_0001>

<sc_bundles>
// kernel: kernel.10.cloned.1.call-start
scs
__scs_entry_jumppad:
0x0: {  	(pc) =	sbr.rel $0x88, $3  }
0x1: {  	(tag) =	ssettag $0x0;
	lr =	simm.s32 $0x1  }
0x2: {  	[smem:$0x3F94] =	sst lr;
	_ =	strace $0xD0000000  }
0x3: {  	_ = 	snop  }
0x4: {  	_ = 	snop  }
0x5: {  	_ = 	snop  }
0x6: {  	_ = 	snop  }
0x7: {  	_ = 	snop  }
__scs_overlays_trampoline_lowered:
0x8: {  	[smem:$0x3FA3] =	sst s0  }
0x9: {  	[smem:$0x3FA4] =	sst s1  }
0xa: {  	[smem:$0x3FA5] =	sst s2  }
0xb: {  	[smem:$0x3FA6] =	sst s3  }
0xc: {  	[smem:$0x3FA7] =	sst s4  }
0xd: {  	[smem:$0x3FA8] =	sst s5  }
0xe: {  	[smem:$0x3FA9] =	sst s6  }
0xf: {  	[smem:$0x3FAA] =	sst s7  }
0x10: {  	[smem:$0x3FAB] =	sst s8  }
0x11: {  	[smem:$0x3FAC] =	sst s9;
	s0 =	simm.s32 @!p0 $0x0  }
0x12: {  	s1 =	sld [smem:$0x3F92];
	s0 =	simm.s32 @p0 $0x1  }
0x13: {  	[smem:$0x3FAD] =	sst s0;
	s0 =	simm.s32 @!p1 $0x0  }
0x14: {  	s2 =	sld [smem:$0x3F91];
	s0 =	simm.s32 @p1 $0x1  }
0x15: {  	[smem:$0x3FAE] =	sst s0;
	s0 =	simm.s32 @!p2 $0x0  }
0x16: {  	s3 =	sld [smem:$0x3FDB];
	s0 =	simm.s32 @p2 $0x1  }
0x17: {  	s4 =	simm.s32 $0x1BF5;
	[smem:$0x3FB0] =	sst s0  }
0x18: {  	s0 =	sld [smem:$0x3F93];
	_ =	swait.ge [sflag:s4], $0x0  }
0x19: {  	s7 =	sld [smem:$0x3F94]  }
0x1a: {  	s8 =	sadd.s32 $0xFFFFE003, lr  }
0x1b: {  	s9 =	sadd.s32 $0xFFFFFEF7, lr;
	s5 =	simm.s32 $0xFFFFFFFF;
	p2 =	slt.u32 s8, $0xFFFFF086  }
0x1c: {  	p1 =	slt.u32 s9, $0xF7A;
	s5 =	simm.s32 @!p2 $0x0  }
0x1d: {  	s5 =	simm.s32 @p1 $0x1;
	p0 =	seq.s32 s7, s2  }
0x1e: {  	s7 =	smul.u32 @!p0 $0xF7A, s2;
	p2 =	seq.s32 @!p0 s5, $0x0  }
0x1f: {  	s9 =	smul.u32 $0xF7A, s1;
	s8 =	simm.s32 @!p0 $0x1BF5;
	p2 =	por !p2, p0  }
0x20: {  	[sflag:s8] =	ssyncset.s32 @!p0 $0xFFFFF086;
	s6 =	sadd.s32 @!p0 s3, s7;
	s7 =	simm.s32 @!p0 $0x108  }
0x21: {  	s3 =	sadd.s32 s3, s9;
	s6 =	sadd.s32 @!p0 $0x88, s6;
	s7 =	simm.s32 @p2 $0x1082  }
0x22: {  	[simem:s7], [sflag:s8] =	dma.local @!p0 [hbm:s6], $0xF7A  }
0x23: {  	s9 =	sor.u32 $0xD0000000, s2;
	s6 =	simm.s32 $0x108;
	_ =	swait.ge @!p0 [sflag:s8], $0x0  }
0x24: {  	s3 =	sadd.s32 $0x88, s3;
	s6 =	simm.s32 @!p1 $0x1082;
	[sflag:s4] =	ssyncset.s32 $0xFFFFF086  }
0x25: {  	[simem:s6], [sflag:s4] =	dma.local [hbm:s3], $0xF7A  }
0x26: {  	[smem:$0x3F94] =	sst s1;
	(tag) =	ssettag s2;
	_ =	strace s9  }
0x27: {  	s1 =	sld [smem:$0x3FA4]  }
0x28: {  	s2 =	sld [smem:$0x3FA5]  }
0x29: {  	s4 =	sld [smem:$0x3FA7]  }
0x2a: {  	p0 =	seq.s32 s5, $0x0;
	s5 =	sld [smem:$0x3FA8]  }
0x2b: {  	s6 =	sld [smem:$0x3FA9]  }
0x2c: {  	s7 =	sld [smem:$0x3FAA]  }
0x2d: {  	s3 =	simm.s32 $0x108;
	s8 =	sld [smem:$0x3FAB]  }
0x2e: {  	s3 =	simm.s32 @!p0 $0x1082;
	s9 =	sld [smem:$0x3FAC]  }
0x2f: {  	lr =	sadd.s32 s0, s3;
	s0 =	sld [smem:$0x3FA3]  }
0x30: {  	s3 =	sld [smem:$0x3FA6]  }
0x31: {  	[smem:$0x3FAF] =	sst s10  }
0x32: {  	s10 =	sld [smem:$0x3FAD];
	_ =	sdelay $0x3  }
0x33: {  	p0 =	seq.s32 s10, $0x1;
	s10 =	sld [smem:$0x3FAF];
	_ =	sdelay $0x3  }
0x34: {  	[smem:$0x3FAF] =	sst s10  }
0x35: {  	s10 =	sld [smem:$0x3FAE];
	_ =	sdelay $0x3  }
0x36: {  	p1 =	seq.s32 s10, $0x1;
	s10 =	sld [smem:$0x3FAF];
	_ =	sdelay $0x3  }
0x37: {  	[smem:$0x3FAF] =	sst s10  }
0x38: {  	s10 =	sld [smem:$0x3FB0]  }
0x39: {  	_ = 	snop;
	(pc) =	sbr.ind lr, $3  }
0x3a: {  	_ = 	snop  }
0x3b: {  	_ = 	snop  }
0x3c: {  	p2 =	seq.s32 s10, $0x1;
	s10 =	sld [smem:$0x3FAF]  }
0x3d: {  	_ =	shalt  }
0x3e: {  	_ =	shalt  }
0x3f: {  	_ =	shalt  }
0x40: {  	_ =	shalt  }
0x41: {  	_ =	shalt  }
0x42: {  	_ =	shalt  }
0x43: {  	_ =	shalt  }
0x44: {  	_ =	shalt  }
0x45: {  	_ =	shalt  }
0x46: {  	_ =	shalt  }
0x47: {  	_ =	shalt  }
0x48: {  	_ =	shalt  }
0x49: {  	_ =	shalt  }
0x4a: {  	_ =	shalt  }
0x4b: {  	_ =	shalt  }
0x4c: {  	_ =	shalt  }
0x4d: {  	_ =	shalt  }
0x4e: {  	_ =	shalt  }
0x4f: {  	_ =	shalt  }
0x50: {  	_ =	shalt  }
0x51: {  	_ =	shalt  }
0x52: {  	_ =	shalt  }
0x53: {  	_ =	shalt  }
0x54: {  	_ =	shalt  }
0x55: {  	_ =	shalt  }
0x56: {  	_ =	shalt  }
0x57: {  	_ =	shalt  }
0x58: {  	_ =	shalt  }
0x59: {  	_ =	shalt  }
0x5a: {  	_ =	shalt  }
0x5b: {  	_ =	shalt  }
0x5c: {  	_ =	shalt  }
0x5d: {  	_ =	shalt  }
0x5e: {  	_ =	shalt  }
0x5f: {  	_ =	shalt  }
0x60: {  	_ =	shalt  }
0x61: {  	_ =	shalt  }
0x62: {  	_ =	shalt  }
0x63: {  	_ =	shalt  }
0x64: {  	_ =	shalt  }
0x65: {  	_ =	shalt  }
0x66: {  	_ =	shalt  }
0x67: {  	_ =	shalt  }
0x68: {  	_ =	shalt  }
0x69: {  	_ =	shalt  }
0x6a: {  	_ =	shalt  }
0x6b: {  	_ =	shalt  }
0x6c: {  	_ =	shalt  }
0x6d: {  	_ =	shalt  }
0x6e: {  	_ =	shalt  }
0x6f: {  	_ =	shalt  }
0x70: {  	_ =	shalt  }
0x71: {  	_ =	shalt  }
0x72: {  	_ =	shalt  }
0x73: {  	_ =	shalt  }
0x74: {  	_ =	shalt  }
0x75: {  	_ =	shalt  }
0x76: {  	_ =	shalt  }
0x77: {  	_ =	shalt  }
0x78: {  	_ =	shalt  }
0x79: {  	_ =	shalt  }
0x7a: {  	_ =	shalt  }
0x7b: {  	_ =	shalt  }
0x7c: {  	_ =	shalt  }
0x7d: {  	_ =	shalt  }
0x7e: {  	_ =	shalt  }
0x7f: {  	_ =	shalt  }
0x80: {  	_ =	shalt  }
0x81: {  	_ =	shalt  }
0x82: {  	_ =	shalt  }
0x83: {  	_ =	shalt  }
0x84: {  	_ =	shalt  }
0x85: {  	_ =	shalt  }
0x86: {  	_ =	shalt  }
0x87: {  	_ =	shalt  }
.Lfunc_end0:
.L_simem_size_0:
called_computation_lowered:
.L_overlay_start_0:
0x88: {  	s2 =	sld [smem:$0x3FD9]  }
0x89: {  	s3 =	sld [smem:$0x3FFE];
	_ =	sdelay $0x1  }
0x8a: {  	s1 =	srdreg.scid  }
0x8b: {  	s0 =	sand.u32 $0x1, s1  }
0x8c: {  	s14 =	sshll.u32 s0, $0xA;
	s2 =	sadd.s32 s3, s2  }
0x8d: {  	s2 =	sadd.s32 s2, s14  }
0x8e: {  	[smem:$0x3FBB] =	sst s2  }
0x8f: {  	_ = 	snop  }
0x90: {  	s2 =	sld [smem:$0x3FD0];
	_ =	sdelay $0x2  }
0x91: {  	s15 =	simm.s32 $0xA;
	s4 =	simm.s32 $0x10  }
0x92: {  	[smem:s4], [sflag:s15] =	dma.local [hbm:s2], $0x1  }
0x93: {  	_ =	swait.eq [sflag:s15], $0x1  }
0x94: {  	[sflag:s15] =	ssyncset.done $0x0  }
0x95: {  	[sflag:s15] =	ssyncadd.s32 $0xFFFFFFFF  }
0x96: {  	s16 =	sld [smem:$0x12];
	(tm) =	ssettm $0x1  }
0x97: {  	s17 =	sld [smem:$0x3FFB];
	_ =	sdelay $0x3  }
0x98: {  	_ =	strace s17  }
0x99: {  	s3 =	sld [smem:$0x3FFC];
	_ =	sdelay $0x3  }
0x9a: {  	_ =	strace s3  }
0x9b: {  	s3 =	sld [smem:$0x3FFD];
	_ =	sdelay $0x3  }
0x9c: {  	_ =	strace s3  }
0x9d: {  	_ =	strace $0x8FFFFFFF  }
0x9e: {  	s18 =	sld [smem:$0x3FDB];
	_ =	sdelay $0x1  }
0x9f: {  	s19 =	simm.s32 $_scs_section_size  }
0xa0: {  	s5 =	simm.s32 $_size__tile_overlayer_lowered;
	s6 =	simm.s32 $_tile_overlayer_lowered  }
0xa1: {  	s22 =	simm.s32 $0x1BFF;
	s21 =	sshll.u32 s6, $0x1;
	s3 =	sadd.s32 s19, s18  }
0xa2: {  	s7 =	simm.s32 $0x0;
	s20 =	sshll.u32 s5, $0x1;
	s5 =	sadd.s32 s21, s3  }
0xa3: {  	[timem:s7], [sflag:s22] =	dma.local [hbm:s5], s20  }
0xa4: {  	_ =	swait.ge [sflag:s22], s20  }
0xa5: {  	s4 =	ssub.s32 $0x0, s20;
	[sflag:s22] =	ssyncset.done $0x0  }
0xa6: {  	[sflag:s22] =	ssyncadd.s32 s4;
	_ =	sdelay $0x1  }
0xa7: {  	s23 =	simm.s32 $0x1B8B  }
0xa8: {  	_ =	swait.ge [sflag:s23], $0x1  }
0xa9: {  	[sflag:s23] =	ssyncset.done $0x0  }
0xaa: {  	s25 =	simm.s32 $0x1B8E;
	s24 =	sld [smem:$0x3FFE];
	[sflag:s23] =	ssyncadd.s32 $0xFFFFFFFF  }
0xab: {  	s26 =	simm.s32 $execute0_lowered;
	[smem:$0x3FD2] =	sst s25  }
0xac: {  	s5 =	sshll.u32 s26, $0x1;
	_ =	strace $0x80000046;
	[dreg:$0x1] =	wrdreg $0xFFFFFFFF  }
0xad: {  	s28 =	simm.s32 $_size_execute0_lowered;
	s3 =	sadd.s32 s3, s5;
	[dreg:$0x0] =	wrdreg $0x0  }
0xae: {  	s5 =	sshll.u32 s28, $0x1;
	[dreg:$0x2] =	wrdreg s3  }
0xaf: {  	[dreg:$0x3] =	wrdreg s5  }
0xb0: {  	[dreg:$0x4] =	wrdreg $0xC0  }
0xb1: {  	_ =	task [dreg:s7], $0x5FFFF  }
0xb2: {  	[dreg:$0x1] =	wrdreg $0xFFFFFFFF  }
0xb3: {  	[dreg:$0x0] =	wrdreg $0x60  }
0xb4: {  	[dreg:$0x2] =	wrdreg s16  }
0xb5: {  	[dreg:$0x3] =	wrdreg s24  }
0xb6: {  	[dreg:$0x4] =	wrdreg $0x9  }
0xb7: {  	_ =	task.clear_ibuf [dreg:s7], $0x5FFFF;
	_ =	strace $0x90000046  }
0xb8: {  	s29 =	simm.s32 $0x9;
	_ =	strace $0x80000048  }
0xb9: {  	_ =	swait.ge [sflag:s29], $0x1  }
0xba: {  	[sflag:s29] =	ssyncadd.s32 $0xFFFFFFFF  }
0xbb: {  	_ =	strace $0x90000048  }
0xbc: {  	_ =	sfence  }
0xbd: {  	s30 =	sld [smem:$0x0];
	_ =	sdelay $0x2  }
0xbe: {  	s31 =	sshll.u32 s1, $0xD;
	s1 =	sshrl.u32 s1, $0x2  }
0xbf: {  	s3 =	sand.u32 $0x4000, s31;
	s1 =	sadd.s32 s1, s30  }
0xc0: {  	s0 =	sor.u32 s3, s0;
	s1 =	sshll.u32 s1, $0x11  }
0xc1: {  	s0 =	sor.u32 s1, s0  }
0xc2: {  	s0 =	sadd.s32 $0x8F2B, s0  }
0xc3: {  	[sflag:s0] =	ssyncadd.remote.s32 $0x1  }
0xc4: {  	_ =	sfence.sel $0xFFFF  }
0xc5: {  	[dreg:$0x0] =	wrdreg $0xFFFFFFFF;
	(pc) =	sbr.abs _section_cstart, $3  }
0xc6: {  	[dreg:$0x1] =	wrdreg $0xFFFFFFFF  }
0xc7: {  	_ =	task.clear_ibuf [dreg:s7], $0x2FFFF;
	_ =	strace $0x9FFFFFFF  }
0xc8: {  	(tm) =	ssettm $0x7FFFFFFF  }
0xc9: {  	_ =	shalt  }
tec
execute0_lowered:
.L_overlay_start_1:
0x0: {  	(tag) =	ssettag $0x1  }
0x1: {  	s3 =	rddreg [dreg:$0x0];
	s1 =	srdreg.scid  }
0x2: {  	s0 =	stileid.u32;
	s4 =	rddreg [dreg:$0x1];
	s9 =	simm.s32 $0x400  }
0x3: {  	s5 =	sand.u32 $0x1, s1;
	s2 =	sshll.u32 s0, $0x1;
	s1 =	rddreg [dreg:$0x2]  }
0x4: {  	s7 =	sshrl.u32 s0, $0x2;
	s6 =	sor.u32 s5, s2;
	s2 =	simm.s32 $0x0  }
0x5: {  	s7 =	smul.u32 $0x13C00, s7;
	s5 =	ssub.s32 $0x2, s5;
	s8 =	sshll.u32 s6, $0x7  }
0x6: {  	[smem:$0x7FF] =	sst s2;
	s31 =	sshrl.u32 s5, $0x1;
	s8 =	sand.u32 $0x380, s8  }
0x7: {  	s6 =	sshll.u32 s6, $0xB;
	_ =	strace $0x80000047;
	s7 =	sor.u32 s7, s8  }
0x8: {  	s5 =	ssub.s32 s5, s31;
	s3 =	sadd.s32 s3, s6;
	s7 =	sshrl.u32 s7, $0x3  }
0x9: {  	s6 =	simm.s32 $0x1;
	s5 =	smax.u32 s5, $0x1;
	s4 =	sadd.s32 s7, s4  }
0xa: {  	v0 =	vimm.f32 $0.0e+00;
	v1 =	vimm.f32 $1.000000000e+00;
	s8 =	simm.s32 $0x80;
	s7 =	simm.s32 $0x4000;
	s4 =	sadd.s32 $0x3C00, s4  }
.LBB2_1:
0xb: {  	s10 =	simm.s32 $0x40;
	s11 =	simm.s32 $0x0  }
.LBB2_2:
0xc: {  	p0 =	sne.s32 s10, $0x9C00;
	[tilespmem:s11+$0x4000] =	vst v0;
	s11 =	smov.u32 s10;
	s10 =	sadd.s32 $0x40, s10  }
.Ltmp0:
0xd: {  	(pc) =	sbr.rel @p0 .LBB2_2-.Ltmp0, $2  }
0xe: {  	_ =	sdelay $0x2  }
0xf: {  	s11 =	sshra.s32 s11, $0x2  }
0x10: {  	[tilespmem:s11+$0x4000] =	vst v0;
	s10 =	simm.s32 $0x0  }
0x11: {  	[tilespmem:s10], [sflag:$0x1] =	stream.linear.gather [hbm4b:s3+s10], $0x3E80, $0x38;
	[tilespmem:$0x6780] =	vst v63  }
0x12: {  	_ =	swait.ge [sflag:s6], $0x3E80  }
0x13: {  	[sflag:s6] =	ssyncset.done $0x0  }
0x14: {  	[sflag:s6] =	ssyncadd.s32 $0xFFFFC180  }
.LBB2_4:
0x15: {  	s11 =	sshra.s32 s10, $0x2  }
0x16: {  	v2 =	vld [tilespmem:s11+$0x0];
	_ =	sdelay $0x7  }
0x17: {  	[tilespmem:v2+s7+$0x0] =	vst.idx.add.f32.msk $0xffff, v1  }
0x18: {  	v2 =	vld [tilespmem:s11+$0x10];
	_ =	sdelay $0x7  }
0x19: {  	[tilespmem:v2+s7+$0x0] =	vst.idx.add.f32.msk $0xffff, v1  }
0x1a: {  	v2 =	vld [tilespmem:s11+$0x20];
	_ =	sdelay $0x7  }
0x1b: {  	[tilespmem:v2+s7+$0x0] =	vst.idx.add.f32.msk $0xffff, v1  }
0x1c: {  	v2 =	vld [tilespmem:s11+$0x30];
	_ =	sdelay $0x7  }
0x1d: {  	[tilespmem:v2+s7+$0x0] =	vst.idx.add.f32.msk $0xffff, v1  }
0x1e: {  	v2 =	vld [tilespmem:s11+$0x40];
	_ =	sdelay $0x2  }
0x1f: {  	p0 =	sne.s32 s10, $0xF800  }
.Ltmp1:
0x20: {  	_ = 	snop;
	(pc) =	sbr.rel @p0 .LBB2_4-.Ltmp1, $2  }
0x21: {  	_ =	sdelay $0x2  }
0x22: {  	s10 =	sadd.s32 $0x200, s10;
	[tilespmem:v2+s7+$0x0] =	vst.idx.add.f32.msk $0xffff, v1  }
0x23: {  	s2 =	sadd.s32 $0x1, s2  }
0x24: {  	p0 =	sne.s32 s2, s5  }
.Ltmp2:
0x25: {  	_ = 	snop;
	(pc) =	sbr.rel @p0 .LBB2_1-.Ltmp2, $4  }
0x26: {  	[hbm4b:s4+s8] =	stream.strided.scatter [tilespmem:s7], [sflag:$0x1], $0x2780, s9, s8, $0x38;
	[tilespmem:$0x6780] =	vst v63  }
0x27: {  	_ =	swait.ge [sflag:s6], $0x2780  }
0x28: {  	[sflag:s6] =	ssyncset.done $0x0  }
0x29: {  	[sflag:s6] =	ssyncadd.s32 $0xFFFFD880  }
0x2a: {  	_ =	sfence.sel $0x180000  }
0x2b: {  	[bflag:$0x0] =	sbarrier.arrive $0xFFFF  }
0x2c: {  	p0 =	sne.s32 s0, $0x0;
	_ =	strace $0x90000047  }
0x2d: {  	s0 =	sadd.s32 @!p0 $0x100000, s1;
	[bflag:$0x2] =	sbarrier.arrive $0xFFFF  }
0x2e: {  	[sflag:s0] =	ssyncadd.tile.s32 @!p0 $0x1;
	_ =	shalt  }
.Lfunc_end2:
_tile_overlayer_lowered:
.L_overlay_start_2:
0x2f: {  	(tag) =	ssettag $0x2  }
0x30: {  	s0 =	rddreg [dreg:$0x0];
	s2 =	stileid.u32  }
0x31: {  	s1 =	rddreg [dreg:$0x1];
	p0 =	sne.s32 s2, $0x0  }
0x32: {  	s3 =	rddreg [dreg:$0x2];
	[bflag:$0x3] =	sbarrier.arrive $0xFFFF;
	s2 =	simm.s32 @!p0 $0x1C01  }
0x33: {  	[timem:s3], [sflag:s2] =	dma.local @!p0 [hbm:s0], s1  }
0x34: {  	s0 =	simm.s32 @!p0 $0x1  }
0x35: {  	_ =	swait.ge @!p0 [sflag:s0], s1  }
0x36: {  	s1 =	ssub.s32 @!p0 $0x0, s1;
	[sflag:s0] =	ssyncset.done @!p0 $0x0  }
0x37: {  	[sflag:s0] =	ssyncadd.s32 @!p0 s1  }
0x38: {  	[bflag:$0x3] =	sbarrier.arrive $0xFFFF  }
0x39: {  	_ =	shalt  }

// kernel: kernel.13.cloned.1.call-start
scs
__scs_entry_jumppad:
0x0: {  	(pc) =	sbr.rel $0x88, $3  }
0x1: {  	(tag) =	ssettag $0x0;
	lr =	simm.s32 $0x1  }
0x2: {  	[smem:$0x3F94] =	sst lr;
	_ =	strace $0xD0000000  }
0x3: {  	_ = 	snop  }
0x4: {  	_ = 	snop  }
0x5: {  	_ = 	snop  }
0x6: {  	_ = 	snop  }
0x7: {  	_ = 	snop  }
__scs_overlays_trampoline_lowered:
0x8: {  	[smem:$0x3FA3] =	sst s0  }
0x9: {  	[smem:$0x3FA4] =	sst s1  }
0xa: {  	[smem:$0x3FA5] =	sst s2  }
0xb: {  	[smem:$0x3FA6] =	sst s3  }
0xc: {  	[smem:$0x3FA7] =	sst s4  }
0xd: {  	[smem:$0x3FA8] =	sst s5  }
0xe: {  	[smem:$0x3FA9] =	sst s6  }
0xf: {  	[smem:$0x3FAA] =	sst s7  }
0x10: {  	[smem:$0x3FAB] =	sst s8  }
0x11: {  	[smem:$0x3FAC] =	sst s9;
	s0 =	simm.s32 @!p0 $0x0  }
0x12: {  	s1 =	sld [smem:$0x3F92];
	s0 =	simm.s32 @p0 $0x1  }
0x13: {  	[smem:$0x3FAD] =	sst s0;
	s0 =	simm.s32 @!p1 $0x0  }
0x14: {  	s2 =	sld [smem:$0x3F91];
	s0 =	simm.s32 @p1 $0x1  }
0x15: {  	[smem:$0x3FAE] =	sst s0;
	s0 =	simm.s32 @!p2 $0x0  }
0x16: {  	s3 =	sld [smem:$0x3FDB];
	s0 =	simm.s32 @p2 $0x1  }
0x17: {  	s4 =	simm.s32 $0x1BF5;
	[smem:$0x3FB0] =	sst s0  }
0x18: {  	s0 =	sld [smem:$0x3F93];
	_ =	swait.ge [sflag:s4], $0x0  }
0x19: {  	s7 =	sld [smem:$0x3F94]  }
0x1a: {  	s8 =	sadd.s32 $0xFFFFE003, lr  }
0x1b: {  	s9 =	sadd.s32 $0xFFFFFEF7, lr;
	s5 =	simm.s32 $0xFFFFFFFF;
	p2 =	slt.u32 s8, $0xFFFFF086  }
0x1c: {  	p1 =	slt.u32 s9, $0xF7A;
	s5 =	simm.s32 @!p2 $0x0  }
0x1d: {  	s5 =	simm.s32 @p1 $0x1;
	p0 =	seq.s32 s7, s2  }
0x1e: {  	s7 =	smul.u32 @!p0 $0xF7A, s2;
	p2 =	seq.s32 @!p0 s5, $0x0  }
0x1f: {  	s9 =	smul.u32 $0xF7A, s1;
	s8 =	simm.s32 @!p0 $0x1BF5;
	p2 =	por !p2, p0  }
0x20: {  	[sflag:s8] =	ssyncset.s32 @!p0 $0xFFFFF086;
	s6 =	sadd.s32 @!p0 s3, s7;
	s7 =	simm.s32 @!p0 $0x108  }
0x21: {  	s3 =	sadd.s32 s3, s9;
	s6 =	sadd.s32 @!p0 $0x88, s6;
	s7 =	simm.s32 @p2 $0x1082  }
0x22: {  	[simem:s7], [sflag:s8] =	dma.local @!p0 [hbm:s6], $0xF7A  }
0x23: {  	s9 =	sor.u32 $0xD0000000, s2;
	s6 =	simm.s32 $0x108;
	_ =	swait.ge @!p0 [sflag:s8], $0x0  }
0x24: {  	s3 =	sadd.s32 $0x88, s3;
	s6 =	simm.s32 @!p1 $0x1082;
	[sflag:s4] =	ssyncset.s32 $0xFFFFF086  }
0x25: {  	[simem:s6], [sflag:s4] =	dma.local [hbm:s3], $0xF7A  }
0x26: {  	[smem:$0x3F94] =	sst s1;
	(tag) =	ssettag s2;
	_ =	strace s9  }
0x27: {  	s1 =	sld [smem:$0x3FA4]  }
0x28: {  	s2 =	sld [smem:$0x3FA5]  }
0x29: {  	s4 =	sld [smem:$0x3FA7]  }
0x2a: {  	p0 =	seq.s32 s5, $0x0;
	s5 =	sld [smem:$0x3FA8]  }
0x2b: {  	s6 =	sld [smem:$0x3FA9]  }
0x2c: {  	s7 =	sld [smem:$0x3FAA]  }
0x2d: {  	s3 =	simm.s32 $0x108;
	s8 =	sld [smem:$0x3FAB]  }
0x2e: {  	s3 =	simm.s32 @!p0 $0x1082;
	s9 =	sld [smem:$0x3FAC]  }
0x2f: {  	lr =	sadd.s32 s0, s3;
	s0 =	sld [smem:$0x3FA3]  }
0x30: {  	s3 =	sld [smem:$0x3FA6]  }
0x31: {  	[smem:$0x3FAF] =	sst s10  }
0x32: {  	s10 =	sld [smem:$0x3FAD];
	_ =	sdelay $0x3  }
0x33: {  	p0 =	seq.s32 s10, $0x1;
	s10 =	sld [smem:$0x3FAF];
	_ =	sdelay $0x3  }
0x34: {  	[smem:$0x3FAF] =	sst s10  }
0x35: {  	s10 =	sld [smem:$0x3FAE];
	_ =	sdelay $0x3  }
0x36: {  	p1 =	seq.s32 s10, $0x1;
	s10 =	sld [smem:$0x3FAF];
	_ =	sdelay $0x3  }
0x37: {  	[smem:$0x3FAF] =	sst s10  }
0x38: {  	s10 =	sld [smem:$0x3FB0]  }
0x39: {  	_ = 	snop;
	(pc) =	sbr.ind lr, $3  }
0x3a: {  	_ = 	snop  }
0x3b: {  	_ = 	snop  }
0x3c: {  	p2 =	seq.s32 s10, $0x1;
	s10 =	sld [smem:$0x3FAF]  }
0x3d: {  	_ =	shalt  }
0x3e: {  	_ =	shalt  }
0x3f: {  	_ =	shalt  }
0x40: {  	_ =	shalt  }
0x41: {  	_ =	shalt  }
0x42: {  	_ =	shalt  }
0x43: {  	_ =	shalt  }
0x44: {  	_ =	shalt  }
0x45: {  	_ =	shalt  }
0x46: {  	_ =	shalt  }
0x47: {  	_ =	shalt  }
0x48: {  	_ =	shalt  }
0x49: {  	_ =	shalt  }
0x4a: {  	_ =	shalt  }
0x4b: {  	_ =	shalt  }
0x4c: {  	_ =	shalt  }
0x4d: {  	_ =	shalt  }
0x4e: {  	_ =	shalt  }
0x4f: {  	_ =	shalt  }
0x50: {  	_ =	shalt  }
0x51: {  	_ =	shalt  }
0x52: {  	_ =	shalt  }
0x53: {  	_ =	shalt  }
0x54: {  	_ =	shalt  }
0x55: {  	_ =	shalt  }
0x56: {  	_ =	shalt  }
0x57: {  	_ =	shalt  }
0x58: {  	_ =	shalt  }
0x59: {  	_ =	shalt  }
0x5a: {  	_ =	shalt  }
0x5b: {  	_ =	shalt  }
0x5c: {  	_ =	shalt  }
0x5d: {  	_ =	shalt  }
0x5e: {  	_ =	shalt  }
0x5f: {  	_ =	shalt  }
0x60: {  	_ =	shalt  }
0x61: {  	_ =	shalt  }
0x62: {  	_ =	shalt  }
0x63: {  	_ =	shalt  }
0x64: {  	_ =	shalt  }
0x65: {  	_ =	shalt  }
0x66: {  	_ =	shalt  }
0x67: {  	_ =	shalt  }
0x68: {  	_ =	shalt  }
0x69: {  	_ =	shalt  }
0x6a: {  	_ =	shalt  }
0x6b: {  	_ =	shalt  }
0x6c: {  	_ =	shalt  }
0x6d: {  	_ =	shalt  }
0x6e: {  	_ =	shalt  }
0x6f: {  	_ =	shalt  }
0x70: {  	_ =	shalt  }
0x71: {  	_ =	shalt  }
0x72: {  	_ =	shalt  }
0x73: {  	_ =	shalt  }
0x74: {  	_ =	shalt  }
0x75: {  	_ =	shalt  }
0x76: {  	_ =	shalt  }
0x77: {  	_ =	shalt  }
0x78: {  	_ =	shalt  }
0x79: {  	_ =	shalt  }
0x7a: {  	_ =	shalt  }
0x7b: {  	_ =	shalt  }
0x7c: {  	_ =	shalt  }
0x7d: {  	_ =	shalt  }
0x7e: {  	_ =	shalt  }
0x7f: {  	_ =	shalt  }
0x80: {  	_ =	shalt  }
0x81: {  	_ =	shalt  }
0x82: {  	_ =	shalt  }
0x83: {  	_ =	shalt  }
0x84: {  	_ =	shalt  }
0x85: {  	_ =	shalt  }
0x86: {  	_ =	shalt  }
0x87: {  	_ =	shalt  }
.Lfunc_end0:
.L_simem_size_0:
called_computation.1_lowered:
.L_overlay_start_0:
0x88: {  	s2 =	sld [smem:$0x3FD9]  }
0x89: {  	s3 =	sld [smem:$0x3FFE];
	_ =	sdelay $0x1  }
0x8a: {  	s1 =	srdreg.scid  }
0x8b: {  	s0 =	sand.u32 $0x1, s1  }
0x8c: {  	s14 =	sshll.u32 s0, $0xA;
	s2 =	sadd.s32 s3, s2  }
0x8d: {  	s2 =	sadd.s32 s2, s14  }
0x8e: {  	[smem:$0x3FBB] =	sst s2  }
0x8f: {  	_ = 	snop  }
0x90: {  	s2 =	sld [smem:$0x3FD0];
	_ =	sdelay $0x2  }
0x91: {  	s15 =	simm.s32 $0xA;
	s4 =	simm.s32 $0x10  }
0x92: {  	[smem:s4], [sflag:s15] =	dma.local [hbm:s2], $0x1  }
0x93: {  	_ =	swait.eq [sflag:s15], $0x1  }
0x94: {  	[sflag:s15] =	ssyncset.done $0x0  }
0x95: {  	[sflag:s15] =	ssyncadd.s32 $0xFFFFFFFF  }
0x96: {  	s16 =	sld [smem:$0x12];
	(tm) =	ssettm $0x1  }
0x97: {  	s17 =	sld [smem:$0x3FFB];
	_ =	sdelay $0x3  }
0x98: {  	_ =	strace s17  }
0x99: {  	s3 =	sld [smem:$0x3FFC];
	_ =	sdelay $0x3  }
0x9a: {  	_ =	strace s3  }
0x9b: {  	s3 =	sld [smem:$0x3FFD];
	_ =	sdelay $0x3  }
0x9c: {  	_ =	strace s3  }
0x9d: {  	_ =	strace $0x8FFFFFFF  }
0x9e: {  	s18 =	sld [smem:$0x3FDB];
	_ =	sdelay $0x1  }
0x9f: {  	s19 =	simm.s32 $_scs_section_size  }
0xa0: {  	s5 =	simm.s32 $_size__tile_overlayer_lowered;
	s6 =	simm.s32 $_tile_overlayer_lowered  }
0xa1: {  	s22 =	simm.s32 $0x1BFF;
	s21 =	sshll.u32 s6, $0x1;
	s3 =	sadd.s32 s19, s18  }
0xa2: {  	s7 =	simm.s32 $0x0;
	s20 =	sshll.u32 s5, $0x1;
	s5 =	sadd.s32 s21, s3  }
0xa3: {  	[timem:s7], [sflag:s22] =	dma.local [hbm:s5], s20  }
0xa4: {  	_ =	swait.ge [sflag:s22], s20  }
0xa5: {  	s4 =	ssub.s32 $0x0, s20;
	[sflag:s22] =	ssyncset.done $0x0  }
0xa6: {  	[sflag:s22] =	ssyncadd.s32 s4;
	_ =	sdelay $0x1  }
0xa7: {  	s23 =	simm.s32 $0x1B8B  }
0xa8: {  	_ =	swait.ge [sflag:s23], $0x1  }
0xa9: {  	[sflag:s23] =	ssyncset.done $0x0  }
0xaa: {  	s25 =	simm.s32 $0x1B8E;
	s24 =	sld [smem:$0x3FFE];
	[sflag:s23] =	ssyncadd.s32 $0xFFFFFFFF  }
0xab: {  	s26 =	simm.s32 $execute0_lowered;
	[smem:$0x3FD2] =	sst s25  }
0xac: {  	s5 =	sshll.u32 s26, $0x1;
	_ =	strace $0x80000049;
	[dreg:$0x1] =	wrdreg $0xFFFFFFFF  }
0xad: {  	s28 =	simm.s32 $_size_execute0_lowered;
	s3 =	sadd.s32 s3, s5;
	[dreg:$0x0] =	wrdreg $0x0  }
0xae: {  	s5 =	sshll.u32 s28, $0x1;
	[dreg:$0x2] =	wrdreg s3  }
0xaf: {  	[dreg:$0x3] =	wrdreg s5  }
0xb0: {  	[dreg:$0x4] =	wrdreg $0xC0  }
0xb1: {  	_ =	task [dreg:s7], $0x5FFFF  }
0xb2: {  	[dreg:$0x1] =	wrdreg $0xFFFFFFFF  }
0xb3: {  	[dreg:$0x0] =	wrdreg $0x60  }
0xb4: {  	[dreg:$0x2] =	wrdreg s16  }
0xb5: {  	[dreg:$0x3] =	wrdreg s24  }
0xb6: {  	[dreg:$0x4] =	wrdreg $0xC0000  }
0xb7: {  	[dreg:$0x5] =	wrdreg $0x9  }
0xb8: {  	_ =	task.clear_ibuf [dreg:s7], $0x6FFFF;
	_ =	strace $0x90000049  }
0xb9: {  	s29 =	simm.s32 $0x9;
	_ =	strace $0x8000004B  }
0xba: {  	_ =	swait.ge [sflag:s29], $0x1  }
0xbb: {  	[sflag:s29] =	ssyncadd.s32 $0xFFFFFFFF  }
0xbc: {  	_ =	strace $0x9000004B  }
0xbd: {  	_ =	sfence  }
0xbe: {  	s30 =	sld [smem:$0x0];
	_ =	sdelay $0x2  }
0xbf: {  	s31 =	sshll.u32 s1, $0xD;
	s1 =	sshrl.u32 s1, $0x2  }
0xc0: {  	s3 =	sand.u32 $0x4000, s31;
	s1 =	sadd.s32 s1, s30  }
0xc1: {  	s0 =	sor.u32 s3, s0;
	s1 =	sshll.u32 s1, $0x11  }
0xc2: {  	s0 =	sor.u32 s1, s0  }
0xc3: {  	s0 =	sadd.s32 $0x8F2B, s0  }
0xc4: {  	[sflag:s0] =	ssyncadd.remote.s32 $0x1  }
0xc5: {  	_ =	sfence.sel $0xFFFF  }
0xc6: {  	[dreg:$0x0] =	wrdreg $0xFFFFFFFF;
	(pc) =	sbr.abs _section_cstart, $3  }
0xc7: {  	[dreg:$0x1] =	wrdreg $0xFFFFFFFF  }
0xc8: {  	_ =	task.clear_ibuf [dreg:s7], $0x2FFFF;
	_ =	strace $0x9FFFFFFF  }
0xc9: {  	(tm) =	ssettm $0x7FFFFFFF  }
tec
execute0_lowered:
.L_overlay_start_1:
0x0: {  	(tag) =	ssettag $0x1  }
0x1: {  	s1 =	rddreg [dreg:$0x0]  }
0x2: {  	s0 =	rddreg [dreg:$0x1]  }
0x3: {  	s3 =	rddreg [dreg:$0x2];
	s4 =	simm.s32 $0x0;
	s2 =	srdreg.scid  }
0x4: {  	s13 =	stileid.u32;
	s28 =	simm.s32 $0x5;
	s30 =	simm.s32 $0x64  }
0x5: {  	[smem:$0x7FF] =	sst s4;
	s2 =	sand.u32 $0x1, s2;
	s11 =	smul.u32 $0x13800, s13  }
0x6: {  	s5 =	sshll.u32 s13, $0x1;
	s6 =	sadd.s32 $0xDA00, s0;
	s15 =	smul.u32 $0x4E000, s13  }
0x7: {  	s7 =	sor.u32 s2, s5;
	s8 =	ssub.s32 $0x2, s2;
	s2 =	smul.u32 $0x138800, s2  }
0x8: {  	_ =	strace $0x8000004A;
	s7 =	smul.u32 $0x3200, s7;
	s9 =	sshrl.u32 s8, $0x1  }
0x9: {  	s5 =	sadd.s32 $0x1A200, s0;
	s0 =	sadd.s32 $0x26A00, s0;
	s8 =	ssub.s32 s8, s9  }
0xa: {  	s11 =	sadd.s32 s11, s2;
	s10 =	sshrl.u32 s7, $0x3;
	s16 =	smax.u32 s8, $0x1  }
0xb: {  	s9 =	sshrl.u32 s15, $0x2;
	s14 =	sadd.s32 s5, s10;
	[dreg:$0x8] =	wrdreg s16  }
0xc: {  	s11 =	sshrl.u32 s11, $0x3;
	s10 =	sadd.s32 s6, s10;
	[dreg:$0x4] =	wrdreg s14  }
0xd: {  	s12 =	sadd.s32 s9, s3;
	s11 =	sadd.s32 s0, s11;
	[dreg:$0x5] =	wrdreg s10  }
0xe: {  	s29 =	simm.s32 $0xA800;
	s17 =	sadd.s32 $0x1800, s12;
	[dreg:$0x6] =	wrdreg s11  }
0xf: {  	s31 =	simm.s32 $0x4;
	s18 =	sadd.s32 $0x3000, s12;
	[dreg:$0x9] =	wrdreg s17  }
0x10: {  	p0 =	sne.s32 s13, $0xF;
	s19 =	sadd.s32 $0x4800, s12;
	[dreg:$0xa] =	wrdreg s18  }
0x11: {  	s2 =	sshrl.u32 s2, $0x3;
	s20 =	sadd.s32 $0x6000, s12;
	[dreg:$0xb] =	wrdreg s19  }
0x12: {  	s8 =	simm.s32 $0x3;
	s21 =	sadd.s32 $0x7800, s12;
	[dreg:$0xc] =	wrdreg s20  }
0x13: {  	s9 =	simm.s32 $0x0;
	s22 =	sadd.s32 $0x9000, s12;
	[dreg:$0xd] =	wrdreg s21  }
0x14: {  	s0 =	sadd.s32 s0, s2;
	s23 =	sadd.s32 $0xA800, s12;
	[dreg:$0xe] =	wrdreg s22  }
.Ltmp0:
0x15: {  	s24 =	sadd.s32 $0xC000, s12;
	[dreg:$0xf] =	wrdreg s23;
	(pc) =	sbr.rel .LBB2_1-.Ltmp0, $4  }
0x16: {  	s25 =	sadd.s32 $0xD800, s12;
	s26 =	sadd.s32 $0xF000, s12;
	[dreg:$0x10] =	wrdreg s24  }
0x17: {  	s2 =	simm.s32 $0x2;
	s10 =	sadd.s32 $0x138000, s3;
	[dreg:$0x11] =	wrdreg s25  }
0x18: {  	s0 =	sadd.s32 $0x27000, s0;
	[dreg:$0x12] =	wrdreg s26;
	s25 =	sadd.s32 $0x10800, s12  }
0x19: {  	v0 =	vimm.f32 $0.0e+00;
	s26 =	sadd.s32 $0x12000, s12;
	[dreg:$0x7] =	wrdreg s0;
	s0 =	simm.s32 $0x1  }
.LBB2_10:
0x1a: {  	_ =	swait.ge [sflag:s2], $0x3200  }
0x1b: {  	[sflag:s2] =	ssyncset.done $0x0  }
0x1c: {  	s11 =	stileid.u32;
	[sflag:s2] =	ssyncadd.s32 $0xFFFFCE00  }
0x1d: {  	s11 =	sshll.u32 s11, $0x6;
	[bflag:$0x0] =	sbarrier.arrive $0xFFFF  }
0x1e: {  	s13 =	sshrl.u32 s12, $0x3;
	s11 =	sor.u32 $0x1C05, s11;
	s14 =	rddreg [dreg:$0x6]  }
0x1f: {  	[hbm:s14], [sflag:s11] =	dma.local [spmem:s13], $0x2700  }
0x20: {  	_ =	swait.ge [sflag:s28], $0x2700  }
0x21: {  	[sflag:s28] =	ssyncset.done $0x0  }
0x22: {  	s13 =	sshrl.u32 @!p0 s10, $0x3;
	s14 =	rddreg [dreg:$0x7];
	[sflag:s28] =	ssyncadd.s32 $0xFFFFD900  }
0x23: {  	[hbm:s14], [sflag:s11] =	dma.local @!p0 [spmem:s13], $0x100  }
0x24: {  	s11 =	simm.s32 @!p0 $0x5  }
0x25: {  	_ =	swait.ge @!p0 [sflag:s11], $0x100  }
0x26: {  	s9 =	sadd.s32 $0x1, s9;
	s24 =	rddreg [dreg:$0x8]  }
0x27: {  	p1 =	sne.s32 s9, s24  }
.Ltmp1:
0x28: {  	_ = 	snop;
	(pc) =	sbr.rel @!p1 .LBB2_11-.Ltmp1, $3  }
0x29: {  	_ =	sdelay $0x1  }
0x2a: {  	[sflag:s11] =	ssyncset.done @!p0 $0x0  }
0x2b: {  	[sflag:s11] =	ssyncadd.s32 @!p0 $0xFFFFFF00  }
.LBB2_1:
0x2c: {  	s11 =	simm.s32 $0x0;
	s13 =	simm.s32 $0x200  }
.LBB2_2:
0x2d: {  	p1 =	sne.s32 s13, $0x5E00;
	[tilespmem:s11+$0xA870] =	vst v0  }
0x2e: {  	[tilespmem:s11+$0xA800] =	vst v0  }
0x2f: {  	[tilespmem:s11+$0xA810] =	vst v0  }
.Ltmp2:
0x30: {  	[tilespmem:s11+$0xA820] =	vst v0;
	(pc) =	sbr.rel @p1 .LBB2_2-.Ltmp2, $4  }
0x31: {  	[tilespmem:s11+$0xA830] =	vst v0  }
0x32: {  	[tilespmem:s11+$0xA840] =	vst v0  }
0x33: {  	[tilespmem:s11+$0xA850] =	vst v0  }
0x34: {  	[tilespmem:s11+$0xA860] =	vst v0;
	s11 =	sshra.s32 s13, $0x2;
	s13 =	sadd.s32 $0x200, s13  }
0x35: {  	[tilespmem:s11+$0xA870] =	vst v0  }
0x36: {  	[tilespmem:s11+$0xA800] =	vst v0  }
0x37: {  	[tilespmem:s11+$0xA810] =	vst v0  }
0x38: {  	[tilespmem:s11+$0xA820] =	vst v0  }
0x39: {  	[tilespmem:s11+$0xA830] =	vst v0  }
0x3a: {  	[tilespmem:s11+$0xA840] =	vst v0  }
0x3b: {  	[tilespmem:s11+$0xA850] =	vst v0  }
0x3c: {  	[tilespmem:s11+$0xA860] =	vst v0;
	s22 =	rddreg [dreg:$0x4]  }
0x3d: {  	[tilespmem:s4], [sflag:$0x5] =	stream.linear.gather [hbm4b:s22+s4], $0x200, $0x38;
	[tilespmem:$0x1F880] =	vst v63  }
0x3e: {  	_ =	swait.ge [sflag:s28], $0x200  }
0x3f: {  	[sflag:s28] =	ssyncset.done $0x0  }
0x40: {  	s13 =	simm.s32 $0x200;
	s23 =	rddreg [dreg:$0x5];
	[sflag:s28] =	ssyncadd.s32 $0xFFFFFE00  }
0x41: {  	[tilespmem:s13], [sflag:$0x5] =	stream.linear.gather [hbm4b:s23+s4], $0x200, $0x38;
	[tilespmem:$0x1F880] =	vst v63  }
0x42: {  	_ =	swait.ge [sflag:s28], $0x200  }
0x43: {  	[sflag:s28] =	ssyncset.done $0x0  }
0x44: {  	s24 =	simm.s32 $0xC00;
	[sflag:s28] =	ssyncadd.s32 $0xFFFFFE00  }
0x45: {  	[tilespmem:s24], [sflag:$0x1] =	stream.indirect.gather [hbm4b:s1+s30], $0x80, s4, s30, $0xb8;
	[tilespmem:$0x1F880] =	vst v63  }
0x46: {  	s14 =	simm.s32 $0x4000;
	s13 =	simm.s32 $0x80  }
0x47: {  	[tilespmem:s14], [sflag:$0x1] =	stream.indirect.gather [hbm4b:s1+s30], $0x80, s13, s30, $0xb8;
	[tilespmem:$0x1F880] =	vst v63  }
0x48: {  	_ = 	snop  }
0x49: {  	[spmem:s12] =	stream.linear.scatter [tilespmem:s29], [sflag:$0x4], $0x1800, $0x38;
	[tilespmem:$0x1F880] =	vst v63  }
0x4a: {  	s15 =	rddreg [dreg:$0x9]  }
0x4b: {  	[spmem:s15] =	stream.linear.scatter [tilespmem:s29], [sflag:$0x4], $0x1800, $0x38;
	[tilespmem:$0x1F880] =	vst v63  }
0x4c: {  	s16 =	rddreg [dreg:$0xa]  }
0x4d: {  	[spmem:s16] =	stream.linear.scatter [tilespmem:s29], [sflag:$0x4], $0x1800, $0x38;
	[tilespmem:$0x1F880] =	vst v63  }
0x4e: {  	s17 =	rddreg [dreg:$0xb]  }
0x4f: {  	[spmem:s17] =	stream.linear.scatter [tilespmem:s29], [sflag:$0x4], $0x1800, $0x38;
	[tilespmem:$0x1F880] =	vst v63  }
0x50: {  	s18 =	rddreg [dreg:$0xc]  }
0x51: {  	[spmem:s18] =	stream.linear.scatter [tilespmem:s29], [sflag:$0x4], $0x1800, $0x38;
	[tilespmem:$0x1F880] =	vst v63  }
0x52: {  	s19 =	rddreg [dreg:$0xd]  }
0x53: {  	[spmem:s19] =	stream.linear.scatter [tilespmem:s29], [sflag:$0x4], $0x1800, $0x38;
	[tilespmem:$0x1F880] =	vst v63  }
0x54: {  	s20 =	rddreg [dreg:$0xe]  }
0x55: {  	[spmem:s20] =	stream.linear.scatter [tilespmem:s29], [sflag:$0x4], $0x1800, $0x38;
	[tilespmem:$0x1F880] =	vst v63  }
0x56: {  	s21 =	rddreg [dreg:$0xf]  }
0x57: {  	[spmem:s21] =	stream.linear.scatter [tilespmem:s29], [sflag:$0x4], $0x1800, $0x38;
	[tilespmem:$0x1F880] =	vst v63  }
0x58: {  	s22 =	rddreg [dreg:$0x10]  }
0x59: {  	[spmem:s22] =	stream.linear.scatter [tilespmem:s29], [sflag:$0x4], $0x1800, $0x38;
	[tilespmem:$0x1F880] =	vst v63  }
0x5a: {  	s23 =	rddreg [dreg:$0x11]  }
0x5b: {  	[spmem:s23] =	stream.linear.scatter [tilespmem:s29], [sflag:$0x4], $0x1800, $0x38;
	[tilespmem:$0x1F880] =	vst v63  }
0x5c: {  	s24 =	rddreg [dreg:$0x12]  }
0x5d: {  	[spmem:s24] =	stream.linear.scatter [tilespmem:s29], [sflag:$0x4], $0x1800, $0x38;
	[tilespmem:$0x1F880] =	vst v63  }
0x5e: {  	_ = 	snop  }
0x5f: {  	[spmem:s25] =	stream.linear.scatter [tilespmem:s29], [sflag:$0x4], $0x1800, $0x38;
	[tilespmem:$0x1F880] =	vst v63  }
0x60: {  	_ = 	snop  }
0x61: {  	[spmem:s26] =	stream.linear.scatter [tilespmem:s29], [sflag:$0x4], $0x1800, $0x38;
	[tilespmem:$0x1F880] =	vst v63  }
0x62: {  	s11 =	simm.s32 @!p0 $0xA800  }
0x63: {  	[spmem:s10] =	stream.linear.scatter @!p0 [tilespmem:s11], [sflag:$0x4], $0x800, $0x38;
	[tilespmem:$0x1F880] =	vst v63  }
0x64: {  	_ =	swait.ge [sflag:s31], $0x1800  }
0x65: {  	[sflag:s31] =	ssyncset.done $0x0  }
0x66: {  	[sflag:s31] =	ssyncadd.s32 $0xFFFFE800  }
0x67: {  	_ =	swait.ge [sflag:s31], $0x1800  }
0x68: {  	[sflag:s31] =	ssyncset.done $0x0  }
0x69: {  	[sflag:s31] =	ssyncadd.s32 $0xFFFFE800  }
0x6a: {  	_ =	swait.ge [sflag:s31], $0x1800  }
0x6b: {  	[sflag:s31] =	ssyncset.done $0x0  }
0x6c: {  	[sflag:s31] =	ssyncadd.s32 $0xFFFFE800  }
0x6d: {  	_ =	swait.ge [sflag:s31], $0x1800  }
0x6e: {  	[sflag:s31] =	ssyncset.done $0x0  }
0x6f: {  	[sflag:s31] =	ssyncadd.s32 $0xFFFFE800  }
0x70: {  	_ =	swait.ge [sflag:s31], $0x1800  }
0x71: {  	[sflag:s31] =	ssyncset.done $0x0  }
0x72: {  	[sflag:s31] =	ssyncadd.s32 $0xFFFFE800  }
0x73: {  	_ =	swait.ge [sflag:s31], $0x1800  }
0x74: {  	[sflag:s31] =	ssyncset.done $0x0  }
0x75: {  	[sflag:s31] =	ssyncadd.s32 $0xFFFFE800  }
0x76: {  	_ =	swait.ge [sflag:s31], $0x1800  }
0x77: {  	[sflag:s31] =	ssyncset.done $0x0  }
0x78: {  	[sflag:s31] =	ssyncadd.s32 $0xFFFFE800  }
0x79: {  	_ =	swait.ge [sflag:s31], $0x1800  }
0x7a: {  	[sflag:s31] =	ssyncset.done $0x0  }
0x7b: {  	[sflag:s31] =	ssyncadd.s32 $0xFFFFE800  }
0x7c: {  	_ =	swait.ge [sflag:s31], $0x1800  }
0x7d: {  	[sflag:s31] =	ssyncset.done $0x0  }
0x7e: {  	[sflag:s31] =	ssyncadd.s32 $0xFFFFE800  }
0x7f: {  	_ =	swait.ge [sflag:s31], $0x1800  }
0x80: {  	[sflag:s31] =	ssyncset.done $0x0  }
0x81: {  	[sflag:s31] =	ssyncadd.s32 $0xFFFFE800  }
0x82: {  	_ =	swait.ge [sflag:s31], $0x1800  }
0x83: {  	[sflag:s31] =	ssyncset.done $0x0  }
0x84: {  	[sflag:s31] =	ssyncadd.s32 $0xFFFFE800  }
0x85: {  	_ =	swait.ge [sflag:s31], $0x1800  }
0x86: {  	[sflag:s31] =	ssyncset.done $0x0  }
0x87: {  	[sflag:s31] =	ssyncadd.s32 $0xFFFFE800  }
0x88: {  	_ =	swait.ge [sflag:s31], $0x1800  }
0x89: {  	[sflag:s31] =	ssyncset.done $0x0  }
0x8a: {  	s11 =	simm.s32 @!p0 $0x4;
	[sflag:s31] =	ssyncadd.s32 $0xFFFFE800  }
.Ltmp3:
0x8b: {  	_ =	swait.ge @!p0 [sflag:s11], $0x800;
	(pc) =	sbr.rel .LBB2_4-.Ltmp3, $4  }
0x8c: {  	[sflag:s11] =	ssyncset.done @!p0 $0x0  }
0x8d: {  	s13 =	simm.s32 $0x7400;
	[sflag:s11] =	ssyncadd.s32 @!p0 $0xFFFFF800  }
0x8e: {  	s14 =	simm.s32 $0x15556;
	s15 =	simm.s32 $0xC00;
	[bflag:$0x0] =	sbarrier.arrive $0xFFFF  }
0x8f: {  	s16 =	simm.s32 $0x0;
	s17 =	simm.s32 $0x0;
	s11 =	simm.s32 $0x100  }
.LBB2_6:
0x90: {  	_ =	swait.ge [sflag:s8], $0x200  }
0x91: {  	[sflag:s8] =	ssyncset.done $0x0  }
0x92: {  	[sflag:s8] =	ssyncadd.s32 $0xFFFFFE00  }
0x93: {  	_ =	swait.ge [sflag:s8], $0x200  }
0x94: {  	[sflag:s8] =	ssyncset.done $0x0  }
0x95: {  	[sflag:s8] =	ssyncadd.s32 $0xFFFFFE00  }
.LBB2_8:
0x96: {  	s18 =	sadd.s32 $0x2, s17  }
0x97: {  	s18 =	sshrl.u32 s18, $0x2  }
0x98: {  	s19 =	smul.u32 $0xAAAB, s18;
	_ =	sdelay $0x1  }
0x99: {  	s19 =	sshrl.u32 s19, $0x11  }
0x9a: {  	s19 =	smul.u32 $0xFFFFD, s19  }
0x9b: {  	s20 =	sshrl.u32 s14, $0x11  }
0x9c: {  	s20 =	smul.u32 $0xFFFD9000, s20;
	s18 =	sadd.s32 s18, s19  }
0x9d: {  	s18 =	sshll.u32 s18, $0xC  }
0x9e: {  	s24 =	sand.u32 $0x180, s11;
	s23 =	sshra.s32 s20, $0x2;
	s18 =	sshra.s32 s18, $0x2  }
0x9f: {  	s19 =	sadd.s32 s23, s13;
	s18 =	sor.u32 s24, s18  }
0xa0: {  	[tilespmem:s19], [sflag:$0x1] =	stream.indirect.gather [hbm4b:s1+s30], $0x80, s18, s30, $0xb8;
	[tilespmem:$0x1F880] =	vst v63  }
.LBB2_9:
0xa1: {  	s17 =	sadd.s32 $0x1, s17  }
0xa2: {  	p1 =	sne.s32 s17, $0x64  }
.Ltmp4:
0xa3: {  	_ = 	snop;
	(pc) =	sbr.rel @!p1 .LBB2_10-.Ltmp4, $3  }
0xa4: {  	_ =	sdelay $0x1  }
0xa5: {  	s11 =	sadd.s32 $0x80, s11;
	s13 =	sadd.s32 $0x3400, s13  }
0xa6: {  	s14 =	sadd.s32 $0xAAAB, s14;
	s15 =	sadd.s32 $0x3400, s15;
	s16 =	sadd.s32 $0xAAAB, s16  }
.LBB2_4:
0xa7: {  	s18 =	sand.u32 $0x3, s17;
	p1 =	sgt.u32 s17, $0x5F  }
0xa8: {  	p2 =	sne.s32 @!p1 s18, $0x0  }
0xa9: {  	s19 =	sshrl.u32 s17, $0x2;
	p2 =	por p2, p1  }
0xaa: {  	s20 =	sadd.s32 @!p2 $0x1, s19  }
0xab: {  	s21 =	smul.u32 @!p2 $0xAAAB, s20;
	_ =	sdelay $0x1  }
0xac: {  	s21 =	sshrl.u32 @!p2 s21, $0x11  }
0xad: {  	s21 =	smul.u32 @!p2 $0xFFFFD, s21  }
0xae: {  	s22 =	sshll.u32 @!p2 s20, $0x9  }
0xaf: {  	s24 =	smul.u32 $0xAAAB, s19;
	s20 =	sadd.s32 @!p2 s20, s21;
	s21 =	sadd.s32 @!p2 s7, s22  }
0xb0: {  	s23 =	simm.s32 @!p2 $0x0;
	s20 =	sshll.u32 @!p2 s20, $0xC;
	s21 =	sshrl.u32 @!p2 s21, $0x3  }
0xb1: {  	s24 =	sshrl.u32 s24, $0x11;
	s20 =	sshra.s32 @!p2 s20, $0x2;
	s22 =	sadd.s32 @!p2 s5, s21  }
0xb2: {  	[tilespmem:s20], [sflag:$0x3] =	stream.linear.gather @!p2 [hbm4b:s22+s23], $0x200, $0x38;
	[tilespmem:$0x1F880] =	vst v63  }
0xb3: {  	s21 =	sadd.s32 @!p2 s6, s21;
	s20 =	sor.u32 @!p2 $0x200, s20;
	s22 =	smul.u32 $0xFFFFD, s24  }
0xb4: {  	[tilespmem:s20], [sflag:$0x3] =	stream.linear.gather @!p2 [hbm4b:s21+s23], $0x200, $0x38;
	[tilespmem:$0x1F880] =	vst v63  }
0xb5: {  	s23 =	sshrl.u32 s16, $0x11  }
0xb6: {  	s19 =	sadd.s32 s19, s22;
	p2 =	seq.s32 s17, $0x0;
	s20 =	smul.u32 $0xFFFD9000, s23  }
.Ltmp5:
0xb7: {  	s19 =	sshll.u32 s19, $0xC;
	(pc) =	sbr.rel @p2 .LBB2_8-.Ltmp5, $4  }
0xb8: {  	s24 =	sshll.u32 s18, $0x7;
	_ =	swait.ge [sflag:s0], $0x3200;
	s19 =	sshra.s32 s19, $0x2  }
0xb9: {  	[sflag:s0] =	ssyncset.done $0x0;
	s20 =	sshra.s32 s20, $0x2;
	s19 =	sor.u32 s24, s19  }
0xba: {  	[sflag:s0] =	ssyncadd.s32 $0xFFFFCE00;
	s20 =	sadd.s32 s20, s15;
	s19 =	sor.u32 $0x200, s19  }
0xbb: {  	[spmem:s3] =	stream.indirect.scatter.add.f32 [tilespmem:s20], [sflag:$0x2], $0x80, s19, s30, $0xb8;
	[tilespmem:$0x1F880] =	vst v63  }
0xbc: {  	p2 =	sne.s32 @!p1 s18, $0x2  }
0xbd: {  	p1 =	por p1, p2  }
.Ltmp6:
0xbe: {  	_ = 	snop;
	(pc) =	sbr.rel @!p1 .LBB2_6-.Ltmp6, $4  }
0xbf: {  	_ = 	snop  }
0xc0: {  	_ =	swait.ge [sflag:s2], $0x3200  }
0xc1: {  	[sflag:s2] =	ssyncset.done $0x0  }
0xc2: {  	[sflag:s2] =	ssyncadd.s32 $0xFFFFCE00  }
0xc3: {  	p1 =	sgt.u32 s17, $0x61  }
.Ltmp7:
0xc4: {  	_ = 	snop;
	(pc) =	sbr.rel @p1 .LBB2_9-.Ltmp7, $4  }
.Ltmp8:
0xc5: {  	_ = 	snop;
	(pc) =	sbr.rel @!p1 .LBB2_8-.Ltmp8, $4  }
0xc6: {  	_ = 	snop  }
0xc7: {  	_ = 	snop  }
0xc8: {  	_ = 	snop  }
0xc9: {  	_ = 	snop  }
.LBB2_11:
0xca: {  	_ =	sfence.sel $0x180000  }
0xcb: {  	[bflag:$0x0] =	sbarrier.arrive $0xFFFF  }
0xcc: {  	_ =	strace $0x9000004A  }
0xcd: {  	s0 =	stileid.u32;
	[bflag:$0x2] =	sbarrier.arrive $0xFFFF  }
0xce: {  	p0 =	sne.s32 s0, $0x0;
	s0 =	rddreg [dreg:$0x3]  }
0xcf: {  	s0 =	sadd.s32 @!p0 $0x100000, s0  }
0xd0: {  	[sflag:s0] =	ssyncadd.tile.s32 @!p0 $0x1;
	_ =	shalt  }
.Lfunc_end2:
_tile_overlayer_lowered:
.L_overlay_start_2:
0xd1: {  	(tag) =	ssettag $0x2  }
0xd2: {  	s0 =	rddreg [dreg:$0x0];
	s2 =	stileid.u32  }
0xd3: {  	s1 =	rddreg [dreg:$0x1];
	p0 =	sne.s32 s2, $0x0  }
0xd4: {  	s3 =	rddreg [dreg:$0x2];
	[bflag:$0x3] =	sbarrier.arrive $0xFFFF;
	s2 =	simm.s32 @!p0 $0x1C05  }
0xd5: {  	[timem:s3], [sflag:s2] =	dma.local @!p0 [hbm:s0], s1  }
0xd6: {  	s0 =	simm.s32 @!p0 $0x5  }
0xd7: {  	_ =	swait.ge @!p0 [sflag:s0], s1  }
0xd8: {  	s1 =	ssub.s32 @!p0 $0x0, s1;
	[sflag:s0] =	ssyncset.done @!p0 $0x0  }
0xd9: {  	[sflag:s0] =	ssyncadd.s32 @!p0 s1  }
0xda: {  	[bflag:$0x3] =	sbarrier.arrive $0xFFFF  }
0xdb: {  	_ =	shalt  }

// kernel: kernel.16.cloned.1.call-start
scs
__scs_entry_jumppad:
0x0: {  	(pc) =	sbr.rel $0x88, $3  }
0x1: {  	(tag) =	ssettag $0x0;
	lr =	simm.s32 $0x1  }
0x2: {  	[smem:$0x3F94] =	sst lr;
	_ =	strace $0xD0000000  }
0x3: {  	_ = 	snop  }
0x4: {  	_ = 	snop  }
0x5: {  	_ = 	snop  }
0x6: {  	_ = 	snop  }
0x7: {  	_ = 	snop  }
__scs_overlays_trampoline_lowered:
0x8: {  	[smem:$0x3FA3] =	sst s0  }
0x9: {  	[smem:$0x3FA4] =	sst s1  }
0xa: {  	[smem:$0x3FA5] =	sst s2  }
0xb: {  	[smem:$0x3FA6] =	sst s3  }
0xc: {  	[smem:$0x3FA7] =	sst s4  }
0xd: {  	[smem:$0x3FA8] =	sst s5  }
0xe: {  	[smem:$0x3FA9] =	sst s6  }
0xf: {  	[smem:$0x3FAA] =	sst s7  }
0x10: {  	[smem:$0x3FAB] =	sst s8  }
0x11: {  	[smem:$0x3FAC] =	sst s9;
	s0 =	simm.s32 @!p0 $0x0  }
0x12: {  	s1 =	sld [smem:$0x3F92];
	s0 =	simm.s32 @p0 $0x1  }
0x13: {  	[smem:$0x3FAD] =	sst s0;
	s0 =	simm.s32 @!p1 $0x0  }
0x14: {  	s2 =	sld [smem:$0x3F91];
	s0 =	simm.s32 @p1 $0x1  }
0x15: {  	[smem:$0x3FAE] =	sst s0;
	s0 =	simm.s32 @!p2 $0x0  }
0x16: {  	s3 =	sld [smem:$0x3FDB];
	s0 =	simm.s32 @p2 $0x1  }
0x17: {  	s4 =	simm.s32 $0x1BF5;
	[smem:$0x3FB0] =	sst s0  }
0x18: {  	s0 =	sld [smem:$0x3F93];
	_ =	swait.ge [sflag:s4], $0x0  }
0x19: {  	s7 =	sld [smem:$0x3F94]  }
0x1a: {  	s8 =	sadd.s32 $0xFFFFE003, lr  }
0x1b: {  	s9 =	sadd.s32 $0xFFFFFEF7, lr;
	s5 =	simm.s32 $0xFFFFFFFF;
	p2 =	slt.u32 s8, $0xFFFFF086  }
0x1c: {  	p1 =	slt.u32 s9, $0xF7A;
	s5 =	simm.s32 @!p2 $0x0  }
0x1d: {  	s5 =	simm.s32 @p1 $0x1;
	p0 =	seq.s32 s7, s2  }
0x1e: {  	s7 =	smul.u32 @!p0 $0xF7A, s2;
	p2 =	seq.s32 @!p0 s5, $0x0  }
0x1f: {  	s9 =	smul.u32 $0xF7A, s1;
	s8 =	simm.s32 @!p0 $0x1BF5;
	p2 =	por !p2, p0  }
0x20: {  	[sflag:s8] =	ssyncset.s32 @!p0 $0xFFFFF086;
	s6 =	sadd.s32 @!p0 s3, s7;
	s7 =	simm.s32 @!p0 $0x108  }
0x21: {  	s3 =	sadd.s32 s3, s9;
	s6 =	sadd.s32 @!p0 $0x88, s6;
	s7 =	simm.s32 @p2 $0x1082  }
0x22: {  	[simem:s7], [sflag:s8] =	dma.local @!p0 [hbm:s6], $0xF7A  }
0x23: {  	s9 =	sor.u32 $0xD0000000, s2;
	s6 =	simm.s32 $0x108;
	_ =	swait.ge @!p0 [sflag:s8], $0x0  }
0x24: {  	s3 =	sadd.s32 $0x88, s3;
	s6 =	simm.s32 @!p1 $0x1082;
	[sflag:s4] =	ssyncset.s32 $0xFFFFF086  }
0x25: {  	[simem:s6], [sflag:s4] =	dma.local [hbm:s3], $0xF7A  }
0x26: {  	[smem:$0x3F94] =	sst s1;
	(tag) =	ssettag s2;
	_ =	strace s9  }
0x27: {  	s1 =	sld [smem:$0x3FA4]  }
0x28: {  	s2 =	sld [smem:$0x3FA5]  }
0x29: {  	s4 =	sld [smem:$0x3FA7]  }
0x2a: {  	p0 =	seq.s32 s5, $0x0;
	s5 =	sld [smem:$0x3FA8]  }
0x2b: {  	s6 =	sld [smem:$0x3FA9]  }
0x2c: {  	s7 =	sld [smem:$0x3FAA]  }
0x2d: {  	s3 =	simm.s32 $0x108;
	s8 =	sld [smem:$0x3FAB]  }
0x2e: {  	s3 =	simm.s32 @!p0 $0x1082;
	s9 =	sld [smem:$0x3FAC]  }
0x2f: {  	lr =	sadd.s32 s0, s3;
	s0 =	sld [smem:$0x3FA3]  }
0x30: {  	s3 =	sld [smem:$0x3FA6]  }
0x31: {  	[smem:$0x3FAF] =	sst s10  }
0x32: {  	s10 =	sld [smem:$0x3FAD];
	_ =	sdelay $0x3  }
0x33: {  	p0 =	seq.s32 s10, $0x1;
	s10 =	sld [smem:$0x3FAF];
	_ =	sdelay $0x3  }
0x34: {  	[smem:$0x3FAF] =	sst s10  }
0x35: {  	s10 =	sld [smem:$0x3FAE];
	_ =	sdelay $0x3  }
0x36: {  	p1 =	seq.s32 s10, $0x1;
	s10 =	sld [smem:$0x3FAF];
	_ =	sdelay $0x3  }
0x37: {  	[smem:$0x3FAF] =	sst s10  }
0x38: {  	s10 =	sld [smem:$0x3FB0]  }
0x39: {  	_ = 	snop;
	(pc) =	sbr.ind lr, $3  }
0x3a: {  	_ = 	snop  }
0x3b: {  	_ = 	snop  }
0x3c: {  	p2 =	seq.s32 s10, $0x1;
	s10 =	sld [smem:$0x3FAF]  }
0x3d: {  	_ =	shalt  }
0x3e: {  	_ =	shalt  }
0x3f: {  	_ =	shalt  }
0x40: {  	_ =	shalt  }
0x41: {  	_ =	shalt  }
0x42: {  	_ =	shalt  }
0x43: {  	_ =	shalt  }
0x44: {  	_ =	shalt  }
0x45: {  	_ =	shalt  }
0x46: {  	_ =	shalt  }
0x47: {  	_ =	shalt  }
0x48: {  	_ =	shalt  }
0x49: {  	_ =	shalt  }
0x4a: {  	_ =	shalt  }
0x4b: {  	_ =	shalt  }
0x4c: {  	_ =	shalt  }
0x4d: {  	_ =	shalt  }
0x4e: {  	_ =	shalt  }
0x4f: {  	_ =	shalt  }
0x50: {  	_ =	shalt  }
0x51: {  	_ =	shalt  }
0x52: {  	_ =	shalt  }
0x53: {  	_ =	shalt  }
0x54: {  	_ =	shalt  }
0x55: {  	_ =	shalt  }
0x56: {  	_ =	shalt  }
0x57: {  	_ =	shalt  }
0x58: {  	_ =	shalt  }
0x59: {  	_ =	shalt  }
0x5a: {  	_ =	shalt  }
0x5b: {  	_ =	shalt  }
0x5c: {  	_ =	shalt  }
0x5d: {  	_ =	shalt  }
0x5e: {  	_ =	shalt  }
0x5f: {  	_ =	shalt  }
0x60: {  	_ =	shalt  }
0x61: {  	_ =	shalt  }
0x62: {  	_ =	shalt  }
0x63: {  	_ =	shalt  }
0x64: {  	_ =	shalt  }
0x65: {  	_ =	shalt  }
0x66: {  	_ =	shalt  }
0x67: {  	_ =	shalt  }
0x68: {  	_ =	shalt  }
0x69: {  	_ =	shalt  }
0x6a: {  	_ =	shalt  }
0x6b: {  	_ =	shalt  }
0x6c: {  	_ =	shalt  }
0x6d: {  	_ =	shalt  }
0x6e: {  	_ =	shalt  }
0x6f: {  	_ =	shalt  }
0x70: {  	_ =	shalt  }
0x71: {  	_ =	shalt  }
0x72: {  	_ =	shalt  }
0x73: {  	_ =	shalt  }
0x74: {  	_ =	shalt  }
0x75: {  	_ =	shalt  }
0x76: {  	_ =	shalt  }
0x77: {  	_ =	shalt  }
0x78: {  	_ =	shalt  }
0x79: {  	_ =	shalt  }
0x7a: {  	_ =	shalt  }
0x7b: {  	_ =	shalt  }
0x7c: {  	_ =	shalt  }
0x7d: {  	_ =	shalt  }
0x7e: {  	_ =	shalt  }
0x7f: {  	_ =	shalt  }
0x80: {  	_ =	shalt  }
0x81: {  	_ =	shalt  }
0x82: {  	_ =	shalt  }
0x83: {  	_ =	shalt  }
0x84: {  	_ =	shalt  }
0x85: {  	_ =	shalt  }
0x86: {  	_ =	shalt  }
0x87: {  	_ =	shalt  }
.Lfunc_end0:
.L_simem_size_0:
called_computation.2_lowered:
.L_overlay_start_0:
0x88: {  	s2 =	sld [smem:$0x3FD9]  }
0x89: {  	s3 =	sld [smem:$0x3FFE];
	_ =	sdelay $0x1  }
0x8a: {  	s1 =	srdreg.scid  }
0x8b: {  	s0 =	sand.u32 $0x1, s1  }
0x8c: {  	s14 =	sshll.u32 s0, $0xA;
	s2 =	sadd.s32 s3, s2  }
0x8d: {  	s2 =	sadd.s32 s2, s14  }
0x8e: {  	[smem:$0x3FBB] =	sst s2  }
0x8f: {  	_ = 	snop  }
0x90: {  	s2 =	sld [smem:$0x3FD0];
	_ =	sdelay $0x2  }
0x91: {  	s15 =	simm.s32 $0xA;
	s4 =	simm.s32 $0x10  }
0x92: {  	[smem:s4], [sflag:s15] =	dma.local [hbm:s2], $0x1  }
0x93: {  	_ =	swait.eq [sflag:s15], $0x1  }
0x94: {  	[sflag:s15] =	ssyncset.done $0x0  }
0x95: {  	[sflag:s15] =	ssyncadd.s32 $0xFFFFFFFF  }
0x96: {  	s16 =	sld [smem:$0x12];
	(tm) =	ssettm $0x1  }
0x97: {  	s17 =	sld [smem:$0x3FFB];
	_ =	sdelay $0x3  }
0x98: {  	_ =	strace s17  }
0x99: {  	s3 =	sld [smem:$0x3FFC];
	_ =	sdelay $0x3  }
0x9a: {  	_ =	strace s3  }
0x9b: {  	s3 =	sld [smem:$0x3FFD];
	_ =	sdelay $0x3  }
0x9c: {  	_ =	strace s3  }
0x9d: {  	_ =	strace $0x8FFFFFFF  }
0x9e: {  	s18 =	sld [smem:$0x3FDB];
	_ =	sdelay $0x1  }
0x9f: {  	s19 =	simm.s32 $_scs_section_size  }
0xa0: {  	s5 =	simm.s32 $_size__tile_overlayer_lowered;
	s6 =	simm.s32 $_tile_overlayer_lowered  }
0xa1: {  	s22 =	simm.s32 $0x1BFF;
	s21 =	sshll.u32 s6, $0x1;
	s3 =	sadd.s32 s19, s18  }
0xa2: {  	s7 =	simm.s32 $0x0;
	s20 =	sshll.u32 s5, $0x1;
	s5 =	sadd.s32 s21, s3  }
0xa3: {  	[timem:s7], [sflag:s22] =	dma.local [hbm:s5], s20  }
0xa4: {  	_ =	swait.ge [sflag:s22], s20  }
0xa5: {  	s4 =	ssub.s32 $0x0, s20;
	[sflag:s22] =	ssyncset.done $0x0  }
0xa6: {  	[sflag:s22] =	ssyncadd.s32 s4;
	_ =	sdelay $0x1  }
0xa7: {  	s23 =	simm.s32 $0x1B8B  }
0xa8: {  	_ =	swait.ge [sflag:s23], $0x1  }
0xa9: {  	[sflag:s23] =	ssyncset.done $0x0  }
0xaa: {  	s25 =	simm.s32 $0x1B8E;
	s24 =	sld [smem:$0x3FFE];
	[sflag:s23] =	ssyncadd.s32 $0xFFFFFFFF  }
0xab: {  	s26 =	simm.s32 $execute0_lowered;
	[smem:$0x3FD2] =	sst s25  }
0xac: {  	s5 =	sshll.u32 s26, $0x1;
	_ =	strace $0x8000004C;
	[dreg:$0x1] =	wrdreg $0xFFFFFFFF  }
0xad: {  	s28 =	simm.s32 $_size_execute0_lowered;
	s3 =	sadd.s32 s3, s5;
	[dreg:$0x0] =	wrdreg $0x0  }
0xae: {  	s5 =	sshll.u32 s28, $0x1;
	[dreg:$0x2] =	wrdreg s3  }
0xaf: {  	[dreg:$0x3] =	wrdreg s5  }
0xb0: {  	[dreg:$0x4] =	wrdreg $0xC0  }
0xb1: {  	_ =	task [dreg:s7], $0x5FFFF  }
0xb2: {  	[dreg:$0x1] =	wrdreg $0xFFFFFFFF  }
0xb3: {  	[dreg:$0x0] =	wrdreg $0x60  }
0xb4: {  	[dreg:$0x2] =	wrdreg s16  }
0xb5: {  	[dreg:$0x3] =	wrdreg s24  }
0xb6: {  	[dreg:$0x4] =	wrdreg $0xC0000  }
0xb7: {  	[dreg:$0x5] =	wrdreg $0x9  }
0xb8: {  	_ =	task.clear_ibuf [dreg:s7], $0x6FFFF;
	_ =	strace $0x9000004C  }
0xb9: {  	s29 =	simm.s32 $0x9;
	_ =	strace $0x8000004E  }
0xba: {  	_ =	swait.ge [sflag:s29], $0x1  }
0xbb: {  	[sflag:s29] =	ssyncadd.s32 $0xFFFFFFFF  }
0xbc: {  	_ =	strace $0x9000004E  }
0xbd: {  	_ =	sfence  }
0xbe: {  	s30 =	sld [smem:$0x0];
	_ =	sdelay $0x2  }
0xbf: {  	s31 =	sshll.u32 s1, $0xD;
	s1 =	sshrl.u32 s1, $0x2  }
0xc0: {  	s3 =	sand.u32 $0x4000, s31;
	s1 =	sadd.s32 s1, s30  }
0xc1: {  	s0 =	sor.u32 s3, s0;
	s1 =	sshll.u32 s1, $0x11  }
0xc2: {  	s0 =	sor.u32 s1, s0  }
0xc3: {  	s0 =	sadd.s32 $0x8F2B, s0  }
0xc4: {  	[sflag:s0] =	ssyncadd.remote.s32 $0x1  }
0xc5: {  	_ =	sfence.sel $0xFFFF  }
0xc6: {  	[dreg:$0x0] =	wrdreg $0xFFFFFFFF;
	(pc) =	sbr.abs _section_cstart, $3  }
0xc7: {  	[dreg:$0x1] =	wrdreg $0xFFFFFFFF  }
0xc8: {  	_ =	task.clear_ibuf [dreg:s7], $0x2FFFF;
	_ =	strace $0x9FFFFFFF  }
0xc9: {  	(tm) =	ssettm $0x7FFFFFFF  }
tec
execute0_lowered:
.L_overlay_start_1:
0x0: {  	(tag) =	ssettag $0x1  }
0x1: {  	s1 =	rddreg [dreg:$0x0]  }
0x2: {  	s0 =	rddreg [dreg:$0x1]  }
0x3: {  	s3 =	rddreg [dreg:$0x2];
	s4 =	simm.s32 $0x0;
	s2 =	srdreg.scid  }
0x4: {  	s13 =	stileid.u32;
	s28 =	simm.s32 $0x5;
	s30 =	simm.s32 $0x64  }
0x5: {  	[smem:$0x7FF] =	sst s4;
	s2 =	sand.u32 $0x1, s2;
	s11 =	smul.u32 $0x13800, s13  }
0x6: {  	s5 =	sshll.u32 s13, $0x1;
	s6 =	sadd.s32 $0xDA00, s0;
	s15 =	smul.u32 $0x4E000, s13  }
0x7: {  	s7 =	sor.u32 s2, s5;
	s8 =	ssub.s32 $0x2, s2;
	s2 =	smul.u32 $0x138800, s2  }
0x8: {  	_ =	strace $0x8000004D;
	s7 =	smul.u32 $0x3200, s7;
	s9 =	sshrl.u32 s8, $0x1  }
0x9: {  	s5 =	sadd.s32 $0x1A200, s0;
	s0 =	sadd.s32 $0x26A00, s0;
	s8 =	ssub.s32 s8, s9  }
0xa: {  	s11 =	sadd.s32 s11, s2;
	s10 =	sshrl.u32 s7, $0x3;
	s16 =	smax.u32 s8, $0x1  }
0xb: {  	s9 =	sshrl.u32 s15, $0x2;
	s14 =	sadd.s32 s5, s10;
	[dreg:$0x8] =	wrdreg s16  }
0xc: {  	s11 =	sshrl.u32 s11, $0x3;
	s10 =	sadd.s32 s6, s10;
	[dreg:$0x4] =	wrdreg s14  }
0xd: {  	s12 =	sadd.s32 s9, s3;
	s11 =	sadd.s32 s0, s11;
	[dreg:$0x5] =	wrdreg s10  }
0xe: {  	s29 =	simm.s32 $0xA800;
	s17 =	sadd.s32 $0x1800, s12;
	[dreg:$0x6] =	wrdreg s11  }
0xf: {  	s31 =	simm.s32 $0x4;
	s18 =	sadd.s32 $0x3000, s12;
	[dreg:$0x9] =	wrdreg s17  }
0x10: {  	p0 =	sne.s32 s13, $0xF;
	s19 =	sadd.s32 $0x4800, s12;
	[dreg:$0xa] =	wrdreg s18  }
0x11: {  	s2 =	sshrl.u32 s2, $0x3;
	s20 =	sadd.s32 $0x6000, s12;
	[dreg:$0xb] =	wrdreg s19  }
0x12: {  	s8 =	simm.s32 $0x3;
	s21 =	sadd.s32 $0x7800, s12;
	[dreg:$0xc] =	wrdreg s20  }
0x13: {  	s9 =	simm.s32 $0x0;
	s22 =	sadd.s32 $0x9000, s12;
	[dreg:$0xd] =	wrdreg s21  }
0x14: {  	s0 =	sadd.s32 s0, s2;
	s23 =	sadd.s32 $0xA800, s12;
	[dreg:$0xe] =	wrdreg s22  }
.Ltmp0:
0x15: {  	s24 =	sadd.s32 $0xC000, s12;
	[dreg:$0xf] =	wrdreg s23;
	(pc) =	sbr.rel .LBB2_1-.Ltmp0, $4  }
0x16: {  	s25 =	sadd.s32 $0xD800, s12;
	s26 =	sadd.s32 $0xF000, s12;
	[dreg:$0x10] =	wrdreg s24  }
0x17: {  	s2 =	simm.s32 $0x2;
	s10 =	sadd.s32 $0x138000, s3;
	[dreg:$0x11] =	wrdreg s25  }
0x18: {  	s0 =	sadd.s32 $0x27000, s0;
	[dreg:$0x12] =	wrdreg s26;
	s25 =	sadd.s32 $0x10800, s12  }
0x19: {  	v0 =	vimm.f32 $0.0e+00;
	s26 =	sadd.s32 $0x12000, s12;
	[dreg:$0x7] =	wrdreg s0;
	s0 =	simm.s32 $0x1  }
.LBB2_10:
0x1a: {  	_ =	swait.ge [sflag:s2], $0x3200  }
0x1b: {  	[sflag:s2] =	ssyncset.done $0x0  }
0x1c: {  	s11 =	stileid.u32;
	[sflag:s2] =	ssyncadd.s32 $0xFFFFCE00  }
0x1d: {  	s11 =	sshll.u32 s11, $0x6;
	[bflag:$0x0] =	sbarrier.arrive $0xFFFF  }
0x1e: {  	s13 =	sshrl.u32 s12, $0x3;
	s11 =	sor.u32 $0x1C05, s11;
	s14 =	rddreg [dreg:$0x6]  }
0x1f: {  	[hbm:s14], [sflag:s11] =	dma.local [spmem:s13], $0x2700  }
0x20: {  	_ =	swait.ge [sflag:s28], $0x2700  }
0x21: {  	[sflag:s28] =	ssyncset.done $0x0  }
0x22: {  	s13 =	sshrl.u32 @!p0 s10, $0x3;
	s14 =	rddreg [dreg:$0x7];
	[sflag:s28] =	ssyncadd.s32 $0xFFFFD900  }
0x23: {  	[hbm:s14], [sflag:s11] =	dma.local @!p0 [spmem:s13], $0x100  }
0x24: {  	s11 =	simm.s32 @!p0 $0x5  }
0x25: {  	_ =	swait.ge @!p0 [sflag:s11], $0x100  }
0x26: {  	s9 =	sadd.s32 $0x1, s9;
	s24 =	rddreg [dreg:$0x8]  }
0x27: {  	p1 =	sne.s32 s9, s24  }
.Ltmp1:
0x28: {  	_ = 	snop;
	(pc) =	sbr.rel @!p1 .LBB2_11-.Ltmp1, $3  }
0x29: {  	_ =	sdelay $0x1  }
0x2a: {  	[sflag:s11] =	ssyncset.done @!p0 $0x0  }
0x2b: {  	[sflag:s11] =	ssyncadd.s32 @!p0 $0xFFFFFF00  }
.LBB2_1:
0x2c: {  	s11 =	simm.s32 $0x0;
	s13 =	simm.s32 $0x200  }
.LBB2_2:
0x2d: {  	p1 =	sne.s32 s13, $0x5E00;
	[tilespmem:s11+$0xA870] =	vst v0  }
0x2e: {  	[tilespmem:s11+$0xA800] =	vst v0  }
0x2f: {  	[tilespmem:s11+$0xA810] =	vst v0  }
.Ltmp2:
0x30: {  	[tilespmem:s11+$0xA820] =	vst v0;
	(pc) =	sbr.rel @p1 .LBB2_2-.Ltmp2, $4  }
0x31: {  	[tilespmem:s11+$0xA830] =	vst v0  }
0x32: {  	[tilespmem:s11+$0xA840] =	vst v0  }
0x33: {  	[tilespmem:s11+$0xA850] =	vst v0  }
0x34: {  	[tilespmem:s11+$0xA860] =	vst v0;
	s11 =	sshra.s32 s13, $0x2;
	s13 =	sadd.s32 $0x200, s13  }
0x35: {  	[tilespmem:s11+$0xA870] =	vst v0  }
0x36: {  	[tilespmem:s11+$0xA800] =	vst v0  }
0x37: {  	[tilespmem:s11+$0xA810] =	vst v0  }
0x38: {  	[tilespmem:s11+$0xA820] =	vst v0  }
0x39: {  	[tilespmem:s11+$0xA830] =	vst v0  }
0x3a: {  	[tilespmem:s11+$0xA840] =	vst v0  }
0x3b: {  	[tilespmem:s11+$0xA850] =	vst v0  }
0x3c: {  	[tilespmem:s11+$0xA860] =	vst v0;
	s22 =	rddreg [dreg:$0x4]  }
0x3d: {  	[tilespmem:s4], [sflag:$0x5] =	stream.linear.gather [hbm4b:s22+s4], $0x200, $0x38;
	[tilespmem:$0x1F880] =	vst v63  }
0x3e: {  	_ =	swait.ge [sflag:s28], $0x200  }
0x3f: {  	[sflag:s28] =	ssyncset.done $0x0  }
0x40: {  	s13 =	simm.s32 $0x200;
	s23 =	rddreg [dreg:$0x5];
	[sflag:s28] =	ssyncadd.s32 $0xFFFFFE00  }
0x41: {  	[tilespmem:s13], [sflag:$0x5] =	stream.linear.gather [hbm4b:s23+s4], $0x200, $0x38;
	[tilespmem:$0x1F880] =	vst v63  }
0x42: {  	_ =	swait.ge [sflag:s28], $0x200  }
0x43: {  	[sflag:s28] =	ssyncset.done $0x0  }
0x44: {  	s24 =	simm.s32 $0xC00;
	[sflag:s28] =	ssyncadd.s32 $0xFFFFFE00  }
0x45: {  	[tilespmem:s24], [sflag:$0x1] =	stream.indirect.gather [hbm4b:s1+s30], $0x80, s4, s30, $0xb8;
	[tilespmem:$0x1F880] =	vst v63  }
0x46: {  	s14 =	simm.s32 $0x4000;
	s13 =	simm.s32 $0x80  }
0x47: {  	[tilespmem:s14], [sflag:$0x1] =	stream.indirect.gather [hbm4b:s1+s30], $0x80, s13, s30, $0xb8;
	[tilespmem:$0x1F880] =	vst v63  }
0x48: {  	_ = 	snop  }
0x49: {  	[spmem:s12] =	stream.linear.scatter [tilespmem:s29], [sflag:$0x4], $0x1800, $0x38;
	[tilespmem:$0x1F880] =	vst v63  }
0x4a: {  	s15 =	rddreg [dreg:$0x9]  }
0x4b: {  	[spmem:s15] =	stream.linear.scatter [tilespmem:s29], [sflag:$0x4], $0x1800, $0x38;
	[tilespmem:$0x1F880] =	vst v63  }
0x4c: {  	s16 =	rddreg [dreg:$0xa]  }
0x4d: {  	[spmem:s16] =	stream.linear.scatter [tilespmem:s29], [sflag:$0x4], $0x1800, $0x38;
	[tilespmem:$0x1F880] =	vst v63  }
0x4e: {  	s17 =	rddreg [dreg:$0xb]  }
0x4f: {  	[spmem:s17] =	stream.linear.scatter [tilespmem:s29], [sflag:$0x4], $0x1800, $0x38;
	[tilespmem:$0x1F880] =	vst v63  }
0x50: {  	s18 =	rddreg [dreg:$0xc]  }
0x51: {  	[spmem:s18] =	stream.linear.scatter [tilespmem:s29], [sflag:$0x4], $0x1800, $0x38;
	[tilespmem:$0x1F880] =	vst v63  }
0x52: {  	s19 =	rddreg [dreg:$0xd]  }
0x53: {  	[spmem:s19] =	stream.linear.scatter [tilespmem:s29], [sflag:$0x4], $0x1800, $0x38;
	[tilespmem:$0x1F880] =	vst v63  }
0x54: {  	s20 =	rddreg [dreg:$0xe]  }
0x55: {  	[spmem:s20] =	stream.linear.scatter [tilespmem:s29], [sflag:$0x4], $0x1800, $0x38;
	[tilespmem:$0x1F880] =	vst v63  }
0x56: {  	s21 =	rddreg [dreg:$0xf]  }
0x57: {  	[spmem:s21] =	stream.linear.scatter [tilespmem:s29], [sflag:$0x4], $0x1800, $0x38;
	[tilespmem:$0x1F880] =	vst v63  }
0x58: {  	s22 =	rddreg [dreg:$0x10]  }
0x59: {  	[spmem:s22] =	stream.linear.scatter [tilespmem:s29], [sflag:$0x4], $0x1800, $0x38;
	[tilespmem:$0x1F880] =	vst v63  }
0x5a: {  	s23 =	rddreg [dreg:$0x11]  }
0x5b: {  	[spmem:s23] =	stream.linear.scatter [tilespmem:s29], [sflag:$0x4], $0x1800, $0x38;
	[tilespmem:$0x1F880] =	vst v63  }
0x5c: {  	s24 =	rddreg [dreg:$0x12]  }
0x5d: {  	[spmem:s24] =	stream.linear.scatter [tilespmem:s29], [sflag:$0x4], $0x1800, $0x38;
	[tilespmem:$0x1F880] =	vst v63  }
0x5e: {  	_ = 	snop  }
0x5f: {  	[spmem:s25] =	stream.linear.scatter [tilespmem:s29], [sflag:$0x4], $0x1800, $0x38;
	[tilespmem:$0x1F880] =	vst v63  }
0x60: {  	_ = 	snop  }
0x61: {  	[spmem:s26] =	stream.linear.scatter [tilespmem:s29], [sflag:$0x4], $0x1800, $0x38;
	[tilespmem:$0x1F880] =	vst v63  }
0x62: {  	s11 =	simm.s32 @!p0 $0xA800  }
0x63: {  	[spmem:s10] =	stream.linear.scatter @!p0 [tilespmem:s11], [sflag:$0x4], $0x800, $0x38;
	[tilespmem:$0x1F880] =	vst v63  }
0x64: {  	_ =	swait.ge [sflag:s31], $0x1800  }
0x65: {  	[sflag:s31] =	ssyncset.done $0x0  }
0x66: {  	[sflag:s31] =	ssyncadd.s32 $0xFFFFE800  }
0x67: {  	_ =	swait.ge [sflag:s31], $0x1800  }
0x68: {  	[sflag:s31] =	ssyncset.done $0x0  }
0x69: {  	[sflag:s31] =	ssyncadd.s32 $0xFFFFE800  }
0x6a: {  	_ =	swait.ge [sflag:s31], $0x1800  }
0x6b: {  	[sflag:s31] =	ssyncset.done $0x0  }
0x6c: {  	[sflag:s31] =	ssyncadd.s32 $0xFFFFE800  }
0x6d: {  	_ =	swait.ge [sflag:s31], $0x1800  }
0x6e: {  	[sflag:s31] =	ssyncset.done $0x0  }
0x6f: {  	[sflag:s31] =	ssyncadd.s32 $0xFFFFE800  }
0x70: {  	_ =	swait.ge [sflag:s31], $0x1800  }
0x71: {  	[sflag:s31] =	ssyncset.done $0x0  }
0x72: {  	[sflag:s31] =	ssyncadd.s32 $0xFFFFE800  }
0x73: {  	_ =	swait.ge [sflag:s31], $0x1800  }
0x74: {  	[sflag:s31] =	ssyncset.done $0x0  }
0x75: {  	[sflag:s31] =	ssyncadd.s32 $0xFFFFE800  }
0x76: {  	_ =	swait.ge [sflag:s31], $0x1800  }
0x77: {  	[sflag:s31] =	ssyncset.done $0x0  }
0x78: {  	[sflag:s31] =	ssyncadd.s32 $0xFFFFE800  }
0x79: {  	_ =	swait.ge [sflag:s31], $0x1800  }
0x7a: {  	[sflag:s31] =	ssyncset.done $0x0  }
0x7b: {  	[sflag:s31] =	ssyncadd.s32 $0xFFFFE800  }
0x7c: {  	_ =	swait.ge [sflag:s31], $0x1800  }
0x7d: {  	[sflag:s31] =	ssyncset.done $0x0  }
0x7e: {  	[sflag:s31] =	ssyncadd.s32 $0xFFFFE800  }
0x7f: {  	_ =	swait.ge [sflag:s31], $0x1800  }
0x80: {  	[sflag:s31] =	ssyncset.done $0x0  }
0x81: {  	[sflag:s31] =	ssyncadd.s32 $0xFFFFE800  }
0x82: {  	_ =	swait.ge [sflag:s31], $0x1800  }
0x83: {  	[sflag:s31] =	ssyncset.done $0x0  }
0x84: {  	[sflag:s31] =	ssyncadd.s32 $0xFFFFE800  }
0x85: {  	_ =	swait.ge [sflag:s31], $0x1800  }
0x86: {  	[sflag:s31] =	ssyncset.done $0x0  }
0x87: {  	[sflag:s31] =	ssyncadd.s32 $0xFFFFE800  }
0x88: {  	_ =	swait.ge [sflag:s31], $0x1800  }
0x89: {  	[sflag:s31] =	ssyncset.done $0x0  }
0x8a: {  	s11 =	simm.s32 @!p0 $0x4;
	[sflag:s31] =	ssyncadd.s32 $0xFFFFE800  }
.Ltmp3:
0x8b: {  	_ =	swait.ge @!p0 [sflag:s11], $0x800;
	(pc) =	sbr.rel .LBB2_4-.Ltmp3, $4  }
0x8c: {  	[sflag:s11] =	ssyncset.done @!p0 $0x0  }
0x8d: {  	s13 =	simm.s32 $0x7400;
	[sflag:s11] =	ssyncadd.s32 @!p0 $0xFFFFF800  }
0x8e: {  	s14 =	simm.s32 $0x15556;
	s15 =	simm.s32 $0xC00;
	[bflag:$0x0] =	sbarrier.arrive $0xFFFF  }
0x8f: {  	s16 =	simm.s32 $0x0;
	s17 =	simm.s32 $0x0;
	s11 =	simm.s32 $0x100  }
.LBB2_6:
0x90: {  	_ =	swait.ge [sflag:s8], $0x200  }
0x91: {  	[sflag:s8] =	ssyncset.done $0x0  }
0x92: {  	[sflag:s8] =	ssyncadd.s32 $0xFFFFFE00  }
0x93: {  	_ =	swait.ge [sflag:s8], $0x200  }
0x94: {  	[sflag:s8] =	ssyncset.done $0x0  }
0x95: {  	[sflag:s8] =	ssyncadd.s32 $0xFFFFFE00  }
.LBB2_8:
0x96: {  	s18 =	sadd.s32 $0x2, s17  }
0x97: {  	s18 =	sshrl.u32 s18, $0x2  }
0x98: {  	s19 =	smul.u32 $0xAAAB, s18;
	_ =	sdelay $0x1  }
0x99: {  	s19 =	sshrl.u32 s19, $0x11  }
0x9a: {  	s19 =	smul.u32 $0xFFFFD, s19  }
0x9b: {  	s20 =	sshrl.u32 s14, $0x11  }
0x9c: {  	s20 =	smul.u32 $0xFFFD9000, s20;
	s18 =	sadd.s32 s18, s19  }
0x9d: {  	s18 =	sshll.u32 s18, $0xC  }
0x9e: {  	s24 =	sand.u32 $0x180, s11;
	s23 =	sshra.s32 s20, $0x2;
	s18 =	sshra.s32 s18, $0x2  }
0x9f: {  	s19 =	sadd.s32 s23, s13;
	s18 =	sor.u32 s24, s18  }
0xa0: {  	[tilespmem:s19], [sflag:$0x1] =	stream.indirect.gather [hbm4b:s1+s30], $0x80, s18, s30, $0xb8;
	[tilespmem:$0x1F880] =	vst v63  }
.LBB2_9:
0xa1: {  	s17 =	sadd.s32 $0x1, s17  }
0xa2: {  	p1 =	sne.s32 s17, $0x64  }
.Ltmp4:
0xa3: {  	_ = 	snop;
	(pc) =	sbr.rel @!p1 .LBB2_10-.Ltmp4, $3  }
0xa4: {  	_ =	sdelay $0x1  }
0xa5: {  	s11 =	sadd.s32 $0x80, s11;
	s13 =	sadd.s32 $0x3400, s13  }
0xa6: {  	s14 =	sadd.s32 $0xAAAB, s14;
	s15 =	sadd.s32 $0x3400, s15;
	s16 =	sadd.s32 $0xAAAB, s16  }
.LBB2_4:
0xa7: {  	s18 =	sand.u32 $0x3, s17;
	p1 =	sgt.u32 s17, $0x5F  }
0xa8: {  	p2 =	sne.s32 @!p1 s18, $0x0  }
0xa9: {  	s19 =	sshrl.u32 s17, $0x2;
	p2 =	por p2, p1  }
0xaa: {  	s20 =	sadd.s32 @!p2 $0x1, s19  }
0xab: {  	s21 =	smul.u32 @!p2 $0xAAAB, s20;
	_ =	sdelay $0x1  }
0xac: {  	s21 =	sshrl.u32 @!p2 s21, $0x11  }
0xad: {  	s21 =	smul.u32 @!p2 $0xFFFFD, s21  }
0xae: {  	s22 =	sshll.u32 @!p2 s20, $0x9  }
0xaf: {  	s24 =	smul.u32 $0xAAAB, s19;
	s20 =	sadd.s32 @!p2 s20, s21;
	s21 =	sadd.s32 @!p2 s7, s22  }
0xb0: {  	s23 =	simm.s32 @!p2 $0x0;
	s20 =	sshll.u32 @!p2 s20, $0xC;
	s21 =	sshrl.u32 @!p2 s21, $0x3  }
0xb1: {  	s24 =	sshrl.u32 s24, $0x11;
	s20 =	sshra.s32 @!p2 s20, $0x2;
	s22 =	sadd.s32 @!p2 s5, s21  }
0xb2: {  	[tilespmem:s20], [sflag:$0x3] =	stream.linear.gather @!p2 [hbm4b:s22+s23], $0x200, $0x38;
	[tilespmem:$0x1F880] =	vst v63  }
0xb3: {  	s21 =	sadd.s32 @!p2 s6, s21;
	s20 =	sor.u32 @!p2 $0x200, s20;
	s22 =	smul.u32 $0xFFFFD, s24  }
0xb4: {  	[tilespmem:s20], [sflag:$0x3] =	stream.linear.gather @!p2 [hbm4b:s21+s23], $0x200, $0x38;
	[tilespmem:$0x1F880] =	vst v63  }
0xb5: {  	s23 =	sshrl.u32 s16, $0x11  }
0xb6: {  	s19 =	sadd.s32 s19, s22;
	p2 =	seq.s32 s17, $0x0;
	s20 =	smul.u32 $0xFFFD9000, s23  }
.Ltmp5:
0xb7: {  	s19 =	sshll.u32 s19, $0xC;
	(pc) =	sbr.rel @p2 .LBB2_8-.Ltmp5, $4  }
0xb8: {  	s24 =	sshll.u32 s18, $0x7;
	_ =	swait.ge [sflag:s0], $0x3200;
	s19 =	sshra.s32 s19, $0x2  }
0xb9: {  	[sflag:s0] =	ssyncset.done $0x0;
	s20 =	sshra.s32 s20, $0x2;
	s19 =	sor.u32 s24, s19  }
0xba: {  	[sflag:s0] =	ssyncadd.s32 $0xFFFFCE00;
	s20 =	sadd.s32 s20, s15;
	s19 =	sor.u32 $0x200, s19  }
0xbb: {  	[spmem:s3] =	stream.indirect.scatter.add.f32 [tilespmem:s20], [sflag:$0x2], $0x80, s19, s30, $0xb8;
	[tilespmem:$0x1F880] =	vst v63  }
0xbc: {  	p2 =	sne.s32 @!p1 s18, $0x2  }
0xbd: {  	p1 =	por p1, p2  }
.Ltmp6:
0xbe: {  	_ = 	snop;
	(pc) =	sbr.rel @!p1 .LBB2_6-.Ltmp6, $4  }
0xbf: {  	_ = 	snop  }
0xc0: {  	_ =	swait.ge [sflag:s2], $0x3200  }
0xc1: {  	[sflag:s2] =	ssyncset.done $0x0  }
0xc2: {  	[sflag:s2] =	ssyncadd.s32 $0xFFFFCE00  }
0xc3: {  	p1 =	sgt.u32 s17, $0x61  }
.Ltmp7:
0xc4: {  	_ = 	snop;
	(pc) =	sbr.rel @p1 .LBB2_9-.Ltmp7, $4  }
.Ltmp8:
0xc5: {  	_ = 	snop;
	(pc) =	sbr.rel @!p1 .LBB2_8-.Ltmp8, $4  }
0xc6: {  	_ = 	snop  }
0xc7: {  	_ = 	snop  }
0xc8: {  	_ = 	snop  }
0xc9: {  	_ = 	snop  }
.LBB2_11:
0xca: {  	_ =	sfence.sel $0x180000  }
0xcb: {  	[bflag:$0x0] =	sbarrier.arrive $0xFFFF  }
0xcc: {  	_ =	strace $0x9000004D  }
0xcd: {  	s0 =	stileid.u32;
	[bflag:$0x2] =	sbarrier.arrive $0xFFFF  }
0xce: {  	p0 =	sne.s32 s0, $0x0;
	s0 =	rddreg [dreg:$0x3]  }
0xcf: {  	s0 =	sadd.s32 @!p0 $0x100000, s0  }
0xd0: {  	[sflag:s0] =	ssyncadd.tile.s32 @!p0 $0x1;
	_ =	shalt  }
.Lfunc_end2:
_tile_overlayer_lowered:
.L_overlay_start_2:
0xd1: {  	(tag) =	ssettag $0x2  }
0xd2: {  	s0 =	rddreg [dreg:$0x0];
	s2 =	stileid.u32  }
0xd3: {  	s1 =	rddreg [dreg:$0x1];
	p0 =	sne.s32 s2, $0x0  }
0xd4: {  	s3 =	rddreg [dreg:$0x2];
	[bflag:$0x3] =	sbarrier.arrive $0xFFFF;
	s2 =	simm.s32 @!p0 $0x1C05  }
0xd5: {  	[timem:s3], [sflag:s2] =	dma.local @!p0 [hbm:s0], s1  }
0xd6: {  	s0 =	simm.s32 @!p0 $0x5  }
0xd7: {  	_ =	swait.ge @!p0 [sflag:s0], s1  }
0xd8: {  	s1 =	ssub.s32 @!p0 $0x0, s1;
	[sflag:s0] =	ssyncset.done @!p0 $0x0  }
0xd9: {  	[sflag:s0] =	ssyncadd.s32 @!p0 s1  }
0xda: {  	[bflag:$0x3] =	sbarrier.arrive $0xFFFF  }
0xdb: {  	_ =	shalt  }

// kernel: kernel.19.cloned.1.call-start
scs
__scs_entry_jumppad:
0x0: {  	(pc) =	sbr.rel $0x88, $3  }
0x1: {  	(tag) =	ssettag $0x0;
	lr =	simm.s32 $0x1  }
0x2: {  	[smem:$0x3F94] =	sst lr;
	_ =	strace $0xD0000000  }
0x3: {  	_ = 	snop  }
0x4: {  	_ = 	snop  }
0x5: {  	_ = 	snop  }
0x6: {  	_ = 	snop  }
0x7: {  	_ = 	snop  }
__scs_overlays_trampoline_lowered:
0x8: {  	[smem:$0x3FA3] =	sst s0  }
0x9: {  	[smem:$0x3FA4] =	sst s1  }
0xa: {  	[smem:$0x3FA5] =	sst s2  }
0xb: {  	[smem:$0x3FA6] =	sst s3  }
0xc: {  	[smem:$0x3FA7] =	sst s4  }
0xd: {  	[smem:$0x3FA8] =	sst s5  }
0xe: {  	[smem:$0x3FA9] =	sst s6  }
0xf: {  	[smem:$0x3FAA] =	sst s7  }
0x10: {  	[smem:$0x3FAB] =	sst s8  }
0x11: {  	[smem:$0x3FAC] =	sst s9;
	s0 =	simm.s32 @!p0 $0x0  }
0x12: {  	s1 =	sld [smem:$0x3F92];
	s0 =	simm.s32 @p0 $0x1  }
0x13: {  	[smem:$0x3FAD] =	sst s0;
	s0 =	simm.s32 @!p1 $0x0  }
0x14: {  	s2 =	sld [smem:$0x3F91];
	s0 =	simm.s32 @p1 $0x1  }
0x15: {  	[smem:$0x3FAE] =	sst s0;
	s0 =	simm.s32 @!p2 $0x0  }
0x16: {  	s3 =	sld [smem:$0x3FDB];
	s0 =	simm.s32 @p2 $0x1  }
0x17: {  	s4 =	simm.s32 $0x1BF5;
	[smem:$0x3FB0] =	sst s0  }
0x18: {  	s0 =	sld [smem:$0x3F93];
	_ =	swait.ge [sflag:s4], $0x0  }
0x19: {  	s7 =	sld [smem:$0x3F94]  }
0x1a: {  	s8 =	sadd.s32 $0xFFFFE003, lr  }
0x1b: {  	s9 =	sadd.s32 $0xFFFFFEF7, lr;
	s5 =	simm.s32 $0xFFFFFFFF;
	p2 =	slt.u32 s8, $0xFFFFF086  }
0x1c: {  	p1 =	slt.u32 s9, $0xF7A;
	s5 =	simm.s32 @!p2 $0x0  }
0x1d: {  	s5 =	simm.s32 @p1 $0x1;
	p0 =	seq.s32 s7, s2  }
0x1e: {  	s7 =	smul.u32 @!p0 $0xF7A, s2;
	p2 =	seq.s32 @!p0 s5, $0x0  }
0x1f: {  	s9 =	smul.u32 $0xF7A, s1;
	s8 =	simm.s32 @!p0 $0x1BF5;
	p2 =	por !p2, p0  }
0x20: {  	[sflag:s8] =	ssyncset.s32 @!p0 $0xFFFFF086;
	s6 =	sadd.s32 @!p0 s3, s7;
	s7 =	simm.s32 @!p0 $0x108  }
0x21: {  	s3 =	sadd.s32 s3, s9;
	s6 =	sadd.s32 @!p0 $0x88, s6;
	s7 =	simm.s32 @p2 $0x1082  }
0x22: {  	[simem:s7], [sflag:s8] =	dma.local @!p0 [hbm:s6], $0xF7A  }
0x23: {  	s9 =	sor.u32 $0xD0000000, s2;
	s6 =	simm.s32 $0x108;
	_ =	swait.ge @!p0 [sflag:s8], $0x0  }
0x24: {  	s3 =	sadd.s32 $0x88, s3;
	s6 =	simm.s32 @!p1 $0x1082;
	[sflag:s4] =	ssyncset.s32 $0xFFFFF086  }
0x25: {  	[simem:s6], [sflag:s4] =	dma.local [hbm:s3], $0xF7A  }
0x26: {  	[smem:$0x3F94] =	sst s1;
	(tag) =	ssettag s2;
	_ =	strace s9  }
0x27: {  	s1 =	sld [smem:$0x3FA4]  }
0x28: {  	s2 =	sld [smem:$0x3FA5]  }
0x29: {  	s4 =	sld [smem:$0x3FA7]  }
0x2a: {  	p0 =	seq.s32 s5, $0x0;
	s5 =	sld [smem:$0x3FA8]  }
0x2b: {  	s6 =	sld [smem:$0x3FA9]  }
0x2c: {  	s7 =	sld [smem:$0x3FAA]  }
0x2d: {  	s3 =	simm.s32 $0x108;
	s8 =	sld [smem:$0x3FAB]  }
0x2e: {  	s3 =	simm.s32 @!p0 $0x1082;
	s9 =	sld [smem:$0x3FAC]  }
0x2f: {  	lr =	sadd.s32 s0, s3;
	s0 =	sld [smem:$0x3FA3]  }
0x30: {  	s3 =	sld [smem:$0x3FA6]  }
0x31: {  	[smem:$0x3FAF] =	sst s10  }
0x32: {  	s10 =	sld [smem:$0x3FAD];
	_ =	sdelay $0x3  }
0x33: {  	p0 =	seq.s32 s10, $0x1;
	s10 =	sld [smem:$0x3FAF];
	_ =	sdelay $0x3  }
0x34: {  	[smem:$0x3FAF] =	sst s10  }
0x35: {  	s10 =	sld [smem:$0x3FAE];
	_ =	sdelay $0x3  }
0x36: {  	p1 =	seq.s32 s10, $0x1;
	s10 =	sld [smem:$0x3FAF];
	_ =	sdelay $0x3  }
0x37: {  	[smem:$0x3FAF] =	sst s10  }
0x38: {  	s10 =	sld [smem:$0x3FB0]  }
0x39: {  	_ = 	snop;
	(pc) =	sbr.ind lr, $3  }
0x3a: {  	_ = 	snop  }
0x3b: {  	_ = 	snop  }
0x3c: {  	p2 =	seq.s32 s10, $0x1;
	s10 =	sld [smem:$0x3FAF]  }
0x3d: {  	_ =	shalt  }
0x3e: {  	_ =	shalt  }
0x3f: {  	_ =	shalt  }
0x40: {  	_ =	shalt  }
0x41: {  	_ =	shalt  }
0x42: {  	_ =	shalt  }
0x43: {  	_ =	shalt  }
0x44: {  	_ =	shalt  }
0x45: {  	_ =	shalt  }
0x46: {  	_ =	shalt  }
0x47: {  	_ =	shalt  }
0x48: {  	_ =	shalt  }
0x49: {  	_ =	shalt  }
0x4a: {  	_ =	shalt  }
0x4b: {  	_ =	shalt  }
0x4c: {  	_ =	shalt  }
0x4d: {  	_ =	shalt  }
0x4e: {  	_ =	shalt  }
0x4f: {  	_ =	shalt  }
0x50: {  	_ =	shalt  }
0x51: {  	_ =	shalt  }
0x52: {  	_ =	shalt  }
0x53: {  	_ =	shalt  }
0x54: {  	_ =	shalt  }
0x55: {  	_ =	shalt  }
0x56: {  	_ =	shalt  }
0x57: {  	_ =	shalt  }
0x58: {  	_ =	shalt  }
0x59: {  	_ =	shalt  }
0x5a: {  	_ =	shalt  }
0x5b: {  	_ =	shalt  }
0x5c: {  	_ =	shalt  }
0x5d: {  	_ =	shalt  }
0x5e: {  	_ =	shalt  }
0x5f: {  	_ =	shalt  }
0x60: {  	_ =	shalt  }
0x61: {  	_ =	shalt  }
0x62: {  	_ =	shalt  }
0x63: {  	_ =	shalt  }
0x64: {  	_ =	shalt  }
0x65: {  	_ =	shalt  }
0x66: {  	_ =	shalt  }
0x67: {  	_ =	shalt  }
0x68: {  	_ =	shalt  }
0x69: {  	_ =	shalt  }
0x6a: {  	_ =	shalt  }
0x6b: {  	_ =	shalt  }
0x6c: {  	_ =	shalt  }
0x6d: {  	_ =	shalt  }
0x6e: {  	_ =	shalt  }
0x6f: {  	_ =	shalt  }
0x70: {  	_ =	shalt  }
0x71: {  	_ =	shalt  }
0x72: {  	_ =	shalt  }
0x73: {  	_ =	shalt  }
0x74: {  	_ =	shalt  }
0x75: {  	_ =	shalt  }
0x76: {  	_ =	shalt  }
0x77: {  	_ =	shalt  }
0x78: {  	_ =	shalt  }
0x79: {  	_ =	shalt  }
0x7a: {  	_ =	shalt  }
0x7b: {  	_ =	shalt  }
0x7c: {  	_ =	shalt  }
0x7d: {  	_ =	shalt  }
0x7e: {  	_ =	shalt  }
0x7f: {  	_ =	shalt  }
0x80: {  	_ =	shalt  }
0x81: {  	_ =	shalt  }
0x82: {  	_ =	shalt  }
0x83: {  	_ =	shalt  }
0x84: {  	_ =	shalt  }
0x85: {  	_ =	shalt  }
0x86: {  	_ =	shalt  }
0x87: {  	_ =	shalt  }
.Lfunc_end0:
.L_simem_size_0:
called_computation.3_lowered:
.L_overlay_start_0:
0x88: {  	s2 =	sld [smem:$0x3FD9]  }
0x89: {  	s3 =	sld [smem:$0x3FFE];
	_ =	sdelay $0x1  }
0x8a: {  	s1 =	srdreg.scid  }
0x8b: {  	s0 =	sand.u32 $0x1, s1  }
0x8c: {  	s14 =	sshll.u32 s0, $0xA;
	s2 =	sadd.s32 s3, s2  }
0x8d: {  	s2 =	sadd.s32 s2, s14  }
0x8e: {  	[smem:$0x3FBB] =	sst s2  }
0x8f: {  	_ = 	snop  }
0x90: {  	s2 =	sld [smem:$0x3FD0];
	_ =	sdelay $0x2  }
0x91: {  	s15 =	simm.s32 $0xA;
	s4 =	simm.s32 $0x10  }
0x92: {  	[smem:s4], [sflag:s15] =	dma.local [hbm:s2], $0x1  }
0x93: {  	_ =	swait.eq [sflag:s15], $0x1  }
0x94: {  	[sflag:s15] =	ssyncset.done $0x0  }
0x95: {  	[sflag:s15] =	ssyncadd.s32 $0xFFFFFFFF  }
0x96: {  	s16 =	sld [smem:$0x12];
	(tm) =	ssettm $0x1  }
0x97: {  	s17 =	sld [smem:$0x3FFB];
	_ =	sdelay $0x3  }
0x98: {  	_ =	strace s17  }
0x99: {  	s3 =	sld [smem:$0x3FFC];
	_ =	sdelay $0x3  }
0x9a: {  	_ =	strace s3  }
0x9b: {  	s3 =	sld [smem:$0x3FFD];
	_ =	sdelay $0x3  }
0x9c: {  	_ =	strace s3  }
0x9d: {  	_ =	strace $0x8FFFFFFF  }
0x9e: {  	s18 =	sld [smem:$0x3FDB];
	_ =	sdelay $0x1  }
0x9f: {  	s19 =	simm.s32 $_scs_section_size  }
0xa0: {  	s5 =	simm.s32 $_size__tile_overlayer_lowered;
	s6 =	simm.s32 $_tile_overlayer_lowered  }
0xa1: {  	s22 =	simm.s32 $0x1BFF;
	s21 =	sshll.u32 s6, $0x1;
	s3 =	sadd.s32 s19, s18  }
0xa2: {  	s7 =	simm.s32 $0x0;
	s20 =	sshll.u32 s5, $0x1;
	s5 =	sadd.s32 s21, s3  }
0xa3: {  	[timem:s7], [sflag:s22] =	dma.local [hbm:s5], s20  }
0xa4: {  	_ =	swait.ge [sflag:s22], s20  }
0xa5: {  	s4 =	ssub.s32 $0x0, s20;
	[sflag:s22] =	ssyncset.done $0x0  }
0xa6: {  	[sflag:s22] =	ssyncadd.s32 s4;
	_ =	sdelay $0x1  }
0xa7: {  	s23 =	simm.s32 $0x1B8B  }
0xa8: {  	_ =	swait.ge [sflag:s23], $0x1  }
0xa9: {  	[sflag:s23] =	ssyncset.done $0x0  }
0xaa: {  	s25 =	simm.s32 $0x1B8E;
	s24 =	sld [smem:$0x3FFE];
	[sflag:s23] =	ssyncadd.s32 $0xFFFFFFFF  }
0xab: {  	s26 =	simm.s32 $execute0_lowered;
	[smem:$0x3FD2] =	sst s25  }
0xac: {  	s5 =	sshll.u32 s26, $0x1;
	_ =	strace $0x8000004F;
	[dreg:$0x1] =	wrdreg $0xFFFFFFFF  }
0xad: {  	s28 =	simm.s32 $_size_execute0_lowered;
	s3 =	sadd.s32 s3, s5;
	[dreg:$0x0] =	wrdreg $0x0  }
0xae: {  	s5 =	sshll.u32 s28, $0x1;
	[dreg:$0x2] =	wrdreg s3  }
0xaf: {  	[dreg:$0x3] =	wrdreg s5  }
0xb0: {  	[dreg:$0x4] =	wrdreg $0xC0  }
0xb1: {  	_ =	task [dreg:s7], $0x5FFFF  }
0xb2: {  	[dreg:$0x1] =	wrdreg $0xFFFFFFFF  }
0xb3: {  	[dreg:$0x0] =	wrdreg $0x60  }
0xb4: {  	[dreg:$0x2] =	wrdreg s16  }
0xb5: {  	[dreg:$0x3] =	wrdreg s24  }
0xb6: {  	[dreg:$0x4] =	wrdreg $0xC0000  }
0xb7: {  	[dreg:$0x5] =	wrdreg $0x9  }
0xb8: {  	_ =	task.clear_ibuf [dreg:s7], $0x6FFFF;
	_ =	strace $0x9000004F  }
0xb9: {  	s29 =	simm.s32 $0x9;
	_ =	strace $0x80000051  }
0xba: {  	_ =	swait.ge [sflag:s29], $0x1  }
0xbb: {  	[sflag:s29] =	ssyncadd.s32 $0xFFFFFFFF  }
0xbc: {  	_ =	strace $0x90000051  }
0xbd: {  	_ =	sfence  }
0xbe: {  	s30 =	sld [smem:$0x0];
	_ =	sdelay $0x2  }
0xbf: {  	s31 =	sshll.u32 s1, $0xD;
	s1 =	sshrl.u32 s1, $0x2  }
0xc0: {  	s3 =	sand.u32 $0x4000, s31;
	s1 =	sadd.s32 s1, s30  }
0xc1: {  	s0 =	sor.u32 s3, s0;
	s1 =	sshll.u32 s1, $0x11  }
0xc2: {  	s0 =	sor.u32 s1, s0  }
0xc3: {  	s0 =	sadd.s32 $0x8F2B, s0  }
0xc4: {  	[sflag:s0] =	ssyncadd.remote.s32 $0x1  }
0xc5: {  	_ =	sfence.sel $0xFFFF  }
0xc6: {  	[dreg:$0x0] =	wrdreg $0xFFFFFFFF;
	(pc) =	sbr.abs _section_cstart, $3  }
0xc7: {  	[dreg:$0x1] =	wrdreg $0xFFFFFFFF  }
0xc8: {  	_ =	task.clear_ibuf [dreg:s7], $0x2FFFF;
	_ =	strace $0x9FFFFFFF  }
0xc9: {  	(tm) =	ssettm $0x7FFFFFFF  }
tec
execute0_lowered:
.L_overlay_start_1:
0x0: {  	(tag) =	ssettag $0x1  }
0x1: {  	s1 =	rddreg [dreg:$0x0]  }
0x2: {  	s0 =	rddreg [dreg:$0x1]  }
0x3: {  	s3 =	rddreg [dreg:$0x2];
	s4 =	simm.s32 $0x0;
	s2 =	srdreg.scid  }
0x4: {  	s13 =	stileid.u32;
	s28 =	simm.s32 $0x5;
	s30 =	simm.s32 $0x64  }
0x5: {  	[smem:$0x7FF] =	sst s4;
	s2 =	sand.u32 $0x1, s2;
	s11 =	smul.u32 $0x13800, s13  }
0x6: {  	s5 =	sshll.u32 s13, $0x1;
	s6 =	sadd.s32 $0xDA00, s0;
	s15 =	smul.u32 $0x4E000, s13  }
0x7: {  	s7 =	sor.u32 s2, s5;
	s8 =	ssub.s32 $0x2, s2;
	s2 =	smul.u32 $0x138800, s2  }
0x8: {  	_ =	strace $0x80000050;
	s7 =	smul.u32 $0x3200, s7;
	s9 =	sshrl.u32 s8, $0x1  }
0x9: {  	s5 =	sadd.s32 $0x1A200, s0;
	s0 =	sadd.s32 $0x26A00, s0;
	s8 =	ssub.s32 s8, s9  }
0xa: {  	s11 =	sadd.s32 s11, s2;
	s10 =	sshrl.u32 s7, $0x3;
	s16 =	smax.u32 s8, $0x1  }
0xb: {  	s9 =	sshrl.u32 s15, $0x2;
	s14 =	sadd.s32 s5, s10;
	[dreg:$0x8] =	wrdreg s16  }
0xc: {  	s11 =	sshrl.u32 s11, $0x3;
	s10 =	sadd.s32 s6, s10;
	[dreg:$0x4] =	wrdreg s14  }
0xd: {  	s12 =	sadd.s32 s9, s3;
	s11 =	sadd.s32 s0, s11;
	[dreg:$0x5] =	wrdreg s10  }
0xe: {  	s29 =	simm.s32 $0xA800;
	s17 =	sadd.s32 $0x1800, s12;
	[dreg:$0x6] =	wrdreg s11  }
0xf: {  	s31 =	simm.s32 $0x4;
	s18 =	sadd.s32 $0x3000, s12;
	[dreg:$0x9] =	wrdreg s17  }
0x10: {  	p0 =	sne.s32 s13, $0xF;
	s19 =	sadd.s32 $0x4800, s12;
	[dreg:$0xa] =	wrdreg s18  }
0x11: {  	s2 =	sshrl.u32 s2, $0x3;
	s20 =	sadd.s32 $0x6000, s12;
	[dreg:$0xb] =	wrdreg s19  }
0x12: {  	s8 =	simm.s32 $0x3;
	s21 =	sadd.s32 $0x7800, s12;
	[dreg:$0xc] =	wrdreg s20  }
0x13: {  	s9 =	simm.s32 $0x0;
	s22 =	sadd.s32 $0x9000, s12;
	[dreg:$0xd] =	wrdreg s21  }
0x14: {  	s0 =	sadd.s32 s0, s2;
	s23 =	sadd.s32 $0xA800, s12;
	[dreg:$0xe] =	wrdreg s22  }
.Ltmp0:
0x15: {  	s24 =	sadd.s32 $0xC000, s12;
	[dreg:$0xf] =	wrdreg s23;
	(pc) =	sbr.rel .LBB2_1-.Ltmp0, $4  }
0x16: {  	s25 =	sadd.s32 $0xD800, s12;
	s26 =	sadd.s32 $0xF000, s12;
	[dreg:$0x10] =	wrdreg s24  }
0x17: {  	s2 =	simm.s32 $0x2;
	s10 =	sadd.s32 $0x138000, s3;
	[dreg:$0x11] =	wrdreg s25  }
0x18: {  	s0 =	sadd.s32 $0x27000, s0;
	[dreg:$0x12] =	wrdreg s26;
	s25 =	sadd.s32 $0x10800, s12  }
0x19: {  	v0 =	vimm.f32 $0.0e+00;
	s26 =	sadd.s32 $0x12000, s12;
	[dreg:$0x7] =	wrdreg s0;
	s0 =	simm.s32 $0x1  }
.LBB2_10:
0x1a: {  	_ =	swait.ge [sflag:s2], $0x3200  }
0x1b: {  	[sflag:s2] =	ssyncset.done $0x0  }
0x1c: {  	s11 =	stileid.u32;
	[sflag:s2] =	ssyncadd.s32 $0xFFFFCE00  }
0x1d: {  	s11 =	sshll.u32 s11, $0x6;
	[bflag:$0x0] =	sbarrier.arrive $0xFFFF  }
0x1e: {  	s13 =	sshrl.u32 s12, $0x3;
	s11 =	sor.u32 $0x1C05, s11;
	s14 =	rddreg [dreg:$0x6]  }
0x1f: {  	[hbm:s14], [sflag:s11] =	dma.local [spmem:s13], $0x2700  }
0x20: {  	_ =	swait.ge [sflag:s28], $0x2700  }
0x21: {  	[sflag:s28] =	ssyncset.done $0x0  }
0x22: {  	s13 =	sshrl.u32 @!p0 s10, $0x3;
	s14 =	rddreg [dreg:$0x7];
	[sflag:s28] =	ssyncadd.s32 $0xFFFFD900  }
0x23: {  	[hbm:s14], [sflag:s11] =	dma.local @!p0 [spmem:s13], $0x100  }
0x24: {  	s11 =	simm.s32 @!p0 $0x5  }
0x25: {  	_ =	swait.ge @!p0 [sflag:s11], $0x100  }
0x26: {  	s9 =	sadd.s32 $0x1, s9;
	s24 =	rddreg [dreg:$0x8]  }
0x27: {  	p1 =	sne.s32 s9, s24  }
.Ltmp1:
0x28: {  	_ = 	snop;
	(pc) =	sbr.rel @!p1 .LBB2_11-.Ltmp1, $3  }
0x29: {  	_ =	sdelay $0x1  }
0x2a: {  	[sflag:s11] =	ssyncset.done @!p0 $0x0  }
0x2b: {  	[sflag:s11] =	ssyncadd.s32 @!p0 $0xFFFFFF00  }
.LBB2_1:
0x2c: {  	s11 =	simm.s32 $0x0;
	s13 =	simm.s32 $0x200  }
.LBB2_2:
0x2d: {  	p1 =	sne.s32 s13, $0x5E00;
	[tilespmem:s11+$0xA870] =	vst v0  }
0x2e: {  	[tilespmem:s11+$0xA800] =	vst v0  }
0x2f: {  	[tilespmem:s11+$0xA810] =	vst v0  }
.Ltmp2:
0x30: {  	[tilespmem:s11+$0xA820] =	vst v0;
	(pc) =	sbr.rel @p1 .LBB2_2-.Ltmp2, $4  }
0x31: {  	[tilespmem:s11+$0xA830] =	vst v0  }
0x32: {  	[tilespmem:s11+$0xA840] =	vst v0  }
0x33: {  	[tilespmem:s11+$0xA850] =	vst v0  }
0x34: {  	[tilespmem:s11+$0xA860] =	vst v0;
	s11 =	sshra.s32 s13, $0x2;
	s13 =	sadd.s32 $0x200, s13  }
0x35: {  	[tilespmem:s11+$0xA870] =	vst v0  }
0x36: {  	[tilespmem:s11+$0xA800] =	vst v0  }
0x37: {  	[tilespmem:s11+$0xA810] =	vst v0  }
0x38: {  	[tilespmem:s11+$0xA820] =	vst v0  }
0x39: {  	[tilespmem:s11+$0xA830] =	vst v0  }
0x3a: {  	[tilespmem:s11+$0xA840] =	vst v0  }
0x3b: {  	[tilespmem:s11+$0xA850] =	vst v0  }
0x3c: {  	[tilespmem:s11+$0xA860] =	vst v0;
	s22 =	rddreg [dreg:$0x4]  }
0x3d: {  	[tilespmem:s4], [sflag:$0x5] =	stream.linear.gather [hbm4b:s22+s4], $0x200, $0x38;
	[tilespmem:$0x1F880] =	vst v63  }
0x3e: {  	_ =	swait.ge [sflag:s28], $0x200  }
0x3f: {  	[sflag:s28] =	ssyncset.done $0x0  }
0x40: {  	s13 =	simm.s32 $0x200;
	s23 =	rddreg [dreg:$0x5];
	[sflag:s28] =	ssyncadd.s32 $0xFFFFFE00  }
0x41: {  	[tilespmem:s13], [sflag:$0x5] =	stream.linear.gather [hbm4b:s23+s4], $0x200, $0x38;
	[tilespmem:$0x1F880] =	vst v63  }
0x42: {  	_ =	swait.ge [sflag:s28], $0x200  }
0x43: {  	[sflag:s28] =	ssyncset.done $0x0  }
0x44: {  	s24 =	simm.s32 $0xC00;
	[sflag:s28] =	ssyncadd.s32 $0xFFFFFE00  }
0x45: {  	[tilespmem:s24], [sflag:$0x1] =	stream.indirect.gather [hbm4b:s1+s30], $0x80, s4, s30, $0xb8;
	[tilespmem:$0x1F880] =	vst v63  }
0x46: {  	s14 =	simm.s32 $0x4000;
	s13 =	simm.s32 $0x80  }
0x47: {  	[tilespmem:s14], [sflag:$0x1] =	stream.indirect.gather [hbm4b:s1+s30], $0x80, s13, s30, $0xb8;
	[tilespmem:$0x1F880] =	vst v63  }
0x48: {  	_ = 	snop  }
0x49: {  	[spmem:s12] =	stream.linear.scatter [tilespmem:s29], [sflag:$0x4], $0x1800, $0x38;
	[tilespmem:$0x1F880] =	vst v63  }
0x4a: {  	s15 =	rddreg [dreg:$0x9]  }
0x4b: {  	[spmem:s15] =	stream.linear.scatter [tilespmem:s29], [sflag:$0x4], $0x1800, $0x38;
	[tilespmem:$0x1F880] =	vst v63  }
0x4c: {  	s16 =	rddreg [dreg:$0xa]  }
0x4d: {  	[spmem:s16] =	stream.linear.scatter [tilespmem:s29], [sflag:$0x4], $0x1800, $0x38;
	[tilespmem:$0x1F880] =	vst v63  }
0x4e: {  	s17 =	rddreg [dreg:$0xb]  }
0x4f: {  	[spmem:s17] =	stream.linear.scatter [tilespmem:s29], [sflag:$0x4], $0x1800, $0x38;
	[tilespmem:$0x1F880] =	vst v63  }
0x50: {  	s18 =	rddreg [dreg:$0xc]  }
0x51: {  	[spmem:s18] =	stream.linear.scatter [tilespmem:s29], [sflag:$0x4], $0x1800, $0x38;
	[tilespmem:$0x1F880] =	vst v63  }
0x52: {  	s19 =	rddreg [dreg:$0xd]  }
0x53: {  	[spmem:s19] =	stream.linear.scatter [tilespmem:s29], [sflag:$0x4], $0x1800, $0x38;
	[tilespmem:$0x1F880] =	vst v63  }
0x54: {  	s20 =	rddreg [dreg:$0xe]  }
0x55: {  	[spmem:s20] =	stream.linear.scatter [tilespmem:s29], [sflag:$0x4], $0x1800, $0x38;
	[tilespmem:$0x1F880] =	vst v63  }
0x56: {  	s21 =	rddreg [dreg:$0xf]  }
0x57: {  	[spmem:s21] =	stream.linear.scatter [tilespmem:s29], [sflag:$0x4], $0x1800, $0x38;
	[tilespmem:$0x1F880] =	vst v63  }
0x58: {  	s22 =	rddreg [dreg:$0x10]  }
0x59: {  	[spmem:s22] =	stream.linear.scatter [tilespmem:s29], [sflag:$0x4], $0x1800, $0x38;
	[tilespmem:$0x1F880] =	vst v63  }
0x5a: {  	s23 =	rddreg [dreg:$0x11]  }
0x5b: {  	[spmem:s23] =	stream.linear.scatter [tilespmem:s29], [sflag:$0x4], $0x1800, $0x38;
	[tilespmem:$0x1F880] =	vst v63  }
0x5c: {  	s24 =	rddreg [dreg:$0x12]  }
0x5d: {  	[spmem:s24] =	stream.linear.scatter [tilespmem:s29], [sflag:$0x4], $0x1800, $0x38;
	[tilespmem:$0x1F880] =	vst v63  }
0x5e: {  	_ = 	snop  }
0x5f: {  	[spmem:s25] =	stream.linear.scatter [tilespmem:s29], [sflag:$0x4], $0x1800, $0x38;
	[tilespmem:$0x1F880] =	vst v63  }
0x60: {  	_ = 	snop  }
0x61: {  	[spmem:s26] =	stream.linear.scatter [tilespmem:s29], [sflag:$0x4], $0x1800, $0x38;
	[tilespmem:$0x1F880] =	vst v63  }
0x62: {  	s11 =	simm.s32 @!p0 $0xA800  }
0x63: {  	[spmem:s10] =	stream.linear.scatter @!p0 [tilespmem:s11], [sflag:$0x4], $0x800, $0x38;
	[tilespmem:$0x1F880] =	vst v63  }
0x64: {  	_ =	swait.ge [sflag:s31], $0x1800  }
0x65: {  	[sflag:s31] =	ssyncset.done $0x0  }
0x66: {  	[sflag:s31] =	ssyncadd.s32 $0xFFFFE800  }
0x67: {  	_ =	swait.ge [sflag:s31], $0x1800  }
0x68: {  	[sflag:s31] =	ssyncset.done $0x0  }
0x69: {  	[sflag:s31] =	ssyncadd.s32 $0xFFFFE800  }
0x6a: {  	_ =	swait.ge [sflag:s31], $0x1800  }
0x6b: {  	[sflag:s31] =	ssyncset.done $0x0  }
0x6c: {  	[sflag:s31] =	ssyncadd.s32 $0xFFFFE800  }
0x6d: {  	_ =	swait.ge [sflag:s31], $0x1800  }
0x6e: {  	[sflag:s31] =	ssyncset.done $0x0  }
0x6f: {  	[sflag:s31] =	ssyncadd.s32 $0xFFFFE800  }
0x70: {  	_ =	swait.ge [sflag:s31], $0x1800  }
0x71: {  	[sflag:s31] =	ssyncset.done $0x0  }
0x72: {  	[sflag:s31] =	ssyncadd.s32 $0xFFFFE800  }
0x73: {  	_ =	swait.ge [sflag:s31], $0x1800  }
0x74: {  	[sflag:s31] =	ssyncset.done $0x0  }
0x75: {  	[sflag:s31] =	ssyncadd.s32 $0xFFFFE800  }
0x76: {  	_ =	swait.ge [sflag:s31], $0x1800  }
0x77: {  	[sflag:s31] =	ssyncset.done $0x0  }
0x78: {  	[sflag:s31] =	ssyncadd.s32 $0xFFFFE800  }
0x79: {  	_ =	swait.ge [sflag:s31], $0x1800  }
0x7a: {  	[sflag:s31] =	ssyncset.done $0x0  }
0x7b: {  	[sflag:s31] =	ssyncadd.s32 $0xFFFFE800  }
0x7c: {  	_ =	swait.ge [sflag:s31], $0x1800  }
0x7d: {  	[sflag:s31] =	ssyncset.done $0x0  }
0x7e: {  	[sflag:s31] =	ssyncadd.s32 $0xFFFFE800  }
0x7f: {  	_ =	swait.ge [sflag:s31], $0x1800  }
0x80: {  	[sflag:s31] =	ssyncset.done $0x0  }
0x81: {  	[sflag:s31] =	ssyncadd.s32 $0xFFFFE800  }
0x82: {  	_ =	swait.ge [sflag:s31], $0x1800  }
0x83: {  	[sflag:s31] =	ssyncset.done $0x0  }
0x84: {  	[sflag:s31] =	ssyncadd.s32 $0xFFFFE800  }
0x85: {  	_ =	swait.ge [sflag:s31], $0x1800  }
0x86: {  	[sflag:s31] =	ssyncset.done $0x0  }
0x87: {  	[sflag:s31] =	ssyncadd.s32 $0xFFFFE800  }
0x88: {  	_ =	swait.ge [sflag:s31], $0x1800  }
0x89: {  	[sflag:s31] =	ssyncset.done $0x0  }
0x8a: {  	s11 =	simm.s32 @!p0 $0x4;
	[sflag:s31] =	ssyncadd.s32 $0xFFFFE800  }
.Ltmp3:
0x8b: {  	_ =	swait.ge @!p0 [sflag:s11], $0x800;
	(pc) =	sbr.rel .LBB2_4-.Ltmp3, $4  }
0x8c: {  	[sflag:s11] =	ssyncset.done @!p0 $0x0  }
0x8d: {  	s13 =	simm.s32 $0x7400;
	[sflag:s11] =	ssyncadd.s32 @!p0 $0xFFFFF800  }
0x8e: {  	s14 =	simm.s32 $0x15556;
	s15 =	simm.s32 $0xC00;
	[bflag:$0x0] =	sbarrier.arrive $0xFFFF  }
0x8f: {  	s16 =	simm.s32 $0x0;
	s17 =	simm.s32 $0x0;
	s11 =	simm.s32 $0x100  }
.LBB2_6:
0x90: {  	_ =	swait.ge [sflag:s8], $0x200  }
0x91: {  	[sflag:s8] =	ssyncset.done $0x0  }
0x92: {  	[sflag:s8] =	ssyncadd.s32 $0xFFFFFE00  }
0x93: {  	_ =	swait.ge [sflag:s8], $0x200  }
0x94: {  	[sflag:s8] =	ssyncset.done $0x0  }
0x95: {  	[sflag:s8] =	ssyncadd.s32 $0xFFFFFE00  }
.LBB2_8:
0x96: {  	s18 =	sadd.s32 $0x2, s17  }
0x97: {  	s18 =	sshrl.u32 s18, $0x2  }
0x98: {  	s19 =	smul.u32 $0xAAAB, s18;
	_ =	sdelay $0x1  }
0x99: {  	s19 =	sshrl.u32 s19, $0x11  }
0x9a: {  	s19 =	smul.u32 $0xFFFFD, s19  }
0x9b: {  	s20 =	sshrl.u32 s14, $0x11  }
0x9c: {  	s20 =	smul.u32 $0xFFFD9000, s20;
	s18 =	sadd.s32 s18, s19  }
0x9d: {  	s18 =	sshll.u32 s18, $0xC  }
0x9e: {  	s24 =	sand.u32 $0x180, s11;
	s23 =	sshra.s32 s20, $0x2;
	s18 =	sshra.s32 s18, $0x2  }
0x9f: {  	s19 =	sadd.s32 s23, s13;
	s18 =	sor.u32 s24, s18  }
0xa0: {  	[tilespmem:s19], [sflag:$0x1] =	stream.indirect.gather [hbm4b:s1+s30], $0x80, s18, s30, $0xb8;
	[tilespmem:$0x1F880] =	vst v63  }
.LBB2_9:
0xa1: {  	s17 =	sadd.s32 $0x1, s17  }
0xa2: {  	p1 =	sne.s32 s17, $0x64  }
.Ltmp4:
0xa3: {  	_ = 	snop;
	(pc) =	sbr.rel @!p1 .LBB2_10-.Ltmp4, $3  }
0xa4: {  	_ =	sdelay $0x1  }
0xa5: {  	s11 =	sadd.s32 $0x80, s11;
	s13 =	sadd.s32 $0x3400, s13  }
0xa6: {  	s14 =	sadd.s32 $0xAAAB, s14;
	s15 =	sadd.s32 $0x3400, s15;
	s16 =	sadd.s32 $0xAAAB, s16  }
.LBB2_4:
0xa7: {  	s18 =	sand.u32 $0x3, s17;
	p1 =	sgt.u32 s17, $0x5F  }
0xa8: {  	p2 =	sne.s32 @!p1 s18, $0x0  }
0xa9: {  	s19 =	sshrl.u32 s17, $0x2;
	p2 =	por p2, p1  }
0xaa: {  	s20 =	sadd.s32 @!p2 $0x1, s19  }
0xab: {  	s21 =	smul.u32 @!p2 $0xAAAB, s20;
	_ =	sdelay $0x1  }
0xac: {  	s21 =	sshrl.u32 @!p2 s21, $0x11  }
0xad: {  	s21 =	smul.u32 @!p2 $0xFFFFD, s21  }
0xae: {  	s22 =	sshll.u32 @!p2 s20, $0x9  }
0xaf: {  	s24 =	smul.u32 $0xAAAB, s19;
	s20 =	sadd.s32 @!p2 s20, s21;
	s21 =	sadd.s32 @!p2 s7, s22  }
0xb0: {  	s23 =	simm.s32 @!p2 $0x0;
	s20 =	sshll.u32 @!p2 s20, $0xC;
	s21 =	sshrl.u32 @!p2 s21, $0x3  }
0xb1: {  	s24 =	sshrl.u32 s24, $0x11;
	s20 =	sshra.s32 @!p2 s20, $0x2;
	s22 =	sadd.s32 @!p2 s5, s21  }
0xb2: {  	[tilespmem:s20], [sflag:$0x3] =	stream.linear.gather @!p2 [hbm4b:s22+s23], $0x200, $0x38;
	[tilespmem:$0x1F880] =	vst v63  }
0xb3: {  	s21 =	sadd.s32 @!p2 s6, s21;
	s20 =	sor.u32 @!p2 $0x200, s20;
	s22 =	smul.u32 $0xFFFFD, s24  }
0xb4: {  	[tilespmem:s20], [sflag:$0x3] =	stream.linear.gather @!p2 [hbm4b:s21+s23], $0x200, $0x38;
	[tilespmem:$0x1F880] =	vst v63  }
0xb5: {  	s23 =	sshrl.u32 s16, $0x11  }
0xb6: {  	s19 =	sadd.s32 s19, s22;
	p2 =	seq.s32 s17, $0x0;
	s20 =	smul.u32 $0xFFFD9000, s23  }
.Ltmp5:
0xb7: {  	s19 =	sshll.u32 s19, $0xC;
	(pc) =	sbr.rel @p2 .LBB2_8-.Ltmp5, $4  }
0xb8: {  	s24 =	sshll.u32 s18, $0x7;
	_ =	swait.ge [sflag:s0], $0x3200;
	s19 =	sshra.s32 s19, $0x2  }
0xb9: {  	[sflag:s0] =	ssyncset.done $0x0;
	s20 =	sshra.s32 s20, $0x2;
	s19 =	sor.u32 s24, s19  }
0xba: {  	[sflag:s0] =	ssyncadd.s32 $0xFFFFCE00;
	s20 =	sadd.s32 s20, s15;
	s19 =	sor.u32 $0x200, s19  }
0xbb: {  	[spmem:s3] =	stream.indirect.scatter.add.f32 [tilespmem:s20], [sflag:$0x2], $0x80, s19, s30, $0xb8;
	[tilespmem:$0x1F880] =	vst v63  }
0xbc: {  	p2 =	sne.s32 @!p1 s18, $0x2  }
0xbd: {  	p1 =	por p1, p2  }
.Ltmp6:
0xbe: {  	_ = 	snop;
	(pc) =	sbr.rel @!p1 .LBB2_6-.Ltmp6, $4  }
0xbf: {  	_ = 	snop  }
0xc0: {  	_ =	swait.ge [sflag:s2], $0x3200  }
0xc1: {  	[sflag:s2] =	ssyncset.done $0x0  }
0xc2: {  	[sflag:s2] =	ssyncadd.s32 $0xFFFFCE00  }
0xc3: {  	p1 =	sgt.u32 s17, $0x61  }
.Ltmp7:
0xc4: {  	_ = 	snop;
	(pc) =	sbr.rel @p1 .LBB2_9-.Ltmp7, $4  }
.Ltmp8:
0xc5: {  	_ = 	snop;
	(pc) =	sbr.rel @!p1 .LBB2_8-.Ltmp8, $4  }
0xc6: {  	_ = 	snop  }
0xc7: {  	_ = 	snop  }
0xc8: {  	_ = 	snop  }
0xc9: {  	_ = 	snop  }
.LBB2_11:
0xca: {  	_ =	sfence.sel $0x180000  }
0xcb: {  	[bflag:$0x0] =	sbarrier.arrive $0xFFFF  }
0xcc: {  	_ =	strace $0x90000050  }
0xcd: {  	s0 =	stileid.u32;
	[bflag:$0x2] =	sbarrier.arrive $0xFFFF  }
0xce: {  	p0 =	sne.s32 s0, $0x0;
	s0 =	rddreg [dreg:$0x3]  }
0xcf: {  	s0 =	sadd.s32 @!p0 $0x100000, s0  }
0xd0: {  	[sflag:s0] =	ssyncadd.tile.s32 @!p0 $0x1;
	_ =	shalt  }
.Lfunc_end2:
_tile_overlayer_lowered:
.L_overlay_start_2:
0xd1: {  	(tag) =	ssettag $0x2  }
0xd2: {  	s0 =	rddreg [dreg:$0x0];
	s2 =	stileid.u32  }
0xd3: {  	s1 =	rddreg [dreg:$0x1];
	p0 =	sne.s32 s2, $0x0  }
0xd4: {  	s3 =	rddreg [dreg:$0x2];
	[bflag:$0x3] =	sbarrier.arrive $0xFFFF;
	s2 =	simm.s32 @!p0 $0x1C05  }
0xd5: {  	[timem:s3], [sflag:s2] =	dma.local @!p0 [hbm:s0], s1  }
0xd6: {  	s0 =	simm.s32 @!p0 $0x5  }
0xd7: {  	_ =	swait.ge @!p0 [sflag:s0], s1  }
0xd8: {  	s1 =	ssub.s32 @!p0 $0x0, s1;
	[sflag:s0] =	ssyncset.done @!p0 $0x0  }
0xd9: {  	[sflag:s0] =	ssyncadd.s32 @!p0 s1  }
0xda: {  	[bflag:$0x3] =	sbarrier.arrive $0xFFFF  }
0xdb: {  	_ =	shalt  }

</sc_bundles>
